<compile_context>
chip_gen: v7x
topology: tpu7x:2x2x1
jax: 0.10.2.dev20260603
libtpu: 0.0.44.dev20260713+nightly
codegen_flags: <defaults>
</compile_context>

<pallas_src>
import functools

import jax
import jax.numpy as jnp
from jax import lax
from jax.experimental import pallas as pl
from jax.experimental.pallas import tpu as pltpu
from jax.experimental.pallas import tpu_sc as plsc

N_NODES = 10000
N_EDGES = 320000
D_IN = 128
F_SIZE = 64
OUT_SIZE = 16
NUM_GRAPHS = 64

NC = 2
NS = 16
NW = NC * NS
CHUNK = 128
CPW = 80
EPO = 256
NBUF = 2
TOT_CH = 1280
NCH0 = 76
NCH1 = 4
NCHMAX = max(NCH0, NCH1)
E_PAD = NW * CPW * CHUNK
NROWS = 10112
ROWS_PER_TILE = NROWS // NS
DEG_W = 16

_MESH = plsc.VectorSubcoreMesh(core_axis_name="c", subcore_axis_name="s")



@functools.partial(
    pl.kernel,
    out_type=jax.ShapeDtypeStruct((NC, NROWS, DEG_W), jnp.float32),
    mesh=_MESH,
    scratch_types=[
        pltpu.VMEM((CPW, CHUNK), jnp.int32),
        pltpu.VMEM((CHUNK, DEG_W), jnp.float32),
        pltpu.VMEM_SHARED((NROWS, DEG_W), jnp.float32),
    ],
    compiler_params=pltpu.CompilerParams(use_tc_tiling_on_sc=False),
)
def _sc_degree(dst_hbm, ones_hbm, zeros_hbm, out_hbm, dst_v, ones_v, acc_sh):
    cid = lax.axis_index("c")
    sid = lax.axis_index("s")
    wid = cid * NS + sid
    pltpu.sync_copy(
        zeros_hbm.at[pl.ds(pl.multiple_of(sid * ROWS_PER_TILE, 8), ROWS_PER_TILE)],
        acc_sh.at[pl.ds(pl.multiple_of(sid * ROWS_PER_TILE, 8), ROWS_PER_TILE)],
    )
    pltpu.sync_copy(ones_hbm, ones_v)
    pltpu.sync_copy(dst_hbm.at[wid], dst_v)
    plsc.subcore_barrier()

    def body(j, carry):
        pltpu.sync_copy(ones_v, acc_sh.at[dst_v.at[j]], add=True)
        return carry

    lax.fori_loop(0, CPW, body, 0)
    plsc.subcore_barrier()
    pltpu.sync_copy(
        acc_sh.at[pl.ds(pl.multiple_of(sid * ROWS_PER_TILE, 8), ROWS_PER_TILE)],
        out_hbm.at[cid, pl.ds(pl.multiple_of(sid * ROWS_PER_TILE, 8), ROWS_PER_TILE)],
    )


@functools.partial(
    pl.kernel,
    out_type=jax.ShapeDtypeStruct((NC, NROWS, F_SIZE), jnp.bfloat16),
    mesh=_MESH,
    scratch_types=[
        pltpu.VMEM((NCHMAX, EPO), jnp.int32),
        pltpu.VMEM((NCHMAX, EPO), jnp.int32),
        [pltpu.VMEM((EPO, F_SIZE), jnp.bfloat16) for _ in range(NBUF)],
        pltpu.VMEM_SHARED((NROWS, F_SIZE), jnp.bfloat16),
        [pltpu.SemaphoreType.DMA for _ in range(NBUF)],
        [pltpu.SemaphoreType.DMA for _ in range(NBUF)],
    ],
    compiler_params=pltpu.CompilerParams(use_tc_tiling_on_sc=False),
)
def _sc_agg(h_hbm, src_hbm, dst_hbm, zeros_hbm, out_hbm,
            src_v, dst_v, rows, acc_sh, gsem, ssem):
    cid = lax.axis_index("c")
    sid = lax.axis_index("s")
    pltpu.sync_copy(
        zeros_hbm.at[pl.ds(pl.multiple_of(sid * ROWS_PER_TILE, 8), ROWS_PER_TILE)],
        acc_sh.at[pl.ds(pl.multiple_of(sid * ROWS_PER_TILE, 8), ROWS_PER_TILE)],
    )

    def run(base, nch):
        pltpu.sync_copy(src_hbm.at[pl.ds(base, nch)], src_v.at[pl.ds(0, nch)])
        pltpu.sync_copy(dst_hbm.at[pl.ds(base, nch)], dst_v.at[pl.ds(0, nch)])
        for b in range(NBUF):
            pltpu.async_copy(h_hbm.at[src_v.at[b]], rows[b], gsem[b])

        def body(i, carry):
            for b in range(NBUF):
                j = NBUF * i + b
                pltpu.make_async_copy(
                    h_hbm.at[src_v.at[j]], rows[b], gsem[b]).wait()
                pltpu.async_copy(rows[b], acc_sh.at[dst_v.at[j]], ssem[b],
                                 add=True)
            for b in range(NBUF):
                j = NBUF * i + b

                @pl.when(j + NBUF < nch)
                def _(b=b, j=j):
                    pltpu.make_async_copy(
                        rows[b], acc_sh.at[dst_v.at[j]], ssem[b]).wait()
                    pltpu.async_copy(h_hbm.at[src_v.at[j + NBUF]], rows[b],
                                     gsem[b])

            return carry

        lax.fori_loop(0, nch // NBUF, body, 0)
        for b in range(NBUF):
            j = nch - NBUF + b
            pltpu.make_async_copy(rows[b], acc_sh.at[dst_v.at[j]],
                                  ssem[b]).wait()

    if NCH0:
        @pl.when(cid == 0)
        def _():
            run(pl.multiple_of(sid * NCH0, 8), NCH0)

    if NCH1:
        @pl.when(cid == 1)
        def _():
            run(pl.multiple_of(NS * NCH0 + sid * NCH1, 8), NCH1)

    plsc.subcore_barrier()
    pltpu.sync_copy(
        acc_sh.at[pl.ds(pl.multiple_of(sid * ROWS_PER_TILE, 8), ROWS_PER_TILE)],
        out_hbm.at[cid, pl.ds(pl.multiple_of(sid * ROWS_PER_TILE, 8), ROWS_PER_TILE)],
    )



def _tc_prologue(deg_ref, x_ref, w1_ref, dinv_ref, h1_ref, h1b_ref):
    deg = deg_ref[0, :, 0:1] + deg_ref[1, :, 0:1] + 1.0
    rows = lax.broadcasted_iota(jnp.int32, (NROWS, 1), 0)
    dinv = jnp.where(rows < N_NODES, lax.rsqrt(deg), 0.0)
    dinv_ref[...] = dinv
    h1 = jnp.dot(x_ref[...], w1_ref[...],
                 preferred_element_type=jnp.float32) * dinv
    h1_ref[...] = h1
    h1b_ref[...] = h1.astype(jnp.bfloat16)


def _tc_layer(agg_ref, h_ref, dinv_ref, b_ref, wn_ref, x_ref, hn_ref, hnb_ref):
    dinv = dinv_ref[...]
    agg = (agg_ref[0].astype(jnp.float32) + agg_ref[1].astype(jnp.float32))
    out = (agg + h_ref[...]) * dinv + b_ref[...]
    x = jnp.maximum(out, 0.0)
    x_ref[...] = x
    hn = jnp.dot(x, wn_ref[...], preferred_element_type=jnp.float32) * dinv
    hn_ref[...] = hn
    hnb_ref[...] = hn.astype(jnp.bfloat16)


def _tc_final(agg_ref, h3_ref, dinv_ref, b3_ref, x1_ref, x2_ref,
              batch_ref, wf_ref, bf_ref, out_ref):
    dinv = dinv_ref[...]
    agg = (agg_ref[0].astype(jnp.float32) + agg_ref[1].astype(jnp.float32))
    x3 = jnp.maximum(agg * dinv + h3_ref[...] * dinv + b3_ref[...], 0.0)
    onehot = (batch_ref[...] ==
              lax.broadcasted_iota(jnp.int32, (NUM_GRAPHS, N_NODES), 0))
    seg = jnp.where(onehot, 1.0, 0.0)
    counts = jnp.sum(seg, axis=1, keepdims=True)
    hcat = jnp.concatenate(
        [x1_ref[:N_NODES], x2_ref[:N_NODES], x3[:N_NODES]], axis=1)
    pooled = jnp.dot(seg, hcat, preferred_element_type=jnp.float32)
    pooled = pooled / jnp.maximum(counts, 1.0)
    logits = jnp.dot(pooled, wf_ref[...],
                     preferred_element_type=jnp.float32) + bf_ref[...]
    m = jnp.max(logits, axis=1, keepdims=True)
    e = jnp.exp(logits - m)
    out_ref[...] = e / jnp.sum(e, axis=1, keepdims=True)


def _tc_call(body, out_shape, *args):
    return pl.pallas_call(body, out_shape=out_shape)(*args)



def kernel(x, edge_index, batch, W1, b1, W2, b2, W3, b3, Wf, bf):
    src = edge_index[0].astype(jnp.int32)
    dst = edge_index[1].astype(jnp.int32)
    pad = jnp.full((E_PAD - N_EDGES,), N_NODES, jnp.int32)
    src_pad = jnp.concatenate([src, pad])
    dst_pad = jnp.concatenate([dst, pad])
    src3d = src_pad.reshape(TOT_CH, EPO)
    dst3d = dst_pad.reshape(TOT_CH, EPO)
    dst2d = dst_pad.reshape(NW, CPW, CHUNK)

    x_pad = jnp.zeros((NROWS, D_IN), jnp.float32).at[:N_NODES].set(x)
    zeros_deg = jnp.zeros((NROWS, DEG_W), jnp.float32)
    zeros_f = jnp.zeros((NROWS, F_SIZE), jnp.bfloat16)
    ones_rows = jnp.ones((CHUNK, DEG_W), jnp.float32)

    deg_parts = _sc_degree(dst2d, ones_rows, zeros_deg)

    f32 = jnp.float32
    dinv, h1, h1b = _tc_call(
        _tc_prologue,
        (jax.ShapeDtypeStruct((NROWS, 1), f32),
         jax.ShapeDtypeStruct((NROWS, F_SIZE), f32),
         jax.ShapeDtypeStruct((NROWS, F_SIZE), jnp.bfloat16)),
        deg_parts, x_pad, W1)

    agg1 = _sc_agg(h1b, src3d, dst3d, zeros_f)
    x1, h2, h2b = _tc_call(
        _tc_layer,
        (jax.ShapeDtypeStruct((NROWS, F_SIZE), f32),
         jax.ShapeDtypeStruct((NROWS, F_SIZE), f32),
         jax.ShapeDtypeStruct((NROWS, F_SIZE), jnp.bfloat16)),
        agg1, h1, dinv, b1.reshape(1, F_SIZE), W2)

    agg2 = _sc_agg(h2b, src3d, dst3d, zeros_f)
    x2, h3, h3b = _tc_call(
        _tc_layer,
        (jax.ShapeDtypeStruct((NROWS, F_SIZE), f32),
         jax.ShapeDtypeStruct((NROWS, F_SIZE), f32),
         jax.ShapeDtypeStruct((NROWS, F_SIZE), jnp.bfloat16)),
        agg2, h2, dinv, b2.reshape(1, F_SIZE), W3)

    agg3 = _sc_agg(h3b, src3d, dst3d, zeros_f)
    out = _tc_call(
        _tc_final,
        jax.ShapeDtypeStruct((NUM_GRAPHS, OUT_SIZE), f32),
        agg3, h3, dinv, b3.reshape(1, F_SIZE), x1, x2,
        batch.astype(jnp.int32).reshape(1, N_NODES), Wf,
        bf.reshape(1, OUT_SIZE))
    return out

# --- scband reference (transcript-rebuilt; emitter-appended) ---
"""Pipeline reference for scband-gcn-23630910063028 (READ-ONLY COPY).

The authoritative reference and input builder live on the scoring server;
editing this copy changes nothing except your own understanding.
"""

import jax, jax.numpy as jnp
import numpy as np

N_NODES = 10000
N_EDGES = 320000
D_IN = 128
F_SIZE = 64
OUT_SIZE = 16
NUM_GRAPHS = 64


def setup_inputs(seed: int = 0) -> dict:
    key = jax.random.key(seed)
    ks = jax.random.split(key, 12)
    x = jax.random.normal(ks[0], (N_NODES, D_IN), dtype=jnp.float32)
    edge_index = jax.random.randint(ks[1], (2, N_EDGES), 0, N_NODES, dtype=jnp.int64 if jax.config.read('jax_enable_x64') else jnp.int32)
    batch = jnp.sort(jax.random.randint(ks[2], (N_NODES,), 0, NUM_GRAPHS))
    def glorot(k, shape):
        lim = np.sqrt(6.0 / (shape[0] + shape[1]))
        return jax.random.uniform(k, shape, dtype=jnp.float32, minval=-lim, maxval=lim)
    W1 = glorot(ks[3], (D_IN, F_SIZE)); b1 = jnp.zeros((F_SIZE,), jnp.float32)
    W2 = glorot(ks[4], (F_SIZE, F_SIZE)); b2 = jnp.zeros((F_SIZE,), jnp.float32)
    W3 = glorot(ks[5], (F_SIZE, F_SIZE)); b3 = jnp.zeros((F_SIZE,), jnp.float32)
    Wf = glorot(ks[6], (3 * F_SIZE, OUT_SIZE)); bf = jnp.zeros((OUT_SIZE,), jnp.float32)
    return {"x": x, "edge_index": edge_index, "batch": batch,
            "W1": W1, "b1": b1, "W2": W2, "b2": b2, "W3": W3, "b3": b3,
            "Wf": Wf, "bf": bf}


def _gcn_conv(x, src, dst, W, b):
    # PyG-style GCNConv: linear transform, then sym-normalized scatter-add aggregation
    n = x.shape[0]
    loop = jnp.arange(n, dtype=src.dtype)
    s = jnp.concatenate([src, loop])
    d = jnp.concatenate([dst, loop])
    deg = jnp.zeros((n,), jnp.float32).at[d].add(1.0)
    dinv = jnp.where(deg > 0, 1.0 / jnp.sqrt(deg), 0.0)
    norm = dinv[s] * dinv[d]
    h = x @ W
    msg = h[s] * norm[:, None]
    out = jnp.zeros((n, W.shape[1]), jnp.float32).at[d].add(msg)
    return out + b


def reference(x, edge_index, batch, W1, b1, W2, b2, W3, b3, Wf, bf):
    src, dst = edge_index[0], edge_index[1]
    x1 = jax.nn.relu(_gcn_conv(x, src, dst, W1, b1))
    x2 = jax.nn.relu(_gcn_conv(x1, src, dst, W2, b2))
    x3 = jax.nn.relu(_gcn_conv(x2, src, dst, W3, b3))
    h = jnp.concatenate([x1, x2, x3], axis=1)
    sums = jax.ops.segment_sum(h, batch, num_segments=NUM_GRAPHS)
    counts = jax.ops.segment_sum(jnp.ones((h.shape[0],), jnp.float32), batch, num_segments=NUM_GRAPHS)
    pooled = sums / jnp.clip(counts, 1.0)[:, None]
    logits = pooled @ Wf + bf
    return jax.nn.softmax(logits, axis=1)

if __name__ == "__main__":
    import jax
    _d = setup_inputs()
    print(jax.jit(kernel)(*tuple(_d.values())))

</pallas_src>

<mosaic_0001>
#map = affine_map<(d0, d1) -> (0, 0, 0)>
#map1 = affine_map<(d0, d1) -> (0, 0)>
module attributes {stable_mosaic.version = 14 : i64} {
  func.func @_sc_degree(%arg0: i32, %arg1: i32, %arg2: memref<32x80x128xi32, #tpu.memory_space<hbm>>, %arg3: memref<128x16xf32, #tpu.memory_space<hbm>>, %arg4: memref<10112x16xf32, #tpu.memory_space<hbm>>, %arg5: memref<2x10112x16xf32, #tpu.memory_space<hbm>>, %arg6: memref<80x128xi32, #tpu.memory_space<vmem>>, %arg7: memref<128x16xf32, #tpu.memory_space<vmem>>, %arg8: memref<10112x16xf32, #tpu.memory_space<vmem_shared>>) attributes {dimension_semantics = [#tpu.dimension_semantics<core_parallel>, #tpu.dimension_semantics<subcore_parallel>], iteration_bounds = array<i64: 2, 16>, scalar_prefetch = 0 : i64, scratch_operands = 3 : i64, tpu.core_type = #tpu.core_type<sc_vector_subcore>, window_params = [{transform_indices = #map}, {transform_indices = #map1}, {transform_indices = #map1}, {transform_indices = #map}]} {
    %mul3A = arith.constant 16 : i32
    %mul3A_0 = arith.muli %arg0, %mul3A : i32
    %add3A = arith.addi %mul3A_0, %arg1 : i32
    %mul3A_1 = arith.constant 632 : i32
    %mul3A_2 = arith.muli %arg1, %mul3A_1 : i32
    %multiple_of3A = tpu.assume_multiple %mul3A_2, 8 : i32
    %mul3A_3 = arith.constant 632 : i32
    %mul3A_4 = arith.muli %arg1, %mul3A_3 : i32
    %multiple_of3A_5 = tpu.assume_multiple %mul3A_4, 8 : i32
    "tpu.region"() ({
      %run_scoped3A = tpu.sem_alloc : memref<!tpu.dma_semaphore, #tpu.memory_space<semaphore_mem>>
      %dma_start3A = arith.constant 0 : i32
      %dma_start3A_18 = tpu.memref_slice %arg8[%multiple_of3A_5, %dma_start3A] : memref<10112x16xf32, #tpu.memory_space<vmem_shared>> -> memref<632x16xf32, #tpu.memory_space<vmem_shared>>
      %dma_start3A_19 = arith.constant 0 : i32
      %dma_start3A_20 = tpu.memref_slice %arg4[%multiple_of3A, %dma_start3A_19] : memref<10112x16xf32, #tpu.memory_space<hbm>> -> memref<632x16xf32, #tpu.memory_space<hbm>>
      tpu.enqueue_dma source(%dma_start3A_20 : memref<632x16xf32, #tpu.memory_space<hbm>>) target(%dma_start3A_18 : memref<632x16xf32, #tpu.memory_space<vmem_shared>>) target_semaphore(%run_scoped3A : memref<!tpu.dma_semaphore, #tpu.memory_space<semaphore_mem>>)
      %dma_wait3A = arith.constant 0 : i32
      %dma_wait3A_21 = tpu.memref_slice %arg8[%multiple_of3A_5, %dma_wait3A] : memref<10112x16xf32, #tpu.memory_space<vmem_shared>> -> memref<632x16xf32, #tpu.memory_space<vmem_shared>>
      %dma_wait3A_22 = arith.constant 0 : i32
      %dma_wait3A_23 = tpu.memref_slice %arg4[%multiple_of3A, %dma_wait3A_22] : memref<10112x16xf32, #tpu.memory_space<hbm>> -> memref<632x16xf32, #tpu.memory_space<hbm>>
      tpu.wait_dma2 semaphore(%run_scoped3A : memref<!tpu.dma_semaphore, #tpu.memory_space<semaphore_mem>>) src(%dma_wait3A_23 : memref<632x16xf32, #tpu.memory_space<hbm>>) dst(%dma_wait3A_21 : memref<632x16xf32, #tpu.memory_space<vmem_shared>>)
      tpu.yield
    }) : () -> ()
    "tpu.region"() ({
      %run_scoped3A = tpu.sem_alloc : memref<!tpu.dma_semaphore, #tpu.memory_space<semaphore_mem>>
      tpu.enqueue_dma source(%arg3 : memref<128x16xf32, #tpu.memory_space<hbm>>) target(%arg7 : memref<128x16xf32, #tpu.memory_space<vmem>>) target_semaphore(%run_scoped3A : memref<!tpu.dma_semaphore, #tpu.memory_space<semaphore_mem>>)
      tpu.wait_dma2 semaphore(%run_scoped3A : memref<!tpu.dma_semaphore, #tpu.memory_space<semaphore_mem>>) src(%arg3 : memref<128x16xf32, #tpu.memory_space<hbm>>) dst(%arg7 : memref<128x16xf32, #tpu.memory_space<vmem>>)
      tpu.yield
    }) : () -> ()
    "tpu.region"() ({
      %run_scoped3A = tpu.sem_alloc : memref<!tpu.dma_semaphore, #tpu.memory_space<semaphore_mem>>
      %dma_start3A = arith.constant 0 : i32
      %dma_start3A_18 = arith.constant 0 : i32
      %dma_start3A_19 = tpu.memref_slice %arg2[%add3A, %dma_start3A, %dma_start3A_18] : memref<32x80x128xi32, #tpu.memory_space<hbm>> -> memref<1x80x128xi32, #tpu.memory_space<hbm>>
      %dma_start3A_20 = tpu.memref_squeeze %dma_start3A_19 : memref<1x80x128xi32, #tpu.memory_space<hbm>> -> memref<80x128xi32, #tpu.memory_space<hbm>>
      %dma_start3A_21 = arith.constant 0 : i32
      %dma_start3A_22 = arith.constant 0 : i32
      %dma_start3A_23 = tpu.memref_slice %arg2[%add3A, %dma_start3A_21, %dma_start3A_22] : memref<32x80x128xi32, #tpu.memory_space<hbm>> -> memref<1x80x128xi32, #tpu.memory_space<hbm>>
      %dma_start3A_24 = tpu.memref_squeeze %dma_start3A_23 : memref<1x80x128xi32, #tpu.memory_space<hbm>> -> memref<80x128xi32, #tpu.memory_space<hbm>>
      tpu.enqueue_dma source(%dma_start3A_24 : memref<80x128xi32, #tpu.memory_space<hbm>>) target(%arg6 : memref<80x128xi32, #tpu.memory_space<vmem>>) target_semaphore(%run_scoped3A : memref<!tpu.dma_semaphore, #tpu.memory_space<semaphore_mem>>)
      %dma_wait3A = arith.constant 0 : i32
      %dma_wait3A_25 = arith.constant 0 : i32
      %dma_wait3A_26 = tpu.memref_slice %arg2[%add3A, %dma_wait3A, %dma_wait3A_25] : memref<32x80x128xi32, #tpu.memory_space<hbm>> -> memref<1x80x128xi32, #tpu.memory_space<hbm>>
      %dma_wait3A_27 = tpu.memref_squeeze %dma_wait3A_26 : memref<1x80x128xi32, #tpu.memory_space<hbm>> -> memref<80x128xi32, #tpu.memory_space<hbm>>
      %dma_wait3A_28 = arith.constant 0 : i32
      %dma_wait3A_29 = arith.constant 0 : i32
      %dma_wait3A_30 = tpu.memref_slice %arg2[%add3A, %dma_wait3A_28, %dma_wait3A_29] : memref<32x80x128xi32, #tpu.memory_space<hbm>> -> memref<1x80x128xi32, #tpu.memory_space<hbm>>
      %dma_wait3A_31 = tpu.memref_squeeze %dma_wait3A_30 : memref<1x80x128xi32, #tpu.memory_space<hbm>> -> memref<80x128xi32, #tpu.memory_space<hbm>>
      tpu.wait_dma2 semaphore(%run_scoped3A : memref<!tpu.dma_semaphore, #tpu.memory_space<semaphore_mem>>) src(%dma_wait3A_31 : memref<80x128xi32, #tpu.memory_space<hbm>>) dst(%arg6 : memref<80x128xi32, #tpu.memory_space<vmem>>)
      tpu.yield
    }) : () -> ()
    %barrier3A = arith.constant 0 : index
    tpu.barrier barrier_id(%barrier3A)
    %scan3A = arith.constant 0 : i32
    %scan3A_6 = arith.constant 0 : i32
    %scan3A_7 = arith.constant 80 : i32
    %scan3A_8 = arith.addi %scan3A_6, %scan3A_7 : i32
    %scan3A_9 = arith.constant 1 : i32
    scf.for %scan3A_18 = %scan3A_6 to %scan3A_8 step %scan3A_9  : i32 {
      "tpu.region"() ({
        %run_scoped3A = tpu.sem_alloc : memref<!tpu.dma_semaphore, #tpu.memory_space<semaphore_mem>>
        %dma_start3A = arith.constant 0 : i32
        %dma_start3A_19 = tpu.memref_slice %arg6[%scan3A_18, %dma_start3A] : memref<80x128xi32, #tpu.memory_space<vmem>> -> memref<1x128xi32, #tpu.memory_space<vmem>>
        %dma_start3A_20 = tpu.memref_squeeze %dma_start3A_19 : memref<1x128xi32, #tpu.memory_space<vmem>> -> memref<128xi32, #tpu.memory_space<vmem>>
        %dma_start3A_21 = arith.constant 0 : i32
        %dma_start3A_22 = arith.constant 0 : i32
        %dma_start3A_23 = tpu.memref_slice %arg8[%dma_start3A_21, %dma_start3A_22] : memref<10112x16xf32, #tpu.memory_space<vmem_shared>> -> memref<10112x16xf32, #tpu.memory_space<vmem_shared>>
        tpu.enqueue_indirect_dma source(%arg7 : memref<128x16xf32, #tpu.memory_space<vmem>>) target(%dma_start3A_23 : memref<10112x16xf32, #tpu.memory_space<vmem_shared>>) offsets(%dma_start3A_20 : memref<128xi32, #tpu.memory_space<vmem>>) semaphore(%run_scoped3A : memref<!tpu.dma_semaphore, #tpu.memory_space<semaphore_mem>>) {add = true}
        %dma_wait3A = arith.constant 0 : i32
        %dma_wait3A_24 = tpu.memref_slice %arg6[%scan3A_18, %dma_wait3A] : memref<80x128xi32, #tpu.memory_space<vmem>> -> memref<1x128xi32, #tpu.memory_space<vmem>>
        %dma_wait3A_25 = tpu.memref_squeeze %dma_wait3A_24 : memref<1x128xi32, #tpu.memory_space<vmem>> -> memref<128xi32, #tpu.memory_space<vmem>>
        %dma_wait3A_26 = arith.constant 0 : i32
        %dma_wait3A_27 = arith.constant 0 : i32
        %dma_wait3A_28 = tpu.memref_slice %arg8[%dma_wait3A_26, %dma_wait3A_27] : memref<10112x16xf32, #tpu.memory_space<vmem_shared>> -> memref<10112x16xf32, #tpu.memory_space<vmem_shared>>
        tpu.wait_indirect_dma semaphore(%run_scoped3A : memref<!tpu.dma_semaphore, #tpu.memory_space<semaphore_mem>>) src(%arg7 : memref<128x16xf32, #tpu.memory_space<vmem>>) dst(%dma_wait3A_28 : memref<10112x16xf32, #tpu.memory_space<vmem_shared>>)
        tpu.yield
      }) : () -> ()
    }
    %scan3A_10 = arith.constant 80 : i32
    %barrier3A_11 = arith.constant 0 : index
    tpu.barrier barrier_id(%barrier3A_11)
    %mul3A_12 = arith.constant 632 : i32
    %mul3A_13 = arith.muli %arg1, %mul3A_12 : i32
    %multiple_of3A_14 = tpu.assume_multiple %mul3A_13, 8 : i32
    %mul3A_15 = arith.constant 632 : i32
    %mul3A_16 = arith.muli %arg1, %mul3A_15 : i32
    %multiple_of3A_17 = tpu.assume_multiple %mul3A_16, 8 : i32
    "tpu.region"() ({
      %run_scoped3A = tpu.sem_alloc : memref<!tpu.dma_semaphore, #tpu.memory_space<semaphore_mem>>
      %dma_start3A = arith.constant 0 : i32
      %dma_start3A_18 = tpu.memref_slice %arg5[%arg0, %multiple_of3A_17, %dma_start3A] : memref<2x10112x16xf32, #tpu.memory_space<hbm>> -> memref<1x632x16xf32, #tpu.memory_space<hbm>>
      %dma_start3A_19 = tpu.memref_squeeze %dma_start3A_18 : memref<1x632x16xf32, #tpu.memory_space<hbm>> -> memref<632x16xf32, #tpu.memory_space<hbm>>
      %dma_start3A_20 = arith.constant 0 : i32
      %dma_start3A_21 = tpu.memref_slice %arg8[%multiple_of3A_14, %dma_start3A_20] : memref<10112x16xf32, #tpu.memory_space<vmem_shared>> -> memref<632x16xf32, #tpu.memory_space<vmem_shared>>
      tpu.enqueue_dma source(%dma_start3A_21 : memref<632x16xf32, #tpu.memory_space<vmem_shared>>) target(%dma_start3A_19 : memref<632x16xf32, #tpu.memory_space<hbm>>) target_semaphore(%run_scoped3A : memref<!tpu.dma_semaphore, #tpu.memory_space<semaphore_mem>>)
      %dma_wait3A = arith.constant 0 : i32
      %dma_wait3A_22 = tpu.memref_slice %arg5[%arg0, %multiple_of3A_17, %dma_wait3A] : memref<2x10112x16xf32, #tpu.memory_space<hbm>> -> memref<1x632x16xf32, #tpu.memory_space<hbm>>
      %dma_wait3A_23 = tpu.memref_squeeze %dma_wait3A_22 : memref<1x632x16xf32, #tpu.memory_space<hbm>> -> memref<632x16xf32, #tpu.memory_space<hbm>>
      %dma_wait3A_24 = arith.constant 0 : i32
      %dma_wait3A_25 = tpu.memref_slice %arg8[%multiple_of3A_14, %dma_wait3A_24] : memref<10112x16xf32, #tpu.memory_space<vmem_shared>> -> memref<632x16xf32, #tpu.memory_space<vmem_shared>>
      tpu.wait_dma2 semaphore(%run_scoped3A : memref<!tpu.dma_semaphore, #tpu.memory_space<semaphore_mem>>) src(%dma_wait3A_25 : memref<632x16xf32, #tpu.memory_space<vmem_shared>>) dst(%dma_wait3A_23 : memref<632x16xf32, #tpu.memory_space<hbm>>)
      tpu.yield
    }) : () -> ()
    return
  }
}

#map = affine_map<(d0, d1) -> (0, 0)>
#map1 = affine_map<(d0, d1) -> (0, 0, 0)>
module attributes {stable_mosaic.version = 14 : i64} {
  func.func @_sc_agg(%arg0: i32, %arg1: i32, %arg2: memref<10112x64xbf16, #tpu.memory_space<hbm>>, %arg3: memref<1280x256xi32, #tpu.memory_space<hbm>>, %arg4: memref<1280x256xi32, #tpu.memory_space<hbm>>, %arg5: memref<10112x64xbf16, #tpu.memory_space<hbm>>, %arg6: memref<2x10112x64xbf16, #tpu.memory_space<hbm>>, %arg7: memref<76x256xi32, #tpu.memory_space<vmem>>, %arg8: memref<76x256xi32, #tpu.memory_space<vmem>>, %arg9: memref<256x64xbf16, #tpu.memory_space<vmem>>, %arg10: memref<256x64xbf16, #tpu.memory_space<vmem>>, %arg11: memref<10112x64xbf16, #tpu.memory_space<vmem_shared>>, %arg12: memref<!tpu.dma_semaphore, #tpu.memory_space<semaphore_mem>>, %arg13: memref<!tpu.dma_semaphore, #tpu.memory_space<semaphore_mem>>, %arg14: memref<!tpu.dma_semaphore, #tpu.memory_space<semaphore_mem>>, %arg15: memref<!tpu.dma_semaphore, #tpu.memory_space<semaphore_mem>>) attributes {dimension_semantics = [#tpu.dimension_semantics<core_parallel>, #tpu.dimension_semantics<subcore_parallel>], iteration_bounds = array<i64: 2, 16>, scalar_prefetch = 0 : i64, scratch_operands = 9 : i64, tpu.core_type = #tpu.core_type<sc_vector_subcore>, window_params = [{transform_indices = #map}, {transform_indices = #map}, {transform_indices = #map}, {transform_indices = #map}, {transform_indices = #map1}]} {
    %mul3A = arith.constant 632 : i32
    %mul3A_0 = arith.muli %arg1, %mul3A : i32
    %multiple_of3A = tpu.assume_multiple %mul3A_0, 8 : i32
    %mul3A_1 = arith.constant 632 : i32
    %mul3A_2 = arith.muli %arg1, %mul3A_1 : i32
    %multiple_of3A_3 = tpu.assume_multiple %mul3A_2, 8 : i32
    "tpu.region"() ({
      %run_scoped3A = tpu.sem_alloc : memref<!tpu.dma_semaphore, #tpu.memory_space<semaphore_mem>>
      %dma_start3A = arith.constant 0 : i32
      %dma_start3A_17 = tpu.memref_slice %arg11[%multiple_of3A_3, %dma_start3A] : memref<10112x64xbf16, #tpu.memory_space<vmem_shared>> -> memref<632x64xbf16, #tpu.memory_space<vmem_shared>>
      %dma_start3A_18 = arith.constant 0 : i32
      %dma_start3A_19 = tpu.memref_slice %arg5[%multiple_of3A, %dma_start3A_18] : memref<10112x64xbf16, #tpu.memory_space<hbm>> -> memref<632x64xbf16, #tpu.memory_space<hbm>>
      tpu.enqueue_dma source(%dma_start3A_19 : memref<632x64xbf16, #tpu.memory_space<hbm>>) target(%dma_start3A_17 : memref<632x64xbf16, #tpu.memory_space<vmem_shared>>) target_semaphore(%run_scoped3A : memref<!tpu.dma_semaphore, #tpu.memory_space<semaphore_mem>>)
      %dma_wait3A = arith.constant 0 : i32
      %dma_wait3A_20 = tpu.memref_slice %arg11[%multiple_of3A_3, %dma_wait3A] : memref<10112x64xbf16, #tpu.memory_space<vmem_shared>> -> memref<632x64xbf16, #tpu.memory_space<vmem_shared>>
      %dma_wait3A_21 = arith.constant 0 : i32
      %dma_wait3A_22 = tpu.memref_slice %arg5[%multiple_of3A, %dma_wait3A_21] : memref<10112x64xbf16, #tpu.memory_space<hbm>> -> memref<632x64xbf16, #tpu.memory_space<hbm>>
      tpu.wait_dma2 semaphore(%run_scoped3A : memref<!tpu.dma_semaphore, #tpu.memory_space<semaphore_mem>>) src(%dma_wait3A_22 : memref<632x64xbf16, #tpu.memory_space<hbm>>) dst(%dma_wait3A_20 : memref<632x64xbf16, #tpu.memory_space<vmem_shared>>)
      tpu.yield
    }) : () -> ()
    %eq3A = arith.constant 0 : i32
    %eq3A_4 = arith.cmpi eq, %arg0, %eq3A : i32
    %convert_element_type3A = arith.extui %eq3A_4 : i1 to i32
    %cond3A = arith.constant 0 : i32
    %cond3A_5 = arith.cmpi ne, %convert_element_type3A, %cond3A : i32
    scf.if %cond3A_5 {
      %mul3A_17 = arith.constant 76 : i32
      %mul3A_18 = arith.muli %arg1, %mul3A_17 : i32
      %multiple_of3A_19 = tpu.assume_multiple %mul3A_18, 8 : i32
      "tpu.region"() ({
        %run_scoped3A = tpu.sem_alloc : memref<!tpu.dma_semaphore, #tpu.memory_space<semaphore_mem>>
        %dma_start3A_51 = arith.constant 0 : i32
        %dma_start3A_52 = arith.constant 0 : i32
        %dma_start3A_53 = tpu.memref_slice %arg7[%dma_start3A_51, %dma_start3A_52] : memref<76x256xi32, #tpu.memory_space<vmem>> -> memref<76x256xi32, #tpu.memory_space<vmem>>
        %dma_start3A_54 = arith.constant 0 : i32
        %dma_start3A_55 = tpu.memref_slice %arg3[%multiple_of3A_19, %dma_start3A_54] : memref<1280x256xi32, #tpu.memory_space<hbm>> -> memref<76x256xi32, #tpu.memory_space<hbm>>
        %dma_start3A_56 = arith.constant 0 : i32
        %dma_start3A_57 = arith.constant 0 : i32
        %dma_start3A_58 = tpu.memref_slice %arg7[%dma_start3A_56, %dma_start3A_57] : memref<76x256xi32, #tpu.memory_space<vmem>> -> memref<76x256xi32, #tpu.memory_space<vmem>>
        %dma_start3A_59 = arith.constant 0 : i32
        %dma_start3A_60 = tpu.memref_slice %arg3[%multiple_of3A_19, %dma_start3A_59] : memref<1280x256xi32, #tpu.memory_space<hbm>> -> memref<76x256xi32, #tpu.memory_space<hbm>>
        tpu.enqueue_dma source(%dma_start3A_60 : memref<76x256xi32, #tpu.memory_space<hbm>>) target(%dma_start3A_58 : memref<76x256xi32, #tpu.memory_space<vmem>>) target_semaphore(%run_scoped3A : memref<!tpu.dma_semaphore, #tpu.memory_space<semaphore_mem>>)
        %dma_wait3A_61 = arith.constant 0 : i32
        %dma_wait3A_62 = arith.constant 0 : i32
        %dma_wait3A_63 = tpu.memref_slice %arg7[%dma_wait3A_61, %dma_wait3A_62] : memref<76x256xi32, #tpu.memory_space<vmem>> -> memref<76x256xi32, #tpu.memory_space<vmem>>
        %dma_wait3A_64 = arith.constant 0 : i32
        %dma_wait3A_65 = tpu.memref_slice %arg3[%multiple_of3A_19, %dma_wait3A_64] : memref<1280x256xi32, #tpu.memory_space<hbm>> -> memref<76x256xi32, #tpu.memory_space<hbm>>
        %dma_wait3A_66 = arith.constant 0 : i32
        %dma_wait3A_67 = arith.constant 0 : i32
        %dma_wait3A_68 = tpu.memref_slice %arg7[%dma_wait3A_66, %dma_wait3A_67] : memref<76x256xi32, #tpu.memory_space<vmem>> -> memref<76x256xi32, #tpu.memory_space<vmem>>
        %dma_wait3A_69 = arith.constant 0 : i32
        %dma_wait3A_70 = tpu.memref_slice %arg3[%multiple_of3A_19, %dma_wait3A_69] : memref<1280x256xi32, #tpu.memory_space<hbm>> -> memref<76x256xi32, #tpu.memory_space<hbm>>
        tpu.wait_dma2 semaphore(%run_scoped3A : memref<!tpu.dma_semaphore, #tpu.memory_space<semaphore_mem>>) src(%dma_wait3A_70 : memref<76x256xi32, #tpu.memory_space<hbm>>) dst(%dma_wait3A_68 : memref<76x256xi32, #tpu.memory_space<vmem>>)
        tpu.yield
      }) : () -> ()
      "tpu.region"() ({
        %run_scoped3A = tpu.sem_alloc : memref<!tpu.dma_semaphore, #tpu.memory_space<semaphore_mem>>
        %dma_start3A_51 = arith.constant 0 : i32
        %dma_start3A_52 = arith.constant 0 : i32
        %dma_start3A_53 = tpu.memref_slice %arg8[%dma_start3A_51, %dma_start3A_52] : memref<76x256xi32, #tpu.memory_space<vmem>> -> memref<76x256xi32, #tpu.memory_space<vmem>>
        %dma_start3A_54 = arith.constant 0 : i32
        %dma_start3A_55 = tpu.memref_slice %arg4[%multiple_of3A_19, %dma_start3A_54] : memref<1280x256xi32, #tpu.memory_space<hbm>> -> memref<76x256xi32, #tpu.memory_space<hbm>>
        %dma_start3A_56 = arith.constant 0 : i32
        %dma_start3A_57 = arith.constant 0 : i32
        %dma_start3A_58 = tpu.memref_slice %arg8[%dma_start3A_56, %dma_start3A_57] : memref<76x256xi32, #tpu.memory_space<vmem>> -> memref<76x256xi32, #tpu.memory_space<vmem>>
        %dma_start3A_59 = arith.constant 0 : i32
        %dma_start3A_60 = tpu.memref_slice %arg4[%multiple_of3A_19, %dma_start3A_59] : memref<1280x256xi32, #tpu.memory_space<hbm>> -> memref<76x256xi32, #tpu.memory_space<hbm>>
        tpu.enqueue_dma source(%dma_start3A_60 : memref<76x256xi32, #tpu.memory_space<hbm>>) target(%dma_start3A_58 : memref<76x256xi32, #tpu.memory_space<vmem>>) target_semaphore(%run_scoped3A : memref<!tpu.dma_semaphore, #tpu.memory_space<semaphore_mem>>)
        %dma_wait3A_61 = arith.constant 0 : i32
        %dma_wait3A_62 = arith.constant 0 : i32
        %dma_wait3A_63 = tpu.memref_slice %arg8[%dma_wait3A_61, %dma_wait3A_62] : memref<76x256xi32, #tpu.memory_space<vmem>> -> memref<76x256xi32, #tpu.memory_space<vmem>>
        %dma_wait3A_64 = arith.constant 0 : i32
        %dma_wait3A_65 = tpu.memref_slice %arg4[%multiple_of3A_19, %dma_wait3A_64] : memref<1280x256xi32, #tpu.memory_space<hbm>> -> memref<76x256xi32, #tpu.memory_space<hbm>>
        %dma_wait3A_66 = arith.constant 0 : i32
        %dma_wait3A_67 = arith.constant 0 : i32
        %dma_wait3A_68 = tpu.memref_slice %arg8[%dma_wait3A_66, %dma_wait3A_67] : memref<76x256xi32, #tpu.memory_space<vmem>> -> memref<76x256xi32, #tpu.memory_space<vmem>>
        %dma_wait3A_69 = arith.constant 0 : i32
        %dma_wait3A_70 = tpu.memref_slice %arg4[%multiple_of3A_19, %dma_wait3A_69] : memref<1280x256xi32, #tpu.memory_space<hbm>> -> memref<76x256xi32, #tpu.memory_space<hbm>>
        tpu.wait_dma2 semaphore(%run_scoped3A : memref<!tpu.dma_semaphore, #tpu.memory_space<semaphore_mem>>) src(%dma_wait3A_70 : memref<76x256xi32, #tpu.memory_space<hbm>>) dst(%dma_wait3A_68 : memref<76x256xi32, #tpu.memory_space<vmem>>)
        tpu.yield
      }) : () -> ()
      %dma_start3A = arith.constant 0 : i32
      %dma_start3A_20 = arith.constant 0 : i32
      %dma_start3A_21 = tpu.memref_slice %arg7[%dma_start3A, %dma_start3A_20] : memref<76x256xi32, #tpu.memory_space<vmem>> -> memref<1x256xi32, #tpu.memory_space<vmem>>
      %dma_start3A_22 = tpu.memref_squeeze %dma_start3A_21 : memref<1x256xi32, #tpu.memory_space<vmem>> -> memref<256xi32, #tpu.memory_space<vmem>>
      %dma_start3A_23 = arith.constant 0 : i32
      %dma_start3A_24 = arith.constant 0 : i32
      %dma_start3A_25 = tpu.memref_slice %arg2[%dma_start3A_23, %dma_start3A_24] : memref<10112x64xbf16, #tpu.memory_space<hbm>> -> memref<10112x64xbf16, #tpu.memory_space<hbm>>
      tpu.enqueue_indirect_dma source(%dma_start3A_25 : memref<10112x64xbf16, #tpu.memory_space<hbm>>) target(%arg9 : memref<256x64xbf16, #tpu.memory_space<vmem>>) offsets(%dma_start3A_22 : memref<256xi32, #tpu.memory_space<vmem>>) semaphore(%arg12 : memref<!tpu.dma_semaphore, #tpu.memory_space<semaphore_mem>>)
      %dma_start3A_26 = arith.constant 1 : i32
      %dma_start3A_27 = arith.constant 0 : i32
      %dma_start3A_28 = tpu.memref_slice %arg7[%dma_start3A_26, %dma_start3A_27] : memref<76x256xi32, #tpu.memory_space<vmem>> -> memref<1x256xi32, #tpu.memory_space<vmem>>
      %dma_start3A_29 = tpu.memref_squeeze %dma_start3A_28 : memref<1x256xi32, #tpu.memory_space<vmem>> -> memref<256xi32, #tpu.memory_space<vmem>>
      %dma_start3A_30 = arith.constant 0 : i32
      %dma_start3A_31 = arith.constant 0 : i32
      %dma_start3A_32 = tpu.memref_slice %arg2[%dma_start3A_30, %dma_start3A_31] : memref<10112x64xbf16, #tpu.memory_space<hbm>> -> memref<10112x64xbf16, #tpu.memory_space<hbm>>
      tpu.enqueue_indirect_dma source(%dma_start3A_32 : memref<10112x64xbf16, #tpu.memory_space<hbm>>) target(%arg10 : memref<256x64xbf16, #tpu.memory_space<vmem>>) offsets(%dma_start3A_29 : memref<256xi32, #tpu.memory_space<vmem>>) semaphore(%arg13 : memref<!tpu.dma_semaphore, #tpu.memory_space<semaphore_mem>>)
      %scan3A = arith.constant 0 : i32
      %scan3A_33 = arith.constant 0 : i32
      %scan3A_34 = arith.constant 38 : i32
      %scan3A_35 = arith.addi %scan3A_33, %scan3A_34 : i32
      %scan3A_36 = arith.constant 1 : i32
      scf.for %scan3A_51 = %scan3A_33 to %scan3A_35 step %scan3A_36  : i32 {
        %mul3A_52 = arith.constant 2 : i32
        %mul3A_53 = arith.muli %mul3A_52, %scan3A_51 : i32
        %add3A = arith.constant 0 : i32
        %add3A_54 = arith.addi %mul3A_53, %add3A : i32
        %dma_wait3A_55 = arith.constant 0 : i32
        %dma_wait3A_56 = tpu.memref_slice %arg7[%add3A_54, %dma_wait3A_55] : memref<76x256xi32, #tpu.memory_space<vmem>> -> memref<1x256xi32, #tpu.memory_space<vmem>>
        %dma_wait3A_57 = tpu.memref_squeeze %dma_wait3A_56 : memref<1x256xi32, #tpu.memory_space<vmem>> -> memref<256xi32, #tpu.memory_space<vmem>>
        %dma_wait3A_58 = arith.constant 0 : i32
        %dma_wait3A_59 = arith.constant 0 : i32
        %dma_wait3A_60 = tpu.memref_slice %arg2[%dma_wait3A_58, %dma_wait3A_59] : memref<10112x64xbf16, #tpu.memory_space<hbm>> -> memref<10112x64xbf16, #tpu.memory_space<hbm>>
        tpu.wait_indirect_dma semaphore(%arg12 : memref<!tpu.dma_semaphore, #tpu.memory_space<semaphore_mem>>) src(%dma_wait3A_60 : memref<10112x64xbf16, #tpu.memory_space<hbm>>) dst(%arg9 : memref<256x64xbf16, #tpu.memory_space<vmem>>)
        %dma_start3A_61 = arith.constant 0 : i32
        %dma_start3A_62 = tpu.memref_slice %arg8[%add3A_54, %dma_start3A_61] : memref<76x256xi32, #tpu.memory_space<vmem>> -> memref<1x256xi32, #tpu.memory_space<vmem>>
        %dma_start3A_63 = tpu.memref_squeeze %dma_start3A_62 : memref<1x256xi32, #tpu.memory_space<vmem>> -> memref<256xi32, #tpu.memory_space<vmem>>
        %dma_start3A_64 = arith.constant 0 : i32
        %dma_start3A_65 = arith.constant 0 : i32
        %dma_start3A_66 = tpu.memref_slice %arg11[%dma_start3A_64, %dma_start3A_65] : memref<10112x64xbf16, #tpu.memory_space<vmem_shared>> -> memref<10112x64xbf16, #tpu.memory_space<vmem_shared>>
        tpu.enqueue_indirect_dma source(%arg9 : memref<256x64xbf16, #tpu.memory_space<vmem>>) target(%dma_start3A_66 : memref<10112x64xbf16, #tpu.memory_space<vmem_shared>>) offsets(%dma_start3A_63 : memref<256xi32, #tpu.memory_space<vmem>>) semaphore(%arg14 : memref<!tpu.dma_semaphore, #tpu.memory_space<semaphore_mem>>) {add = true}
        %mul3A_67 = arith.constant 2 : i32
        %mul3A_68 = arith.muli %mul3A_67, %scan3A_51 : i32
        %add3A_69 = arith.constant 1 : i32
        %add3A_70 = arith.addi %mul3A_68, %add3A_69 : i32
        %dma_wait3A_71 = arith.constant 0 : i32
        %dma_wait3A_72 = tpu.memref_slice %arg7[%add3A_70, %dma_wait3A_71] : memref<76x256xi32, #tpu.memory_space<vmem>> -> memref<1x256xi32, #tpu.memory_space<vmem>>
        %dma_wait3A_73 = tpu.memref_squeeze %dma_wait3A_72 : memref<1x256xi32, #tpu.memory_space<vmem>> -> memref<256xi32, #tpu.memory_space<vmem>>
        %dma_wait3A_74 = arith.constant 0 : i32
        %dma_wait3A_75 = arith.constant 0 : i32
        %dma_wait3A_76 = tpu.memref_slice %arg2[%dma_wait3A_74, %dma_wait3A_75] : memref<10112x64xbf16, #tpu.memory_space<hbm>> -> memref<10112x64xbf16, #tpu.memory_space<hbm>>
        tpu.wait_indirect_dma semaphore(%arg13 : memref<!tpu.dma_semaphore, #tpu.memory_space<semaphore_mem>>) src(%dma_wait3A_76 : memref<10112x64xbf16, #tpu.memory_space<hbm>>) dst(%arg10 : memref<256x64xbf16, #tpu.memory_space<vmem>>)
        %dma_start3A_77 = arith.constant 0 : i32
        %dma_start3A_78 = tpu.memref_slice %arg8[%add3A_70, %dma_start3A_77] : memref<76x256xi32, #tpu.memory_space<vmem>> -> memref<1x256xi32, #tpu.memory_space<vmem>>
        %dma_start3A_79 = tpu.memref_squeeze %dma_start3A_78 : memref<1x256xi32, #tpu.memory_space<vmem>> -> memref<256xi32, #tpu.memory_space<vmem>>
        %dma_start3A_80 = arith.constant 0 : i32
        %dma_start3A_81 = arith.constant 0 : i32
        %dma_start3A_82 = tpu.memref_slice %arg11[%dma_start3A_80, %dma_start3A_81] : memref<10112x64xbf16, #tpu.memory_space<vmem_shared>> -> memref<10112x64xbf16, #tpu.memory_space<vmem_shared>>
        tpu.enqueue_indirect_dma source(%arg10 : memref<256x64xbf16, #tpu.memory_space<vmem>>) target(%dma_start3A_82 : memref<10112x64xbf16, #tpu.memory_space<vmem_shared>>) offsets(%dma_start3A_79 : memref<256xi32, #tpu.memory_space<vmem>>) semaphore(%arg15 : memref<!tpu.dma_semaphore, #tpu.memory_space<semaphore_mem>>) {add = true}
        %mul3A_83 = arith.constant 2 : i32
        %mul3A_84 = arith.muli %mul3A_83, %scan3A_51 : i32
        %add3A_85 = arith.constant 0 : i32
        %add3A_86 = arith.addi %mul3A_84, %add3A_85 : i32
        %add3A_87 = arith.constant 2 : i32
        %add3A_88 = arith.addi %add3A_86, %add3A_87 : i32
        %lt3A = arith.constant 76 : i32
        %lt3A_89 = arith.cmpi slt, %add3A_88, %lt3A : i32
        %convert_element_type3A_90 = arith.extui %lt3A_89 : i1 to i32
        %cond3A_91 = arith.constant 0 : i32
        %cond3A_92 = arith.cmpi ne, %convert_element_type3A_90, %cond3A_91 : i32
        scf.if %cond3A_92 {
          %dma_wait3A_104 = arith.constant 0 : i32
          %dma_wait3A_105 = tpu.memref_slice %arg8[%add3A_86, %dma_wait3A_104] : memref<76x256xi32, #tpu.memory_space<vmem>> -> memref<1x256xi32, #tpu.memory_space<vmem>>
          %dma_wait3A_106 = tpu.memref_squeeze %dma_wait3A_105 : memref<1x256xi32, #tpu.memory_space<vmem>> -> memref<256xi32, #tpu.memory_space<vmem>>
          %dma_wait3A_107 = arith.constant 0 : i32
          %dma_wait3A_108 = arith.constant 0 : i32
          %dma_wait3A_109 = tpu.memref_slice %arg11[%dma_wait3A_107, %dma_wait3A_108] : memref<10112x64xbf16, #tpu.memory_space<vmem_shared>> -> memref<10112x64xbf16, #tpu.memory_space<vmem_shared>>
          tpu.wait_indirect_dma semaphore(%arg14 : memref<!tpu.dma_semaphore, #tpu.memory_space<semaphore_mem>>) src(%arg9 : memref<256x64xbf16, #tpu.memory_space<vmem>>) dst(%dma_wait3A_109 : memref<10112x64xbf16, #tpu.memory_space<vmem_shared>>)
          %add3A_110 = arith.constant 2 : i32
          %add3A_111 = arith.addi %add3A_86, %add3A_110 : i32
          %dma_start3A_112 = arith.constant 0 : i32
          %dma_start3A_113 = tpu.memref_slice %arg7[%add3A_111, %dma_start3A_112] : memref<76x256xi32, #tpu.memory_space<vmem>> -> memref<1x256xi32, #tpu.memory_space<vmem>>
          %dma_start3A_114 = tpu.memref_squeeze %dma_start3A_113 : memref<1x256xi32, #tpu.memory_space<vmem>> -> memref<256xi32, #tpu.memory_space<vmem>>
          %dma_start3A_115 = arith.constant 0 : i32
          %dma_start3A_116 = arith.constant 0 : i32
          %dma_start3A_117 = tpu.memref_slice %arg2[%dma_start3A_115, %dma_start3A_116] : memref<10112x64xbf16, #tpu.memory_space<hbm>> -> memref<10112x64xbf16, #tpu.memory_space<hbm>>
          tpu.enqueue_indirect_dma source(%dma_start3A_117 : memref<10112x64xbf16, #tpu.memory_space<hbm>>) target(%arg9 : memref<256x64xbf16, #tpu.memory_space<vmem>>) offsets(%dma_start3A_114 : memref<256xi32, #tpu.memory_space<vmem>>) semaphore(%arg12 : memref<!tpu.dma_semaphore, #tpu.memory_space<semaphore_mem>>)
        } else {
        }
        %mul3A_93 = arith.constant 2 : i32
        %mul3A_94 = arith.muli %mul3A_93, %scan3A_51 : i32
        %add3A_95 = arith.constant 1 : i32
        %add3A_96 = arith.addi %mul3A_94, %add3A_95 : i32
        %add3A_97 = arith.constant 2 : i32
        %add3A_98 = arith.addi %add3A_96, %add3A_97 : i32
        %lt3A_99 = arith.constant 76 : i32
        %lt3A_100 = arith.cmpi slt, %add3A_98, %lt3A_99 : i32
        %convert_element_type3A_101 = arith.extui %lt3A_100 : i1 to i32
        %cond3A_102 = arith.constant 0 : i32
        %cond3A_103 = arith.cmpi ne, %convert_element_type3A_101, %cond3A_102 : i32
        scf.if %cond3A_103 {
          %dma_wait3A_104 = arith.constant 0 : i32
          %dma_wait3A_105 = tpu.memref_slice %arg8[%add3A_96, %dma_wait3A_104] : memref<76x256xi32, #tpu.memory_space<vmem>> -> memref<1x256xi32, #tpu.memory_space<vmem>>
          %dma_wait3A_106 = tpu.memref_squeeze %dma_wait3A_105 : memref<1x256xi32, #tpu.memory_space<vmem>> -> memref<256xi32, #tpu.memory_space<vmem>>
          %dma_wait3A_107 = arith.constant 0 : i32
          %dma_wait3A_108 = arith.constant 0 : i32
          %dma_wait3A_109 = tpu.memref_slice %arg11[%dma_wait3A_107, %dma_wait3A_108] : memref<10112x64xbf16, #tpu.memory_space<vmem_shared>> -> memref<10112x64xbf16, #tpu.memory_space<vmem_shared>>
          tpu.wait_indirect_dma semaphore(%arg15 : memref<!tpu.dma_semaphore, #tpu.memory_space<semaphore_mem>>) src(%arg10 : memref<256x64xbf16, #tpu.memory_space<vmem>>) dst(%dma_wait3A_109 : memref<10112x64xbf16, #tpu.memory_space<vmem_shared>>)
          %add3A_110 = arith.constant 2 : i32
          %add3A_111 = arith.addi %add3A_96, %add3A_110 : i32
          %dma_start3A_112 = arith.constant 0 : i32
          %dma_start3A_113 = tpu.memref_slice %arg7[%add3A_111, %dma_start3A_112] : memref<76x256xi32, #tpu.memory_space<vmem>> -> memref<1x256xi32, #tpu.memory_space<vmem>>
          %dma_start3A_114 = tpu.memref_squeeze %dma_start3A_113 : memref<1x256xi32, #tpu.memory_space<vmem>> -> memref<256xi32, #tpu.memory_space<vmem>>
          %dma_start3A_115 = arith.constant 0 : i32
          %dma_start3A_116 = arith.constant 0 : i32
          %dma_start3A_117 = tpu.memref_slice %arg2[%dma_start3A_115, %dma_start3A_116] : memref<10112x64xbf16, #tpu.memory_space<hbm>> -> memref<10112x64xbf16, #tpu.memory_space<hbm>>
          tpu.enqueue_indirect_dma source(%dma_start3A_117 : memref<10112x64xbf16, #tpu.memory_space<hbm>>) target(%arg10 : memref<256x64xbf16, #tpu.memory_space<vmem>>) offsets(%dma_start3A_114 : memref<256xi32, #tpu.memory_space<vmem>>) semaphore(%arg13 : memref<!tpu.dma_semaphore, #tpu.memory_space<semaphore_mem>>)
        } else {
        }
      }
      %scan3A_37 = arith.constant 38 : i32
      %dma_wait3A = arith.constant 74 : i32
      %dma_wait3A_38 = arith.constant 0 : i32
      %dma_wait3A_39 = tpu.memref_slice %arg8[%dma_wait3A, %dma_wait3A_38] : memref<76x256xi32, #tpu.memory_space<vmem>> -> memref<1x256xi32, #tpu.memory_space<vmem>>
      %dma_wait3A_40 = tpu.memref_squeeze %dma_wait3A_39 : memref<1x256xi32, #tpu.memory_space<vmem>> -> memref<256xi32, #tpu.memory_space<vmem>>
      %dma_wait3A_41 = arith.constant 0 : i32
      %dma_wait3A_42 = arith.constant 0 : i32
      %dma_wait3A_43 = tpu.memref_slice %arg11[%dma_wait3A_41, %dma_wait3A_42] : memref<10112x64xbf16, #tpu.memory_space<vmem_shared>> -> memref<10112x64xbf16, #tpu.memory_space<vmem_shared>>
      tpu.wait_indirect_dma semaphore(%arg14 : memref<!tpu.dma_semaphore, #tpu.memory_space<semaphore_mem>>) src(%arg9 : memref<256x64xbf16, #tpu.memory_space<vmem>>) dst(%dma_wait3A_43 : memref<10112x64xbf16, #tpu.memory_space<vmem_shared>>)
      %dma_wait3A_44 = arith.constant 75 : i32
      %dma_wait3A_45 = arith.constant 0 : i32
      %dma_wait3A_46 = tpu.memref_slice %arg8[%dma_wait3A_44, %dma_wait3A_45] : memref<76x256xi32, #tpu.memory_space<vmem>> -> memref<1x256xi32, #tpu.memory_space<vmem>>
      %dma_wait3A_47 = tpu.memref_squeeze %dma_wait3A_46 : memref<1x256xi32, #tpu.memory_space<vmem>> -> memref<256xi32, #tpu.memory_space<vmem>>
      %dma_wait3A_48 = arith.constant 0 : i32
      %dma_wait3A_49 = arith.constant 0 : i32
      %dma_wait3A_50 = tpu.memref_slice %arg11[%dma_wait3A_48, %dma_wait3A_49] : memref<10112x64xbf16, #tpu.memory_space<vmem_shared>> -> memref<10112x64xbf16, #tpu.memory_space<vmem_shared>>
      tpu.wait_indirect_dma semaphore(%arg15 : memref<!tpu.dma_semaphore, #tpu.memory_space<semaphore_mem>>) src(%arg10 : memref<256x64xbf16, #tpu.memory_space<vmem>>) dst(%dma_wait3A_50 : memref<10112x64xbf16, #tpu.memory_space<vmem_shared>>)
    } else {
    }
    %eq3A_6 = arith.constant 1 : i32
    %eq3A_7 = arith.cmpi eq, %arg0, %eq3A_6 : i32
    %convert_element_type3A_8 = arith.extui %eq3A_7 : i1 to i32
    %cond3A_9 = arith.constant 0 : i32
    %cond3A_10 = arith.cmpi ne, %convert_element_type3A_8, %cond3A_9 : i32
    scf.if %cond3A_10 {
      %mul3A_17 = arith.constant 4 : i32
      %mul3A_18 = arith.muli %arg1, %mul3A_17 : i32
      %add3A = arith.constant 1216 : i32
      %add3A_19 = arith.addi %add3A, %mul3A_18 : i32
      %multiple_of3A_20 = tpu.assume_multiple %add3A_19, 8 : i32
      "tpu.region"() ({
        %run_scoped3A = tpu.sem_alloc : memref<!tpu.dma_semaphore, #tpu.memory_space<semaphore_mem>>
        %dma_start3A_52 = arith.constant 0 : i32
        %dma_start3A_53 = arith.constant 0 : i32
        %dma_start3A_54 = tpu.memref_slice %arg7[%dma_start3A_52, %dma_start3A_53] : memref<76x256xi32, #tpu.memory_space<vmem>> -> memref<4x256xi32, #tpu.memory_space<vmem>>
        %dma_start3A_55 = arith.constant 0 : i32
        %dma_start3A_56 = tpu.memref_slice %arg3[%multiple_of3A_20, %dma_start3A_55] : memref<1280x256xi32, #tpu.memory_space<hbm>> -> memref<4x256xi32, #tpu.memory_space<hbm>>
        %dma_start3A_57 = arith.constant 0 : i32
        %dma_start3A_58 = arith.constant 0 : i32
        %dma_start3A_59 = tpu.memref_slice %arg7[%dma_start3A_57, %dma_start3A_58] : memref<76x256xi32, #tpu.memory_space<vmem>> -> memref<4x256xi32, #tpu.memory_space<vmem>>
        %dma_start3A_60 = arith.constant 0 : i32
        %dma_start3A_61 = tpu.memref_slice %arg3[%multiple_of3A_20, %dma_start3A_60] : memref<1280x256xi32, #tpu.memory_space<hbm>> -> memref<4x256xi32, #tpu.memory_space<hbm>>
        tpu.enqueue_dma source(%dma_start3A_61 : memref<4x256xi32, #tpu.memory_space<hbm>>) target(%dma_start3A_59 : memref<4x256xi32, #tpu.memory_space<vmem>>) target_semaphore(%run_scoped3A : memref<!tpu.dma_semaphore, #tpu.memory_space<semaphore_mem>>)
        %dma_wait3A_62 = arith.constant 0 : i32
        %dma_wait3A_63 = arith.constant 0 : i32
        %dma_wait3A_64 = tpu.memref_slice %arg7[%dma_wait3A_62, %dma_wait3A_63] : memref<76x256xi32, #tpu.memory_space<vmem>> -> memref<4x256xi32, #tpu.memory_space<vmem>>
        %dma_wait3A_65 = arith.constant 0 : i32
        %dma_wait3A_66 = tpu.memref_slice %arg3[%multiple_of3A_20, %dma_wait3A_65] : memref<1280x256xi32, #tpu.memory_space<hbm>> -> memref<4x256xi32, #tpu.memory_space<hbm>>
        %dma_wait3A_67 = arith.constant 0 : i32
        %dma_wait3A_68 = arith.constant 0 : i32
        %dma_wait3A_69 = tpu.memref_slice %arg7[%dma_wait3A_67, %dma_wait3A_68] : memref<76x256xi32, #tpu.memory_space<vmem>> -> memref<4x256xi32, #tpu.memory_space<vmem>>
        %dma_wait3A_70 = arith.constant 0 : i32
        %dma_wait3A_71 = tpu.memref_slice %arg3[%multiple_of3A_20, %dma_wait3A_70] : memref<1280x256xi32, #tpu.memory_space<hbm>> -> memref<4x256xi32, #tpu.memory_space<hbm>>
        tpu.wait_dma2 semaphore(%run_scoped3A : memref<!tpu.dma_semaphore, #tpu.memory_space<semaphore_mem>>) src(%dma_wait3A_71 : memref<4x256xi32, #tpu.memory_space<hbm>>) dst(%dma_wait3A_69 : memref<4x256xi32, #tpu.memory_space<vmem>>)
        tpu.yield
      }) : () -> ()
      "tpu.region"() ({
        %run_scoped3A = tpu.sem_alloc : memref<!tpu.dma_semaphore, #tpu.memory_space<semaphore_mem>>
        %dma_start3A_52 = arith.constant 0 : i32
        %dma_start3A_53 = arith.constant 0 : i32
        %dma_start3A_54 = tpu.memref_slice %arg8[%dma_start3A_52, %dma_start3A_53] : memref<76x256xi32, #tpu.memory_space<vmem>> -> memref<4x256xi32, #tpu.memory_space<vmem>>
        %dma_start3A_55 = arith.constant 0 : i32
        %dma_start3A_56 = tpu.memref_slice %arg4[%multiple_of3A_20, %dma_start3A_55] : memref<1280x256xi32, #tpu.memory_space<hbm>> -> memref<4x256xi32, #tpu.memory_space<hbm>>
        %dma_start3A_57 = arith.constant 0 : i32
        %dma_start3A_58 = arith.constant 0 : i32
        %dma_start3A_59 = tpu.memref_slice %arg8[%dma_start3A_57, %dma_start3A_58] : memref<76x256xi32, #tpu.memory_space<vmem>> -> memref<4x256xi32, #tpu.memory_space<vmem>>
        %dma_start3A_60 = arith.constant 0 : i32
        %dma_start3A_61 = tpu.memref_slice %arg4[%multiple_of3A_20, %dma_start3A_60] : memref<1280x256xi32, #tpu.memory_space<hbm>> -> memref<4x256xi32, #tpu.memory_space<hbm>>
        tpu.enqueue_dma source(%dma_start3A_61 : memref<4x256xi32, #tpu.memory_space<hbm>>) target(%dma_start3A_59 : memref<4x256xi32, #tpu.memory_space<vmem>>) target_semaphore(%run_scoped3A : memref<!tpu.dma_semaphore, #tpu.memory_space<semaphore_mem>>)
        %dma_wait3A_62 = arith.constant 0 : i32
        %dma_wait3A_63 = arith.constant 0 : i32
        %dma_wait3A_64 = tpu.memref_slice %arg8[%dma_wait3A_62, %dma_wait3A_63] : memref<76x256xi32, #tpu.memory_space<vmem>> -> memref<4x256xi32, #tpu.memory_space<vmem>>
        %dma_wait3A_65 = arith.constant 0 : i32
        %dma_wait3A_66 = tpu.memref_slice %arg4[%multiple_of3A_20, %dma_wait3A_65] : memref<1280x256xi32, #tpu.memory_space<hbm>> -> memref<4x256xi32, #tpu.memory_space<hbm>>
        %dma_wait3A_67 = arith.constant 0 : i32
        %dma_wait3A_68 = arith.constant 0 : i32
        %dma_wait3A_69 = tpu.memref_slice %arg8[%dma_wait3A_67, %dma_wait3A_68] : memref<76x256xi32, #tpu.memory_space<vmem>> -> memref<4x256xi32, #tpu.memory_space<vmem>>
        %dma_wait3A_70 = arith.constant 0 : i32
        %dma_wait3A_71 = tpu.memref_slice %arg4[%multiple_of3A_20, %dma_wait3A_70] : memref<1280x256xi32, #tpu.memory_space<hbm>> -> memref<4x256xi32, #tpu.memory_space<hbm>>
        tpu.wait_dma2 semaphore(%run_scoped3A : memref<!tpu.dma_semaphore, #tpu.memory_space<semaphore_mem>>) src(%dma_wait3A_71 : memref<4x256xi32, #tpu.memory_space<hbm>>) dst(%dma_wait3A_69 : memref<4x256xi32, #tpu.memory_space<vmem>>)
        tpu.yield
      }) : () -> ()
      %dma_start3A = arith.constant 0 : i32
      %dma_start3A_21 = arith.constant 0 : i32
      %dma_start3A_22 = tpu.memref_slice %arg7[%dma_start3A, %dma_start3A_21] : memref<76x256xi32, #tpu.memory_space<vmem>> -> memref<1x256xi32, #tpu.memory_space<vmem>>
      %dma_start3A_23 = tpu.memref_squeeze %dma_start3A_22 : memref<1x256xi32, #tpu.memory_space<vmem>> -> memref<256xi32, #tpu.memory_space<vmem>>
      %dma_start3A_24 = arith.constant 0 : i32
      %dma_start3A_25 = arith.constant 0 : i32
      %dma_start3A_26 = tpu.memref_slice %arg2[%dma_start3A_24, %dma_start3A_25] : memref<10112x64xbf16, #tpu.memory_space<hbm>> -> memref<10112x64xbf16, #tpu.memory_space<hbm>>
      tpu.enqueue_indirect_dma source(%dma_start3A_26 : memref<10112x64xbf16, #tpu.memory_space<hbm>>) target(%arg9 : memref<256x64xbf16, #tpu.memory_space<vmem>>) offsets(%dma_start3A_23 : memref<256xi32, #tpu.memory_space<vmem>>) semaphore(%arg12 : memref<!tpu.dma_semaphore, #tpu.memory_space<semaphore_mem>>)
      %dma_start3A_27 = arith.constant 1 : i32
      %dma_start3A_28 = arith.constant 0 : i32
      %dma_start3A_29 = tpu.memref_slice %arg7[%dma_start3A_27, %dma_start3A_28] : memref<76x256xi32, #tpu.memory_space<vmem>> -> memref<1x256xi32, #tpu.memory_space<vmem>>
      %dma_start3A_30 = tpu.memref_squeeze %dma_start3A_29 : memref<1x256xi32, #tpu.memory_space<vmem>> -> memref<256xi32, #tpu.memory_space<vmem>>
      %dma_start3A_31 = arith.constant 0 : i32
      %dma_start3A_32 = arith.constant 0 : i32
      %dma_start3A_33 = tpu.memref_slice %arg2[%dma_start3A_31, %dma_start3A_32] : memref<10112x64xbf16, #tpu.memory_space<hbm>> -> memref<10112x64xbf16, #tpu.memory_space<hbm>>
      tpu.enqueue_indirect_dma source(%dma_start3A_33 : memref<10112x64xbf16, #tpu.memory_space<hbm>>) target(%arg10 : memref<256x64xbf16, #tpu.memory_space<vmem>>) offsets(%dma_start3A_30 : memref<256xi32, #tpu.memory_space<vmem>>) semaphore(%arg13 : memref<!tpu.dma_semaphore, #tpu.memory_space<semaphore_mem>>)
      %scan3A = arith.constant 0 : i32
      %scan3A_34 = arith.constant 0 : i32
      %scan3A_35 = arith.constant 2 : i32
      %scan3A_36 = arith.addi %scan3A_34, %scan3A_35 : i32
      %scan3A_37 = arith.constant 1 : i32
      scf.for %scan3A_52 = %scan3A_34 to %scan3A_36 step %scan3A_37  : i32 {
        %mul3A_53 = arith.constant 2 : i32
        %mul3A_54 = arith.muli %mul3A_53, %scan3A_52 : i32
        %add3A_55 = arith.constant 0 : i32
        %add3A_56 = arith.addi %mul3A_54, %add3A_55 : i32
        %dma_wait3A_57 = arith.constant 0 : i32
        %dma_wait3A_58 = tpu.memref_slice %arg7[%add3A_56, %dma_wait3A_57] : memref<76x256xi32, #tpu.memory_space<vmem>> -> memref<1x256xi32, #tpu.memory_space<vmem>>
        %dma_wait3A_59 = tpu.memref_squeeze %dma_wait3A_58 : memref<1x256xi32, #tpu.memory_space<vmem>> -> memref<256xi32, #tpu.memory_space<vmem>>
        %dma_wait3A_60 = arith.constant 0 : i32
        %dma_wait3A_61 = arith.constant 0 : i32
        %dma_wait3A_62 = tpu.memref_slice %arg2[%dma_wait3A_60, %dma_wait3A_61] : memref<10112x64xbf16, #tpu.memory_space<hbm>> -> memref<10112x64xbf16, #tpu.memory_space<hbm>>
        tpu.wait_indirect_dma semaphore(%arg12 : memref<!tpu.dma_semaphore, #tpu.memory_space<semaphore_mem>>) src(%dma_wait3A_62 : memref<10112x64xbf16, #tpu.memory_space<hbm>>) dst(%arg9 : memref<256x64xbf16, #tpu.memory_space<vmem>>)
        %dma_start3A_63 = arith.constant 0 : i32
        %dma_start3A_64 = tpu.memref_slice %arg8[%add3A_56, %dma_start3A_63] : memref<76x256xi32, #tpu.memory_space<vmem>> -> memref<1x256xi32, #tpu.memory_space<vmem>>
        %dma_start3A_65 = tpu.memref_squeeze %dma_start3A_64 : memref<1x256xi32, #tpu.memory_space<vmem>> -> memref<256xi32, #tpu.memory_space<vmem>>
        %dma_start3A_66 = arith.constant 0 : i32
        %dma_start3A_67 = arith.constant 0 : i32
        %dma_start3A_68 = tpu.memref_slice %arg11[%dma_start3A_66, %dma_start3A_67] : memref<10112x64xbf16, #tpu.memory_space<vmem_shared>> -> memref<10112x64xbf16, #tpu.memory_space<vmem_shared>>
        tpu.enqueue_indirect_dma source(%arg9 : memref<256x64xbf16, #tpu.memory_space<vmem>>) target(%dma_start3A_68 : memref<10112x64xbf16, #tpu.memory_space<vmem_shared>>) offsets(%dma_start3A_65 : memref<256xi32, #tpu.memory_space<vmem>>) semaphore(%arg14 : memref<!tpu.dma_semaphore, #tpu.memory_space<semaphore_mem>>) {add = true}
        %mul3A_69 = arith.constant 2 : i32
        %mul3A_70 = arith.muli %mul3A_69, %scan3A_52 : i32
        %add3A_71 = arith.constant 1 : i32
        %add3A_72 = arith.addi %mul3A_70, %add3A_71 : i32
        %dma_wait3A_73 = arith.constant 0 : i32
        %dma_wait3A_74 = tpu.memref_slice %arg7[%add3A_72, %dma_wait3A_73] : memref<76x256xi32, #tpu.memory_space<vmem>> -> memref<1x256xi32, #tpu.memory_space<vmem>>
        %dma_wait3A_75 = tpu.memref_squeeze %dma_wait3A_74 : memref<1x256xi32, #tpu.memory_space<vmem>> -> memref<256xi32, #tpu.memory_space<vmem>>
        %dma_wait3A_76 = arith.constant 0 : i32
        %dma_wait3A_77 = arith.constant 0 : i32
        %dma_wait3A_78 = tpu.memref_slice %arg2[%dma_wait3A_76, %dma_wait3A_77] : memref<10112x64xbf16, #tpu.memory_space<hbm>> -> memref<10112x64xbf16, #tpu.memory_space<hbm>>
        tpu.wait_indirect_dma semaphore(%arg13 : memref<!tpu.dma_semaphore, #tpu.memory_space<semaphore_mem>>) src(%dma_wait3A_78 : memref<10112x64xbf16, #tpu.memory_space<hbm>>) dst(%arg10 : memref<256x64xbf16, #tpu.memory_space<vmem>>)
        %dma_start3A_79 = arith.constant 0 : i32
        %dma_start3A_80 = tpu.memref_slice %arg8[%add3A_72, %dma_start3A_79] : memref<76x256xi32, #tpu.memory_space<vmem>> -> memref<1x256xi32, #tpu.memory_space<vmem>>
        %dma_start3A_81 = tpu.memref_squeeze %dma_start3A_80 : memref<1x256xi32, #tpu.memory_space<vmem>> -> memref<256xi32, #tpu.memory_space<vmem>>
        %dma_start3A_82 = arith.constant 0 : i32
        %dma_start3A_83 = arith.constant 0 : i32
        %dma_start3A_84 = tpu.memref_slice %arg11[%dma_start3A_82, %dma_start3A_83] : memref<10112x64xbf16, #tpu.memory_space<vmem_shared>> -> memref<10112x64xbf16, #tpu.memory_space<vmem_shared>>
        tpu.enqueue_indirect_dma source(%arg10 : memref<256x64xbf16, #tpu.memory_space<vmem>>) target(%dma_start3A_84 : memref<10112x64xbf16, #tpu.memory_space<vmem_shared>>) offsets(%dma_start3A_81 : memref<256xi32, #tpu.memory_space<vmem>>) semaphore(%arg15 : memref<!tpu.dma_semaphore, #tpu.memory_space<semaphore_mem>>) {add = true}
        %mul3A_85 = arith.constant 2 : i32
        %mul3A_86 = arith.muli %mul3A_85, %scan3A_52 : i32
        %add3A_87 = arith.constant 0 : i32
        %add3A_88 = arith.addi %mul3A_86, %add3A_87 : i32
        %add3A_89 = arith.constant 2 : i32
        %add3A_90 = arith.addi %add3A_88, %add3A_89 : i32
        %lt3A = arith.constant 4 : i32
        %lt3A_91 = arith.cmpi slt, %add3A_90, %lt3A : i32
        %convert_element_type3A_92 = arith.extui %lt3A_91 : i1 to i32
        %cond3A_93 = arith.constant 0 : i32
        %cond3A_94 = arith.cmpi ne, %convert_element_type3A_92, %cond3A_93 : i32
        scf.if %cond3A_94 {
          %dma_wait3A_106 = arith.constant 0 : i32
          %dma_wait3A_107 = tpu.memref_slice %arg8[%add3A_88, %dma_wait3A_106] : memref<76x256xi32, #tpu.memory_space<vmem>> -> memref<1x256xi32, #tpu.memory_space<vmem>>
          %dma_wait3A_108 = tpu.memref_squeeze %dma_wait3A_107 : memref<1x256xi32, #tpu.memory_space<vmem>> -> memref<256xi32, #tpu.memory_space<vmem>>
          %dma_wait3A_109 = arith.constant 0 : i32
          %dma_wait3A_110 = arith.constant 0 : i32
          %dma_wait3A_111 = tpu.memref_slice %arg11[%dma_wait3A_109, %dma_wait3A_110] : memref<10112x64xbf16, #tpu.memory_space<vmem_shared>> -> memref<10112x64xbf16, #tpu.memory_space<vmem_shared>>
          tpu.wait_indirect_dma semaphore(%arg14 : memref<!tpu.dma_semaphore, #tpu.memory_space<semaphore_mem>>) src(%arg9 : memref<256x64xbf16, #tpu.memory_space<vmem>>) dst(%dma_wait3A_111 : memref<10112x64xbf16, #tpu.memory_space<vmem_shared>>)
          %add3A_112 = arith.constant 2 : i32
          %add3A_113 = arith.addi %add3A_88, %add3A_112 : i32
          %dma_start3A_114 = arith.constant 0 : i32
          %dma_start3A_115 = tpu.memref_slice %arg7[%add3A_113, %dma_start3A_114] : memref<76x256xi32, #tpu.memory_space<vmem>> -> memref<1x256xi32, #tpu.memory_space<vmem>>
          %dma_start3A_116 = tpu.memref_squeeze %dma_start3A_115 : memref<1x256xi32, #tpu.memory_space<vmem>> -> memref<256xi32, #tpu.memory_space<vmem>>
          %dma_start3A_117 = arith.constant 0 : i32
          %dma_start3A_118 = arith.constant 0 : i32
          %dma_start3A_119 = tpu.memref_slice %arg2[%dma_start3A_117, %dma_start3A_118] : memref<10112x64xbf16, #tpu.memory_space<hbm>> -> memref<10112x64xbf16, #tpu.memory_space<hbm>>
          tpu.enqueue_indirect_dma source(%dma_start3A_119 : memref<10112x64xbf16, #tpu.memory_space<hbm>>) target(%arg9 : memref<256x64xbf16, #tpu.memory_space<vmem>>) offsets(%dma_start3A_116 : memref<256xi32, #tpu.memory_space<vmem>>) semaphore(%arg12 : memref<!tpu.dma_semaphore, #tpu.memory_space<semaphore_mem>>)
        } else {
        }
        %mul3A_95 = arith.constant 2 : i32
        %mul3A_96 = arith.muli %mul3A_95, %scan3A_52 : i32
        %add3A_97 = arith.constant 1 : i32
        %add3A_98 = arith.addi %mul3A_96, %add3A_97 : i32
        %add3A_99 = arith.constant 2 : i32
        %add3A_100 = arith.addi %add3A_98, %add3A_99 : i32
        %lt3A_101 = arith.constant 4 : i32
        %lt3A_102 = arith.cmpi slt, %add3A_100, %lt3A_101 : i32
        %convert_element_type3A_103 = arith.extui %lt3A_102 : i1 to i32
        %cond3A_104 = arith.constant 0 : i32
        %cond3A_105 = arith.cmpi ne, %convert_element_type3A_103, %cond3A_104 : i32
        scf.if %cond3A_105 {
          %dma_wait3A_106 = arith.constant 0 : i32
          %dma_wait3A_107 = tpu.memref_slice %arg8[%add3A_98, %dma_wait3A_106] : memref<76x256xi32, #tpu.memory_space<vmem>> -> memref<1x256xi32, #tpu.memory_space<vmem>>
          %dma_wait3A_108 = tpu.memref_squeeze %dma_wait3A_107 : memref<1x256xi32, #tpu.memory_space<vmem>> -> memref<256xi32, #tpu.memory_space<vmem>>
          %dma_wait3A_109 = arith.constant 0 : i32
          %dma_wait3A_110 = arith.constant 0 : i32
          %dma_wait3A_111 = tpu.memref_slice %arg11[%dma_wait3A_109, %dma_wait3A_110] : memref<10112x64xbf16, #tpu.memory_space<vmem_shared>> -> memref<10112x64xbf16, #tpu.memory_space<vmem_shared>>
          tpu.wait_indirect_dma semaphore(%arg15 : memref<!tpu.dma_semaphore, #tpu.memory_space<semaphore_mem>>) src(%arg10 : memref<256x64xbf16, #tpu.memory_space<vmem>>) dst(%dma_wait3A_111 : memref<10112x64xbf16, #tpu.memory_space<vmem_shared>>)
          %add3A_112 = arith.constant 2 : i32
          %add3A_113 = arith.addi %add3A_98, %add3A_112 : i32
          %dma_start3A_114 = arith.constant 0 : i32
          %dma_start3A_115 = tpu.memref_slice %arg7[%add3A_113, %dma_start3A_114] : memref<76x256xi32, #tpu.memory_space<vmem>> -> memref<1x256xi32, #tpu.memory_space<vmem>>
          %dma_start3A_116 = tpu.memref_squeeze %dma_start3A_115 : memref<1x256xi32, #tpu.memory_space<vmem>> -> memref<256xi32, #tpu.memory_space<vmem>>
          %dma_start3A_117 = arith.constant 0 : i32
          %dma_start3A_118 = arith.constant 0 : i32
          %dma_start3A_119 = tpu.memref_slice %arg2[%dma_start3A_117, %dma_start3A_118] : memref<10112x64xbf16, #tpu.memory_space<hbm>> -> memref<10112x64xbf16, #tpu.memory_space<hbm>>
          tpu.enqueue_indirect_dma source(%dma_start3A_119 : memref<10112x64xbf16, #tpu.memory_space<hbm>>) target(%arg10 : memref<256x64xbf16, #tpu.memory_space<vmem>>) offsets(%dma_start3A_116 : memref<256xi32, #tpu.memory_space<vmem>>) semaphore(%arg13 : memref<!tpu.dma_semaphore, #tpu.memory_space<semaphore_mem>>)
        } else {
        }
      }
      %scan3A_38 = arith.constant 2 : i32
      %dma_wait3A = arith.constant 2 : i32
      %dma_wait3A_39 = arith.constant 0 : i32
      %dma_wait3A_40 = tpu.memref_slice %arg8[%dma_wait3A, %dma_wait3A_39] : memref<76x256xi32, #tpu.memory_space<vmem>> -> memref<1x256xi32, #tpu.memory_space<vmem>>
      %dma_wait3A_41 = tpu.memref_squeeze %dma_wait3A_40 : memref<1x256xi32, #tpu.memory_space<vmem>> -> memref<256xi32, #tpu.memory_space<vmem>>
      %dma_wait3A_42 = arith.constant 0 : i32
      %dma_wait3A_43 = arith.constant 0 : i32
      %dma_wait3A_44 = tpu.memref_slice %arg11[%dma_wait3A_42, %dma_wait3A_43] : memref<10112x64xbf16, #tpu.memory_space<vmem_shared>> -> memref<10112x64xbf16, #tpu.memory_space<vmem_shared>>
      tpu.wait_indirect_dma semaphore(%arg14 : memref<!tpu.dma_semaphore, #tpu.memory_space<semaphore_mem>>) src(%arg9 : memref<256x64xbf16, #tpu.memory_space<vmem>>) dst(%dma_wait3A_44 : memref<10112x64xbf16, #tpu.memory_space<vmem_shared>>)
      %dma_wait3A_45 = arith.constant 3 : i32
      %dma_wait3A_46 = arith.constant 0 : i32
      %dma_wait3A_47 = tpu.memref_slice %arg8[%dma_wait3A_45, %dma_wait3A_46] : memref<76x256xi32, #tpu.memory_space<vmem>> -> memref<1x256xi32, #tpu.memory_space<vmem>>
      %dma_wait3A_48 = tpu.memref_squeeze %dma_wait3A_47 : memref<1x256xi32, #tpu.memory_space<vmem>> -> memref<256xi32, #tpu.memory_space<vmem>>
      %dma_wait3A_49 = arith.constant 0 : i32
      %dma_wait3A_50 = arith.constant 0 : i32
      %dma_wait3A_51 = tpu.memref_slice %arg11[%dma_wait3A_49, %dma_wait3A_50] : memref<10112x64xbf16, #tpu.memory_space<vmem_shared>> -> memref<10112x64xbf16, #tpu.memory_space<vmem_shared>>
      tpu.wait_indirect_dma semaphore(%arg15 : memref<!tpu.dma_semaphore, #tpu.memory_space<semaphore_mem>>) src(%arg10 : memref<256x64xbf16, #tpu.memory_space<vmem>>) dst(%dma_wait3A_51 : memref<10112x64xbf16, #tpu.memory_space<vmem_shared>>)
    } else {
    }
    %barrier3A = arith.constant 0 : index
    tpu.barrier barrier_id(%barrier3A)
    %mul3A_11 = arith.constant 632 : i32
    %mul3A_12 = arith.muli %arg1, %mul3A_11 : i32
    %multiple_of3A_13 = tpu.assume_multiple %mul3A_12, 8 : i32
    %mul3A_14 = arith.constant 632 : i32
    %mul3A_15 = arith.muli %arg1, %mul3A_14 : i32
    %multiple_of3A_16 = tpu.assume_multiple %mul3A_15, 8 : i32
    "tpu.region"() ({
      %run_scoped3A = tpu.sem_alloc : memref<!tpu.dma_semaphore, #tpu.memory_space<semaphore_mem>>
      %dma_start3A = arith.constant 0 : i32
      %dma_start3A_17 = tpu.memref_slice %arg6[%arg0, %multiple_of3A_16, %dma_start3A] : memref<2x10112x64xbf16, #tpu.memory_space<hbm>> -> memref<1x632x64xbf16, #tpu.memory_space<hbm>>
      %dma_start3A_18 = tpu.memref_squeeze %dma_start3A_17 : memref<1x632x64xbf16, #tpu.memory_space<hbm>> -> memref<632x64xbf16, #tpu.memory_space<hbm>>
      %dma_start3A_19 = arith.constant 0 : i32
      %dma_start3A_20 = tpu.memref_slice %arg11[%multiple_of3A_13, %dma_start3A_19] : memref<10112x64xbf16, #tpu.memory_space<vmem_shared>> -> memref<632x64xbf16, #tpu.memory_space<vmem_shared>>
      tpu.enqueue_dma source(%dma_start3A_20 : memref<632x64xbf16, #tpu.memory_space<vmem_shared>>) target(%dma_start3A_18 : memref<632x64xbf16, #tpu.memory_space<hbm>>) target_semaphore(%run_scoped3A : memref<!tpu.dma_semaphore, #tpu.memory_space<semaphore_mem>>)
      %dma_wait3A = arith.constant 0 : i32
      %dma_wait3A_21 = tpu.memref_slice %arg6[%arg0, %multiple_of3A_16, %dma_wait3A] : memref<2x10112x64xbf16, #tpu.memory_space<hbm>> -> memref<1x632x64xbf16, #tpu.memory_space<hbm>>
      %dma_wait3A_22 = tpu.memref_squeeze %dma_wait3A_21 : memref<1x632x64xbf16, #tpu.memory_space<hbm>> -> memref<632x64xbf16, #tpu.memory_space<hbm>>
      %dma_wait3A_23 = arith.constant 0 : i32
      %dma_wait3A_24 = tpu.memref_slice %arg11[%multiple_of3A_13, %dma_wait3A_23] : memref<10112x64xbf16, #tpu.memory_space<vmem_shared>> -> memref<632x64xbf16, #tpu.memory_space<vmem_shared>>
      tpu.wait_dma2 semaphore(%run_scoped3A : memref<!tpu.dma_semaphore, #tpu.memory_space<semaphore_mem>>) src(%dma_wait3A_24 : memref<632x64xbf16, #tpu.memory_space<vmem_shared>>) dst(%dma_wait3A_22 : memref<632x64xbf16, #tpu.memory_space<hbm>>)
      tpu.yield
    }) : () -> ()
    return
  }
}

#map = affine_map<(d0, d1) -> (0, 0)>
#map1 = affine_map<(d0, d1) -> (0, 0, 0)>
module attributes {stable_mosaic.version = 14 : i64} {
  func.func @_sc_agg(%arg0: i32, %arg1: i32, %arg2: memref<10112x64xbf16, #tpu.memory_space<hbm>>, %arg3: memref<1280x256xi32, #tpu.memory_space<hbm>>, %arg4: memref<1280x256xi32, #tpu.memory_space<hbm>>, %arg5: memref<10112x64xbf16, #tpu.memory_space<hbm>>, %arg6: memref<2x10112x64xbf16, #tpu.memory_space<hbm>>, %arg7: memref<76x256xi32, #tpu.memory_space<vmem>>, %arg8: memref<76x256xi32, #tpu.memory_space<vmem>>, %arg9: memref<256x64xbf16, #tpu.memory_space<vmem>>, %arg10: memref<256x64xbf16, #tpu.memory_space<vmem>>, %arg11: memref<10112x64xbf16, #tpu.memory_space<vmem_shared>>, %arg12: memref<!tpu.dma_semaphore, #tpu.memory_space<semaphore_mem>>, %arg13: memref<!tpu.dma_semaphore, #tpu.memory_space<semaphore_mem>>, %arg14: memref<!tpu.dma_semaphore, #tpu.memory_space<semaphore_mem>>, %arg15: memref<!tpu.dma_semaphore, #tpu.memory_space<semaphore_mem>>) attributes {dimension_semantics = [#tpu.dimension_semantics<core_parallel>, #tpu.dimension_semantics<subcore_parallel>], iteration_bounds = array<i64: 2, 16>, scalar_prefetch = 0 : i64, scratch_operands = 9 : i64, tpu.core_type = #tpu.core_type<sc_vector_subcore>, window_params = [{transform_indices = #map}, {transform_indices = #map}, {transform_indices = #map}, {transform_indices = #map}, {transform_indices = #map1}]} {
    %mul3A = arith.constant 632 : i32
    %mul3A_0 = arith.muli %arg1, %mul3A : i32
    %multiple_of3A = tpu.assume_multiple %mul3A_0, 8 : i32
    %mul3A_1 = arith.constant 632 : i32
    %mul3A_2 = arith.muli %arg1, %mul3A_1 : i32
    %multiple_of3A_3 = tpu.assume_multiple %mul3A_2, 8 : i32
    "tpu.region"() ({
      %run_scoped3A = tpu.sem_alloc : memref<!tpu.dma_semaphore, #tpu.memory_space<semaphore_mem>>
      %dma_start3A = arith.constant 0 : i32
      %dma_start3A_17 = tpu.memref_slice %arg11[%multiple_of3A_3, %dma_start3A] : memref<10112x64xbf16, #tpu.memory_space<vmem_shared>> -> memref<632x64xbf16, #tpu.memory_space<vmem_shared>>
      %dma_start3A_18 = arith.constant 0 : i32
      %dma_start3A_19 = tpu.memref_slice %arg5[%multiple_of3A, %dma_start3A_18] : memref<10112x64xbf16, #tpu.memory_space<hbm>> -> memref<632x64xbf16, #tpu.memory_space<hbm>>
      tpu.enqueue_dma source(%dma_start3A_19 : memref<632x64xbf16, #tpu.memory_space<hbm>>) target(%dma_start3A_17 : memref<632x64xbf16, #tpu.memory_space<vmem_shared>>) target_semaphore(%run_scoped3A : memref<!tpu.dma_semaphore, #tpu.memory_space<semaphore_mem>>)
      %dma_wait3A = arith.constant 0 : i32
      %dma_wait3A_20 = tpu.memref_slice %arg11[%multiple_of3A_3, %dma_wait3A] : memref<10112x64xbf16, #tpu.memory_space<vmem_shared>> -> memref<632x64xbf16, #tpu.memory_space<vmem_shared>>
      %dma_wait3A_21 = arith.constant 0 : i32
      %dma_wait3A_22 = tpu.memref_slice %arg5[%multiple_of3A, %dma_wait3A_21] : memref<10112x64xbf16, #tpu.memory_space<hbm>> -> memref<632x64xbf16, #tpu.memory_space<hbm>>
      tpu.wait_dma2 semaphore(%run_scoped3A : memref<!tpu.dma_semaphore, #tpu.memory_space<semaphore_mem>>) src(%dma_wait3A_22 : memref<632x64xbf16, #tpu.memory_space<hbm>>) dst(%dma_wait3A_20 : memref<632x64xbf16, #tpu.memory_space<vmem_shared>>)
      tpu.yield
    }) : () -> ()
    %eq3A = arith.constant 0 : i32
    %eq3A_4 = arith.cmpi eq, %arg0, %eq3A : i32
    %convert_element_type3A = arith.extui %eq3A_4 : i1 to i32
    %cond3A = arith.constant 0 : i32
    %cond3A_5 = arith.cmpi ne, %convert_element_type3A, %cond3A : i32
    scf.if %cond3A_5 {
      %mul3A_17 = arith.constant 76 : i32
      %mul3A_18 = arith.muli %arg1, %mul3A_17 : i32
      %multiple_of3A_19 = tpu.assume_multiple %mul3A_18, 8 : i32
      "tpu.region"() ({
        %run_scoped3A = tpu.sem_alloc : memref<!tpu.dma_semaphore, #tpu.memory_space<semaphore_mem>>
        %dma_start3A_51 = arith.constant 0 : i32
        %dma_start3A_52 = arith.constant 0 : i32
        %dma_start3A_53 = tpu.memref_slice %arg7[%dma_start3A_51, %dma_start3A_52] : memref<76x256xi32, #tpu.memory_space<vmem>> -> memref<76x256xi32, #tpu.memory_space<vmem>>
        %dma_start3A_54 = arith.constant 0 : i32
        %dma_start3A_55 = tpu.memref_slice %arg3[%multiple_of3A_19, %dma_start3A_54] : memref<1280x256xi32, #tpu.memory_space<hbm>> -> memref<76x256xi32, #tpu.memory_space<hbm>>
        %dma_start3A_56 = arith.constant 0 : i32
        %dma_start3A_57 = arith.constant 0 : i32
        %dma_start3A_58 = tpu.memref_slice %arg7[%dma_start3A_56, %dma_start3A_57] : memref<76x256xi32, #tpu.memory_space<vmem>> -> memref<76x256xi32, #tpu.memory_space<vmem>>
        %dma_start3A_59 = arith.constant 0 : i32
        %dma_start3A_60 = tpu.memref_slice %arg3[%multiple_of3A_19, %dma_start3A_59] : memref<1280x256xi32, #tpu.memory_space<hbm>> -> memref<76x256xi32, #tpu.memory_space<hbm>>
        tpu.enqueue_dma source(%dma_start3A_60 : memref<76x256xi32, #tpu.memory_space<hbm>>) target(%dma_start3A_58 : memref<76x256xi32, #tpu.memory_space<vmem>>) target_semaphore(%run_scoped3A : memref<!tpu.dma_semaphore, #tpu.memory_space<semaphore_mem>>)
        %dma_wait3A_61 = arith.constant 0 : i32
        %dma_wait3A_62 = arith.constant 0 : i32
        %dma_wait3A_63 = tpu.memref_slice %arg7[%dma_wait3A_61, %dma_wait3A_62] : memref<76x256xi32, #tpu.memory_space<vmem>> -> memref<76x256xi32, #tpu.memory_space<vmem>>
        %dma_wait3A_64 = arith.constant 0 : i32
        %dma_wait3A_65 = tpu.memref_slice %arg3[%multiple_of3A_19, %dma_wait3A_64] : memref<1280x256xi32, #tpu.memory_space<hbm>> -> memref<76x256xi32, #tpu.memory_space<hbm>>
        %dma_wait3A_66 = arith.constant 0 : i32
        %dma_wait3A_67 = arith.constant 0 : i32
        %dma_wait3A_68 = tpu.memref_slice %arg7[%dma_wait3A_66, %dma_wait3A_67] : memref<76x256xi32, #tpu.memory_space<vmem>> -> memref<76x256xi32, #tpu.memory_space<vmem>>
        %dma_wait3A_69 = arith.constant 0 : i32
        %dma_wait3A_70 = tpu.memref_slice %arg3[%multiple_of3A_19, %dma_wait3A_69] : memref<1280x256xi32, #tpu.memory_space<hbm>> -> memref<76x256xi32, #tpu.memory_space<hbm>>
        tpu.wait_dma2 semaphore(%run_scoped3A : memref<!tpu.dma_semaphore, #tpu.memory_space<semaphore_mem>>) src(%dma_wait3A_70 : memref<76x256xi32, #tpu.memory_space<hbm>>) dst(%dma_wait3A_68 : memref<76x256xi32, #tpu.memory_space<vmem>>)
        tpu.yield
      }) : () -> ()
      "tpu.region"() ({
        %run_scoped3A = tpu.sem_alloc : memref<!tpu.dma_semaphore, #tpu.memory_space<semaphore_mem>>
        %dma_start3A_51 = arith.constant 0 : i32
        %dma_start3A_52 = arith.constant 0 : i32
        %dma_start3A_53 = tpu.memref_slice %arg8[%dma_start3A_51, %dma_start3A_52] : memref<76x256xi32, #tpu.memory_space<vmem>> -> memref<76x256xi32, #tpu.memory_space<vmem>>
        %dma_start3A_54 = arith.constant 0 : i32
        %dma_start3A_55 = tpu.memref_slice %arg4[%multiple_of3A_19, %dma_start3A_54] : memref<1280x256xi32, #tpu.memory_space<hbm>> -> memref<76x256xi32, #tpu.memory_space<hbm>>
        %dma_start3A_56 = arith.constant 0 : i32
        %dma_start3A_57 = arith.constant 0 : i32
        %dma_start3A_58 = tpu.memref_slice %arg8[%dma_start3A_56, %dma_start3A_57] : memref<76x256xi32, #tpu.memory_space<vmem>> -> memref<76x256xi32, #tpu.memory_space<vmem>>
        %dma_start3A_59 = arith.constant 0 : i32
        %dma_start3A_60 = tpu.memref_slice %arg4[%multiple_of3A_19, %dma_start3A_59] : memref<1280x256xi32, #tpu.memory_space<hbm>> -> memref<76x256xi32, #tpu.memory_space<hbm>>
        tpu.enqueue_dma source(%dma_start3A_60 : memref<76x256xi32, #tpu.memory_space<hbm>>) target(%dma_start3A_58 : memref<76x256xi32, #tpu.memory_space<vmem>>) target_semaphore(%run_scoped3A : memref<!tpu.dma_semaphore, #tpu.memory_space<semaphore_mem>>)
        %dma_wait3A_61 = arith.constant 0 : i32
        %dma_wait3A_62 = arith.constant 0 : i32
        %dma_wait3A_63 = tpu.memref_slice %arg8[%dma_wait3A_61, %dma_wait3A_62] : memref<76x256xi32, #tpu.memory_space<vmem>> -> memref<76x256xi32, #tpu.memory_space<vmem>>
        %dma_wait3A_64 = arith.constant 0 : i32
        %dma_wait3A_65 = tpu.memref_slice %arg4[%multiple_of3A_19, %dma_wait3A_64] : memref<1280x256xi32, #tpu.memory_space<hbm>> -> memref<76x256xi32, #tpu.memory_space<hbm>>
        %dma_wait3A_66 = arith.constant 0 : i32
        %dma_wait3A_67 = arith.constant 0 : i32
        %dma_wait3A_68 = tpu.memref_slice %arg8[%dma_wait3A_66, %dma_wait3A_67] : memref<76x256xi32, #tpu.memory_space<vmem>> -> memref<76x256xi32, #tpu.memory_space<vmem>>
        %dma_wait3A_69 = arith.constant 0 : i32
        %dma_wait3A_70 = tpu.memref_slice %arg4[%multiple_of3A_19, %dma_wait3A_69] : memref<1280x256xi32, #tpu.memory_space<hbm>> -> memref<76x256xi32, #tpu.memory_space<hbm>>
        tpu.wait_dma2 semaphore(%run_scoped3A : memref<!tpu.dma_semaphore, #tpu.memory_space<semaphore_mem>>) src(%dma_wait3A_70 : memref<76x256xi32, #tpu.memory_space<hbm>>) dst(%dma_wait3A_68 : memref<76x256xi32, #tpu.memory_space<vmem>>)
        tpu.yield
      }) : () -> ()
      %dma_start3A = arith.constant 0 : i32
      %dma_start3A_20 = arith.constant 0 : i32
      %dma_start3A_21 = tpu.memref_slice %arg7[%dma_start3A, %dma_start3A_20] : memref<76x256xi32, #tpu.memory_space<vmem>> -> memref<1x256xi32, #tpu.memory_space<vmem>>
      %dma_start3A_22 = tpu.memref_squeeze %dma_start3A_21 : memref<1x256xi32, #tpu.memory_space<vmem>> -> memref<256xi32, #tpu.memory_space<vmem>>
      %dma_start3A_23 = arith.constant 0 : i32
      %dma_start3A_24 = arith.constant 0 : i32
      %dma_start3A_25 = tpu.memref_slice %arg2[%dma_start3A_23, %dma_start3A_24] : memref<10112x64xbf16, #tpu.memory_space<hbm>> -> memref<10112x64xbf16, #tpu.memory_space<hbm>>
      tpu.enqueue_indirect_dma source(%dma_start3A_25 : memref<10112x64xbf16, #tpu.memory_space<hbm>>) target(%arg9 : memref<256x64xbf16, #tpu.memory_space<vmem>>) offsets(%dma_start3A_22 : memref<256xi32, #tpu.memory_space<vmem>>) semaphore(%arg12 : memref<!tpu.dma_semaphore, #tpu.memory_space<semaphore_mem>>)
      %dma_start3A_26 = arith.constant 1 : i32
      %dma_start3A_27 = arith.constant 0 : i32
      %dma_start3A_28 = tpu.memref_slice %arg7[%dma_start3A_26, %dma_start3A_27] : memref<76x256xi32, #tpu.memory_space<vmem>> -> memref<1x256xi32, #tpu.memory_space<vmem>>
      %dma_start3A_29 = tpu.memref_squeeze %dma_start3A_28 : memref<1x256xi32, #tpu.memory_space<vmem>> -> memref<256xi32, #tpu.memory_space<vmem>>
      %dma_start3A_30 = arith.constant 0 : i32
      %dma_start3A_31 = arith.constant 0 : i32
      %dma_start3A_32 = tpu.memref_slice %arg2[%dma_start3A_30, %dma_start3A_31] : memref<10112x64xbf16, #tpu.memory_space<hbm>> -> memref<10112x64xbf16, #tpu.memory_space<hbm>>
      tpu.enqueue_indirect_dma source(%dma_start3A_32 : memref<10112x64xbf16, #tpu.memory_space<hbm>>) target(%arg10 : memref<256x64xbf16, #tpu.memory_space<vmem>>) offsets(%dma_start3A_29 : memref<256xi32, #tpu.memory_space<vmem>>) semaphore(%arg13 : memref<!tpu.dma_semaphore, #tpu.memory_space<semaphore_mem>>)
      %scan3A = arith.constant 0 : i32
      %scan3A_33 = arith.constant 0 : i32
      %scan3A_34 = arith.constant 38 : i32
      %scan3A_35 = arith.addi %scan3A_33, %scan3A_34 : i32
      %scan3A_36 = arith.constant 1 : i32
      scf.for %scan3A_51 = %scan3A_33 to %scan3A_35 step %scan3A_36  : i32 {
        %mul3A_52 = arith.constant 2 : i32
        %mul3A_53 = arith.muli %mul3A_52, %scan3A_51 : i32
        %add3A = arith.constant 0 : i32
        %add3A_54 = arith.addi %mul3A_53, %add3A : i32
        %dma_wait3A_55 = arith.constant 0 : i32
        %dma_wait3A_56 = tpu.memref_slice %arg7[%add3A_54, %dma_wait3A_55] : memref<76x256xi32, #tpu.memory_space<vmem>> -> memref<1x256xi32, #tpu.memory_space<vmem>>
        %dma_wait3A_57 = tpu.memref_squeeze %dma_wait3A_56 : memref<1x256xi32, #tpu.memory_space<vmem>> -> memref<256xi32, #tpu.memory_space<vmem>>
        %dma_wait3A_58 = arith.constant 0 : i32
        %dma_wait3A_59 = arith.constant 0 : i32
        %dma_wait3A_60 = tpu.memref_slice %arg2[%dma_wait3A_58, %dma_wait3A_59] : memref<10112x64xbf16, #tpu.memory_space<hbm>> -> memref<10112x64xbf16, #tpu.memory_space<hbm>>
        tpu.wait_indirect_dma semaphore(%arg12 : memref<!tpu.dma_semaphore, #tpu.memory_space<semaphore_mem>>) src(%dma_wait3A_60 : memref<10112x64xbf16, #tpu.memory_space<hbm>>) dst(%arg9 : memref<256x64xbf16, #tpu.memory_space<vmem>>)
        %dma_start3A_61 = arith.constant 0 : i32
        %dma_start3A_62 = tpu.memref_slice %arg8[%add3A_54, %dma_start3A_61] : memref<76x256xi32, #tpu.memory_space<vmem>> -> memref<1x256xi32, #tpu.memory_space<vmem>>
        %dma_start3A_63 = tpu.memref_squeeze %dma_start3A_62 : memref<1x256xi32, #tpu.memory_space<vmem>> -> memref<256xi32, #tpu.memory_space<vmem>>
        %dma_start3A_64 = arith.constant 0 : i32
        %dma_start3A_65 = arith.constant 0 : i32
        %dma_start3A_66 = tpu.memref_slice %arg11[%dma_start3A_64, %dma_start3A_65] : memref<10112x64xbf16, #tpu.memory_space<vmem_shared>> -> memref<10112x64xbf16, #tpu.memory_space<vmem_shared>>
        tpu.enqueue_indirect_dma source(%arg9 : memref<256x64xbf16, #tpu.memory_space<vmem>>) target(%dma_start3A_66 : memref<10112x64xbf16, #tpu.memory_space<vmem_shared>>) offsets(%dma_start3A_63 : memref<256xi32, #tpu.memory_space<vmem>>) semaphore(%arg14 : memref<!tpu.dma_semaphore, #tpu.memory_space<semaphore_mem>>) {add = true}
        %mul3A_67 = arith.constant 2 : i32
        %mul3A_68 = arith.muli %mul3A_67, %scan3A_51 : i32
        %add3A_69 = arith.constant 1 : i32
        %add3A_70 = arith.addi %mul3A_68, %add3A_69 : i32
        %dma_wait3A_71 = arith.constant 0 : i32
        %dma_wait3A_72 = tpu.memref_slice %arg7[%add3A_70, %dma_wait3A_71] : memref<76x256xi32, #tpu.memory_space<vmem>> -> memref<1x256xi32, #tpu.memory_space<vmem>>
        %dma_wait3A_73 = tpu.memref_squeeze %dma_wait3A_72 : memref<1x256xi32, #tpu.memory_space<vmem>> -> memref<256xi32, #tpu.memory_space<vmem>>
        %dma_wait3A_74 = arith.constant 0 : i32
        %dma_wait3A_75 = arith.constant 0 : i32
        %dma_wait3A_76 = tpu.memref_slice %arg2[%dma_wait3A_74, %dma_wait3A_75] : memref<10112x64xbf16, #tpu.memory_space<hbm>> -> memref<10112x64xbf16, #tpu.memory_space<hbm>>
        tpu.wait_indirect_dma semaphore(%arg13 : memref<!tpu.dma_semaphore, #tpu.memory_space<semaphore_mem>>) src(%dma_wait3A_76 : memref<10112x64xbf16, #tpu.memory_space<hbm>>) dst(%arg10 : memref<256x64xbf16, #tpu.memory_space<vmem>>)
        %dma_start3A_77 = arith.constant 0 : i32
        %dma_start3A_78 = tpu.memref_slice %arg8[%add3A_70, %dma_start3A_77] : memref<76x256xi32, #tpu.memory_space<vmem>> -> memref<1x256xi32, #tpu.memory_space<vmem>>
        %dma_start3A_79 = tpu.memref_squeeze %dma_start3A_78 : memref<1x256xi32, #tpu.memory_space<vmem>> -> memref<256xi32, #tpu.memory_space<vmem>>
        %dma_start3A_80 = arith.constant 0 : i32
        %dma_start3A_81 = arith.constant 0 : i32
        %dma_start3A_82 = tpu.memref_slice %arg11[%dma_start3A_80, %dma_start3A_81] : memref<10112x64xbf16, #tpu.memory_space<vmem_shared>> -> memref<10112x64xbf16, #tpu.memory_space<vmem_shared>>
        tpu.enqueue_indirect_dma source(%arg10 : memref<256x64xbf16, #tpu.memory_space<vmem>>) target(%dma_start3A_82 : memref<10112x64xbf16, #tpu.memory_space<vmem_shared>>) offsets(%dma_start3A_79 : memref<256xi32, #tpu.memory_space<vmem>>) semaphore(%arg15 : memref<!tpu.dma_semaphore, #tpu.memory_space<semaphore_mem>>) {add = true}
        %mul3A_83 = arith.constant 2 : i32
        %mul3A_84 = arith.muli %mul3A_83, %scan3A_51 : i32
        %add3A_85 = arith.constant 0 : i32
        %add3A_86 = arith.addi %mul3A_84, %add3A_85 : i32
        %add3A_87 = arith.constant 2 : i32
        %add3A_88 = arith.addi %add3A_86, %add3A_87 : i32
        %lt3A = arith.constant 76 : i32
        %lt3A_89 = arith.cmpi slt, %add3A_88, %lt3A : i32
        %convert_element_type3A_90 = arith.extui %lt3A_89 : i1 to i32
        %cond3A_91 = arith.constant 0 : i32
        %cond3A_92 = arith.cmpi ne, %convert_element_type3A_90, %cond3A_91 : i32
        scf.if %cond3A_92 {
          %dma_wait3A_104 = arith.constant 0 : i32
          %dma_wait3A_105 = tpu.memref_slice %arg8[%add3A_86, %dma_wait3A_104] : memref<76x256xi32, #tpu.memory_space<vmem>> -> memref<1x256xi32, #tpu.memory_space<vmem>>
          %dma_wait3A_106 = tpu.memref_squeeze %dma_wait3A_105 : memref<1x256xi32, #tpu.memory_space<vmem>> -> memref<256xi32, #tpu.memory_space<vmem>>
          %dma_wait3A_107 = arith.constant 0 : i32
          %dma_wait3A_108 = arith.constant 0 : i32
          %dma_wait3A_109 = tpu.memref_slice %arg11[%dma_wait3A_107, %dma_wait3A_108] : memref<10112x64xbf16, #tpu.memory_space<vmem_shared>> -> memref<10112x64xbf16, #tpu.memory_space<vmem_shared>>
          tpu.wait_indirect_dma semaphore(%arg14 : memref<!tpu.dma_semaphore, #tpu.memory_space<semaphore_mem>>) src(%arg9 : memref<256x64xbf16, #tpu.memory_space<vmem>>) dst(%dma_wait3A_109 : memref<10112x64xbf16, #tpu.memory_space<vmem_shared>>)
          %add3A_110 = arith.constant 2 : i32
          %add3A_111 = arith.addi %add3A_86, %add3A_110 : i32
          %dma_start3A_112 = arith.constant 0 : i32
          %dma_start3A_113 = tpu.memref_slice %arg7[%add3A_111, %dma_start3A_112] : memref<76x256xi32, #tpu.memory_space<vmem>> -> memref<1x256xi32, #tpu.memory_space<vmem>>
          %dma_start3A_114 = tpu.memref_squeeze %dma_start3A_113 : memref<1x256xi32, #tpu.memory_space<vmem>> -> memref<256xi32, #tpu.memory_space<vmem>>
          %dma_start3A_115 = arith.constant 0 : i32
          %dma_start3A_116 = arith.constant 0 : i32
          %dma_start3A_117 = tpu.memref_slice %arg2[%dma_start3A_115, %dma_start3A_116] : memref<10112x64xbf16, #tpu.memory_space<hbm>> -> memref<10112x64xbf16, #tpu.memory_space<hbm>>
          tpu.enqueue_indirect_dma source(%dma_start3A_117 : memref<10112x64xbf16, #tpu.memory_space<hbm>>) target(%arg9 : memref<256x64xbf16, #tpu.memory_space<vmem>>) offsets(%dma_start3A_114 : memref<256xi32, #tpu.memory_space<vmem>>) semaphore(%arg12 : memref<!tpu.dma_semaphore, #tpu.memory_space<semaphore_mem>>)
        } else {
        }
        %mul3A_93 = arith.constant 2 : i32
        %mul3A_94 = arith.muli %mul3A_93, %scan3A_51 : i32
        %add3A_95 = arith.constant 1 : i32
        %add3A_96 = arith.addi %mul3A_94, %add3A_95 : i32
        %add3A_97 = arith.constant 2 : i32
        %add3A_98 = arith.addi %add3A_96, %add3A_97 : i32
        %lt3A_99 = arith.constant 76 : i32
        %lt3A_100 = arith.cmpi slt, %add3A_98, %lt3A_99 : i32
        %convert_element_type3A_101 = arith.extui %lt3A_100 : i1 to i32
        %cond3A_102 = arith.constant 0 : i32
        %cond3A_103 = arith.cmpi ne, %convert_element_type3A_101, %cond3A_102 : i32
        scf.if %cond3A_103 {
          %dma_wait3A_104 = arith.constant 0 : i32
          %dma_wait3A_105 = tpu.memref_slice %arg8[%add3A_96, %dma_wait3A_104] : memref<76x256xi32, #tpu.memory_space<vmem>> -> memref<1x256xi32, #tpu.memory_space<vmem>>
          %dma_wait3A_106 = tpu.memref_squeeze %dma_wait3A_105 : memref<1x256xi32, #tpu.memory_space<vmem>> -> memref<256xi32, #tpu.memory_space<vmem>>
          %dma_wait3A_107 = arith.constant 0 : i32
          %dma_wait3A_108 = arith.constant 0 : i32
          %dma_wait3A_109 = tpu.memref_slice %arg11[%dma_wait3A_107, %dma_wait3A_108] : memref<10112x64xbf16, #tpu.memory_space<vmem_shared>> -> memref<10112x64xbf16, #tpu.memory_space<vmem_shared>>
          tpu.wait_indirect_dma semaphore(%arg15 : memref<!tpu.dma_semaphore, #tpu.memory_space<semaphore_mem>>) src(%arg10 : memref<256x64xbf16, #tpu.memory_space<vmem>>) dst(%dma_wait3A_109 : memref<10112x64xbf16, #tpu.memory_space<vmem_shared>>)
          %add3A_110 = arith.constant 2 : i32
          %add3A_111 = arith.addi %add3A_96, %add3A_110 : i32
          %dma_start3A_112 = arith.constant 0 : i32
          %dma_start3A_113 = tpu.memref_slice %arg7[%add3A_111, %dma_start3A_112] : memref<76x256xi32, #tpu.memory_space<vmem>> -> memref<1x256xi32, #tpu.memory_space<vmem>>
          %dma_start3A_114 = tpu.memref_squeeze %dma_start3A_113 : memref<1x256xi32, #tpu.memory_space<vmem>> -> memref<256xi32, #tpu.memory_space<vmem>>
          %dma_start3A_115 = arith.constant 0 : i32
          %dma_start3A_116 = arith.constant 0 : i32
          %dma_start3A_117 = tpu.memref_slice %arg2[%dma_start3A_115, %dma_start3A_116] : memref<10112x64xbf16, #tpu.memory_space<hbm>> -> memref<10112x64xbf16, #tpu.memory_space<hbm>>
          tpu.enqueue_indirect_dma source(%dma_start3A_117 : memref<10112x64xbf16, #tpu.memory_space<hbm>>) target(%arg10 : memref<256x64xbf16, #tpu.memory_space<vmem>>) offsets(%dma_start3A_114 : memref<256xi32, #tpu.memory_space<vmem>>) semaphore(%arg13 : memref<!tpu.dma_semaphore, #tpu.memory_space<semaphore_mem>>)
        } else {
        }
      }
      %scan3A_37 = arith.constant 38 : i32
      %dma_wait3A = arith.constant 74 : i32
      %dma_wait3A_38 = arith.constant 0 : i32
      %dma_wait3A_39 = tpu.memref_slice %arg8[%dma_wait3A, %dma_wait3A_38] : memref<76x256xi32, #tpu.memory_space<vmem>> -> memref<1x256xi32, #tpu.memory_space<vmem>>
      %dma_wait3A_40 = tpu.memref_squeeze %dma_wait3A_39 : memref<1x256xi32, #tpu.memory_space<vmem>> -> memref<256xi32, #tpu.memory_space<vmem>>
      %dma_wait3A_41 = arith.constant 0 : i32
      %dma_wait3A_42 = arith.constant 0 : i32
      %dma_wait3A_43 = tpu.memref_slice %arg11[%dma_wait3A_41, %dma_wait3A_42] : memref<10112x64xbf16, #tpu.memory_space<vmem_shared>> -> memref<10112x64xbf16, #tpu.memory_space<vmem_shared>>
      tpu.wait_indirect_dma semaphore(%arg14 : memref<!tpu.dma_semaphore, #tpu.memory_space<semaphore_mem>>) src(%arg9 : memref<256x64xbf16, #tpu.memory_space<vmem>>) dst(%dma_wait3A_43 : memref<10112x64xbf16, #tpu.memory_space<vmem_shared>>)
      %dma_wait3A_44 = arith.constant 75 : i32
      %dma_wait3A_45 = arith.constant 0 : i32
      %dma_wait3A_46 = tpu.memref_slice %arg8[%dma_wait3A_44, %dma_wait3A_45] : memref<76x256xi32, #tpu.memory_space<vmem>> -> memref<1x256xi32, #tpu.memory_space<vmem>>
      %dma_wait3A_47 = tpu.memref_squeeze %dma_wait3A_46 : memref<1x256xi32, #tpu.memory_space<vmem>> -> memref<256xi32, #tpu.memory_space<vmem>>
      %dma_wait3A_48 = arith.constant 0 : i32
      %dma_wait3A_49 = arith.constant 0 : i32
      %dma_wait3A_50 = tpu.memref_slice %arg11[%dma_wait3A_48, %dma_wait3A_49] : memref<10112x64xbf16, #tpu.memory_space<vmem_shared>> -> memref<10112x64xbf16, #tpu.memory_space<vmem_shared>>
      tpu.wait_indirect_dma semaphore(%arg15 : memref<!tpu.dma_semaphore, #tpu.memory_space<semaphore_mem>>) src(%arg10 : memref<256x64xbf16, #tpu.memory_space<vmem>>) dst(%dma_wait3A_50 : memref<10112x64xbf16, #tpu.memory_space<vmem_shared>>)
    } else {
    }
    %eq3A_6 = arith.constant 1 : i32
    %eq3A_7 = arith.cmpi eq, %arg0, %eq3A_6 : i32
    %convert_element_type3A_8 = arith.extui %eq3A_7 : i1 to i32
    %cond3A_9 = arith.constant 0 : i32
    %cond3A_10 = arith.cmpi ne, %convert_element_type3A_8, %cond3A_9 : i32
    scf.if %cond3A_10 {
      %mul3A_17 = arith.constant 4 : i32
      %mul3A_18 = arith.muli %arg1, %mul3A_17 : i32
      %add3A = arith.constant 1216 : i32
      %add3A_19 = arith.addi %add3A, %mul3A_18 : i32
      %multiple_of3A_20 = tpu.assume_multiple %add3A_19, 8 : i32
      "tpu.region"() ({
        %run_scoped3A = tpu.sem_alloc : memref<!tpu.dma_semaphore, #tpu.memory_space<semaphore_mem>>
        %dma_start3A_52 = arith.constant 0 : i32
        %dma_start3A_53 = arith.constant 0 : i32
        %dma_start3A_54 = tpu.memref_slice %arg7[%dma_start3A_52, %dma_start3A_53] : memref<76x256xi32, #tpu.memory_space<vmem>> -> memref<4x256xi32, #tpu.memory_space<vmem>>
        %dma_start3A_55 = arith.constant 0 : i32
        %dma_start3A_56 = tpu.memref_slice %arg3[%multiple_of3A_20, %dma_start3A_55] : memref<1280x256xi32, #tpu.memory_space<hbm>> -> memref<4x256xi32, #tpu.memory_space<hbm>>
        %dma_start3A_57 = arith.constant 0 : i32
        %dma_start3A_58 = arith.constant 0 : i32
        %dma_start3A_59 = tpu.memref_slice %arg7[%dma_start3A_57, %dma_start3A_58] : memref<76x256xi32, #tpu.memory_space<vmem>> -> memref<4x256xi32, #tpu.memory_space<vmem>>
        %dma_start3A_60 = arith.constant 0 : i32
        %dma_start3A_61 = tpu.memref_slice %arg3[%multiple_of3A_20, %dma_start3A_60] : memref<1280x256xi32, #tpu.memory_space<hbm>> -> memref<4x256xi32, #tpu.memory_space<hbm>>
        tpu.enqueue_dma source(%dma_start3A_61 : memref<4x256xi32, #tpu.memory_space<hbm>>) target(%dma_start3A_59 : memref<4x256xi32, #tpu.memory_space<vmem>>) target_semaphore(%run_scoped3A : memref<!tpu.dma_semaphore, #tpu.memory_space<semaphore_mem>>)
        %dma_wait3A_62 = arith.constant 0 : i32
        %dma_wait3A_63 = arith.constant 0 : i32
        %dma_wait3A_64 = tpu.memref_slice %arg7[%dma_wait3A_62, %dma_wait3A_63] : memref<76x256xi32, #tpu.memory_space<vmem>> -> memref<4x256xi32, #tpu.memory_space<vmem>>
        %dma_wait3A_65 = arith.constant 0 : i32
        %dma_wait3A_66 = tpu.memref_slice %arg3[%multiple_of3A_20, %dma_wait3A_65] : memref<1280x256xi32, #tpu.memory_space<hbm>> -> memref<4x256xi32, #tpu.memory_space<hbm>>
        %dma_wait3A_67 = arith.constant 0 : i32
        %dma_wait3A_68 = arith.constant 0 : i32
        %dma_wait3A_69 = tpu.memref_slice %arg7[%dma_wait3A_67, %dma_wait3A_68] : memref<76x256xi32, #tpu.memory_space<vmem>> -> memref<4x256xi32, #tpu.memory_space<vmem>>
        %dma_wait3A_70 = arith.constant 0 : i32
        %dma_wait3A_71 = tpu.memref_slice %arg3[%multiple_of3A_20, %dma_wait3A_70] : memref<1280x256xi32, #tpu.memory_space<hbm>> -> memref<4x256xi32, #tpu.memory_space<hbm>>
        tpu.wait_dma2 semaphore(%run_scoped3A : memref<!tpu.dma_semaphore, #tpu.memory_space<semaphore_mem>>) src(%dma_wait3A_71 : memref<4x256xi32, #tpu.memory_space<hbm>>) dst(%dma_wait3A_69 : memref<4x256xi32, #tpu.memory_space<vmem>>)
        tpu.yield
      }) : () -> ()
      "tpu.region"() ({
        %run_scoped3A = tpu.sem_alloc : memref<!tpu.dma_semaphore, #tpu.memory_space<semaphore_mem>>
        %dma_start3A_52 = arith.constant 0 : i32
        %dma_start3A_53 = arith.constant 0 : i32
        %dma_start3A_54 = tpu.memref_slice %arg8[%dma_start3A_52, %dma_start3A_53] : memref<76x256xi32, #tpu.memory_space<vmem>> -> memref<4x256xi32, #tpu.memory_space<vmem>>
        %dma_start3A_55 = arith.constant 0 : i32
        %dma_start3A_56 = tpu.memref_slice %arg4[%multiple_of3A_20, %dma_start3A_55] : memref<1280x256xi32, #tpu.memory_space<hbm>> -> memref<4x256xi32, #tpu.memory_space<hbm>>
        %dma_start3A_57 = arith.constant 0 : i32
        %dma_start3A_58 = arith.constant 0 : i32
        %dma_start3A_59 = tpu.memref_slice %arg8[%dma_start3A_57, %dma_start3A_58] : memref<76x256xi32, #tpu.memory_space<vmem>> -> memref<4x256xi32, #tpu.memory_space<vmem>>
        %dma_start3A_60 = arith.constant 0 : i32
        %dma_start3A_61 = tpu.memref_slice %arg4[%multiple_of3A_20, %dma_start3A_60] : memref<1280x256xi32, #tpu.memory_space<hbm>> -> memref<4x256xi32, #tpu.memory_space<hbm>>
        tpu.enqueue_dma source(%dma_start3A_61 : memref<4x256xi32, #tpu.memory_space<hbm>>) target(%dma_start3A_59 : memref<4x256xi32, #tpu.memory_space<vmem>>) target_semaphore(%run_scoped3A : memref<!tpu.dma_semaphore, #tpu.memory_space<semaphore_mem>>)
        %dma_wait3A_62 = arith.constant 0 : i32
        %dma_wait3A_63 = arith.constant 0 : i32
        %dma_wait3A_64 = tpu.memref_slice %arg8[%dma_wait3A_62, %dma_wait3A_63] : memref<76x256xi32, #tpu.memory_space<vmem>> -> memref<4x256xi32, #tpu.memory_space<vmem>>
        %dma_wait3A_65 = arith.constant 0 : i32
        %dma_wait3A_66 = tpu.memref_slice %arg4[%multiple_of3A_20, %dma_wait3A_65] : memref<1280x256xi32, #tpu.memory_space<hbm>> -> memref<4x256xi32, #tpu.memory_space<hbm>>
        %dma_wait3A_67 = arith.constant 0 : i32
        %dma_wait3A_68 = arith.constant 0 : i32
        %dma_wait3A_69 = tpu.memref_slice %arg8[%dma_wait3A_67, %dma_wait3A_68] : memref<76x256xi32, #tpu.memory_space<vmem>> -> memref<4x256xi32, #tpu.memory_space<vmem>>
        %dma_wait3A_70 = arith.constant 0 : i32
        %dma_wait3A_71 = tpu.memref_slice %arg4[%multiple_of3A_20, %dma_wait3A_70] : memref<1280x256xi32, #tpu.memory_space<hbm>> -> memref<4x256xi32, #tpu.memory_space<hbm>>
        tpu.wait_dma2 semaphore(%run_scoped3A : memref<!tpu.dma_semaphore, #tpu.memory_space<semaphore_mem>>) src(%dma_wait3A_71 : memref<4x256xi32, #tpu.memory_space<hbm>>) dst(%dma_wait3A_69 : memref<4x256xi32, #tpu.memory_space<vmem>>)
        tpu.yield
      }) : () -> ()
      %dma_start3A = arith.constant 0 : i32
      %dma_start3A_21 = arith.constant 0 : i32
      %dma_start3A_22 = tpu.memref_slice %arg7[%dma_start3A, %dma_start3A_21] : memref<76x256xi32, #tpu.memory_space<vmem>> -> memref<1x256xi32, #tpu.memory_space<vmem>>
      %dma_start3A_23 = tpu.memref_squeeze %dma_start3A_22 : memref<1x256xi32, #tpu.memory_space<vmem>> -> memref<256xi32, #tpu.memory_space<vmem>>
      %dma_start3A_24 = arith.constant 0 : i32
      %dma_start3A_25 = arith.constant 0 : i32
      %dma_start3A_26 = tpu.memref_slice %arg2[%dma_start3A_24, %dma_start3A_25] : memref<10112x64xbf16, #tpu.memory_space<hbm>> -> memref<10112x64xbf16, #tpu.memory_space<hbm>>
      tpu.enqueue_indirect_dma source(%dma_start3A_26 : memref<10112x64xbf16, #tpu.memory_space<hbm>>) target(%arg9 : memref<256x64xbf16, #tpu.memory_space<vmem>>) offsets(%dma_start3A_23 : memref<256xi32, #tpu.memory_space<vmem>>) semaphore(%arg12 : memref<!tpu.dma_semaphore, #tpu.memory_space<semaphore_mem>>)
      %dma_start3A_27 = arith.constant 1 : i32
      %dma_start3A_28 = arith.constant 0 : i32
      %dma_start3A_29 = tpu.memref_slice %arg7[%dma_start3A_27, %dma_start3A_28] : memref<76x256xi32, #tpu.memory_space<vmem>> -> memref<1x256xi32, #tpu.memory_space<vmem>>
      %dma_start3A_30 = tpu.memref_squeeze %dma_start3A_29 : memref<1x256xi32, #tpu.memory_space<vmem>> -> memref<256xi32, #tpu.memory_space<vmem>>
      %dma_start3A_31 = arith.constant 0 : i32
      %dma_start3A_32 = arith.constant 0 : i32
      %dma_start3A_33 = tpu.memref_slice %arg2[%dma_start3A_31, %dma_start3A_32] : memref<10112x64xbf16, #tpu.memory_space<hbm>> -> memref<10112x64xbf16, #tpu.memory_space<hbm>>
      tpu.enqueue_indirect_dma source(%dma_start3A_33 : memref<10112x64xbf16, #tpu.memory_space<hbm>>) target(%arg10 : memref<256x64xbf16, #tpu.memory_space<vmem>>) offsets(%dma_start3A_30 : memref<256xi32, #tpu.memory_space<vmem>>) semaphore(%arg13 : memref<!tpu.dma_semaphore, #tpu.memory_space<semaphore_mem>>)
      %scan3A = arith.constant 0 : i32
      %scan3A_34 = arith.constant 0 : i32
      %scan3A_35 = arith.constant 2 : i32
      %scan3A_36 = arith.addi %scan3A_34, %scan3A_35 : i32
      %scan3A_37 = arith.constant 1 : i32
      scf.for %scan3A_52 = %scan3A_34 to %scan3A_36 step %scan3A_37  : i32 {
        %mul3A_53 = arith.constant 2 : i32
        %mul3A_54 = arith.muli %mul3A_53, %scan3A_52 : i32
        %add3A_55 = arith.constant 0 : i32
        %add3A_56 = arith.addi %mul3A_54, %add3A_55 : i32
        %dma_wait3A_57 = arith.constant 0 : i32
        %dma_wait3A_58 = tpu.memref_slice %arg7[%add3A_56, %dma_wait3A_57] : memref<76x256xi32, #tpu.memory_space<vmem>> -> memref<1x256xi32, #tpu.memory_space<vmem>>
        %dma_wait3A_59 = tpu.memref_squeeze %dma_wait3A_58 : memref<1x256xi32, #tpu.memory_space<vmem>> -> memref<256xi32, #tpu.memory_space<vmem>>
        %dma_wait3A_60 = arith.constant 0 : i32
        %dma_wait3A_61 = arith.constant 0 : i32
        %dma_wait3A_62 = tpu.memref_slice %arg2[%dma_wait3A_60, %dma_wait3A_61] : memref<10112x64xbf16, #tpu.memory_space<hbm>> -> memref<10112x64xbf16, #tpu.memory_space<hbm>>
        tpu.wait_indirect_dma semaphore(%arg12 : memref<!tpu.dma_semaphore, #tpu.memory_space<semaphore_mem>>) src(%dma_wait3A_62 : memref<10112x64xbf16, #tpu.memory_space<hbm>>) dst(%arg9 : memref<256x64xbf16, #tpu.memory_space<vmem>>)
        %dma_start3A_63 = arith.constant 0 : i32
        %dma_start3A_64 = tpu.memref_slice %arg8[%add3A_56, %dma_start3A_63] : memref<76x256xi32, #tpu.memory_space<vmem>> -> memref<1x256xi32, #tpu.memory_space<vmem>>
        %dma_start3A_65 = tpu.memref_squeeze %dma_start3A_64 : memref<1x256xi32, #tpu.memory_space<vmem>> -> memref<256xi32, #tpu.memory_space<vmem>>
        %dma_start3A_66 = arith.constant 0 : i32
        %dma_start3A_67 = arith.constant 0 : i32
        %dma_start3A_68 = tpu.memref_slice %arg11[%dma_start3A_66, %dma_start3A_67] : memref<10112x64xbf16, #tpu.memory_space<vmem_shared>> -> memref<10112x64xbf16, #tpu.memory_space<vmem_shared>>
        tpu.enqueue_indirect_dma source(%arg9 : memref<256x64xbf16, #tpu.memory_space<vmem>>) target(%dma_start3A_68 : memref<10112x64xbf16, #tpu.memory_space<vmem_shared>>) offsets(%dma_start3A_65 : memref<256xi32, #tpu.memory_space<vmem>>) semaphore(%arg14 : memref<!tpu.dma_semaphore, #tpu.memory_space<semaphore_mem>>) {add = true}
        %mul3A_69 = arith.constant 2 : i32
        %mul3A_70 = arith.muli %mul3A_69, %scan3A_52 : i32
        %add3A_71 = arith.constant 1 : i32
        %add3A_72 = arith.addi %mul3A_70, %add3A_71 : i32
        %dma_wait3A_73 = arith.constant 0 : i32
        %dma_wait3A_74 = tpu.memref_slice %arg7[%add3A_72, %dma_wait3A_73] : memref<76x256xi32, #tpu.memory_space<vmem>> -> memref<1x256xi32, #tpu.memory_space<vmem>>
        %dma_wait3A_75 = tpu.memref_squeeze %dma_wait3A_74 : memref<1x256xi32, #tpu.memory_space<vmem>> -> memref<256xi32, #tpu.memory_space<vmem>>
        %dma_wait3A_76 = arith.constant 0 : i32
        %dma_wait3A_77 = arith.constant 0 : i32
        %dma_wait3A_78 = tpu.memref_slice %arg2[%dma_wait3A_76, %dma_wait3A_77] : memref<10112x64xbf16, #tpu.memory_space<hbm>> -> memref<10112x64xbf16, #tpu.memory_space<hbm>>
        tpu.wait_indirect_dma semaphore(%arg13 : memref<!tpu.dma_semaphore, #tpu.memory_space<semaphore_mem>>) src(%dma_wait3A_78 : memref<10112x64xbf16, #tpu.memory_space<hbm>>) dst(%arg10 : memref<256x64xbf16, #tpu.memory_space<vmem>>)
        %dma_start3A_79 = arith.constant 0 : i32
        %dma_start3A_80 = tpu.memref_slice %arg8[%add3A_72, %dma_start3A_79] : memref<76x256xi32, #tpu.memory_space<vmem>> -> memref<1x256xi32, #tpu.memory_space<vmem>>
        %dma_start3A_81 = tpu.memref_squeeze %dma_start3A_80 : memref<1x256xi32, #tpu.memory_space<vmem>> -> memref<256xi32, #tpu.memory_space<vmem>>
        %dma_start3A_82 = arith.constant 0 : i32
        %dma_start3A_83 = arith.constant 0 : i32
        %dma_start3A_84 = tpu.memref_slice %arg11[%dma_start3A_82, %dma_start3A_83] : memref<10112x64xbf16, #tpu.memory_space<vmem_shared>> -> memref<10112x64xbf16, #tpu.memory_space<vmem_shared>>
        tpu.enqueue_indirect_dma source(%arg10 : memref<256x64xbf16, #tpu.memory_space<vmem>>) target(%dma_start3A_84 : memref<10112x64xbf16, #tpu.memory_space<vmem_shared>>) offsets(%dma_start3A_81 : memref<256xi32, #tpu.memory_space<vmem>>) semaphore(%arg15 : memref<!tpu.dma_semaphore, #tpu.memory_space<semaphore_mem>>) {add = true}
        %mul3A_85 = arith.constant 2 : i32
        %mul3A_86 = arith.muli %mul3A_85, %scan3A_52 : i32
        %add3A_87 = arith.constant 0 : i32
        %add3A_88 = arith.addi %mul3A_86, %add3A_87 : i32
        %add3A_89 = arith.constant 2 : i32
        %add3A_90 = arith.addi %add3A_88, %add3A_89 : i32
        %lt3A = arith.constant 4 : i32
        %lt3A_91 = arith.cmpi slt, %add3A_90, %lt3A : i32
        %convert_element_type3A_92 = arith.extui %lt3A_91 : i1 to i32
        %cond3A_93 = arith.constant 0 : i32
        %cond3A_94 = arith.cmpi ne, %convert_element_type3A_92, %cond3A_93 : i32
        scf.if %cond3A_94 {
          %dma_wait3A_106 = arith.constant 0 : i32
          %dma_wait3A_107 = tpu.memref_slice %arg8[%add3A_88, %dma_wait3A_106] : memref<76x256xi32, #tpu.memory_space<vmem>> -> memref<1x256xi32, #tpu.memory_space<vmem>>
          %dma_wait3A_108 = tpu.memref_squeeze %dma_wait3A_107 : memref<1x256xi32, #tpu.memory_space<vmem>> -> memref<256xi32, #tpu.memory_space<vmem>>
          %dma_wait3A_109 = arith.constant 0 : i32
          %dma_wait3A_110 = arith.constant 0 : i32
          %dma_wait3A_111 = tpu.memref_slice %arg11[%dma_wait3A_109, %dma_wait3A_110] : memref<10112x64xbf16, #tpu.memory_space<vmem_shared>> -> memref<10112x64xbf16, #tpu.memory_space<vmem_shared>>
          tpu.wait_indirect_dma semaphore(%arg14 : memref<!tpu.dma_semaphore, #tpu.memory_space<semaphore_mem>>) src(%arg9 : memref<256x64xbf16, #tpu.memory_space<vmem>>) dst(%dma_wait3A_111 : memref<10112x64xbf16, #tpu.memory_space<vmem_shared>>)
          %add3A_112 = arith.constant 2 : i32
          %add3A_113 = arith.addi %add3A_88, %add3A_112 : i32
          %dma_start3A_114 = arith.constant 0 : i32
          %dma_start3A_115 = tpu.memref_slice %arg7[%add3A_113, %dma_start3A_114] : memref<76x256xi32, #tpu.memory_space<vmem>> -> memref<1x256xi32, #tpu.memory_space<vmem>>
          %dma_start3A_116 = tpu.memref_squeeze %dma_start3A_115 : memref<1x256xi32, #tpu.memory_space<vmem>> -> memref<256xi32, #tpu.memory_space<vmem>>
          %dma_start3A_117 = arith.constant 0 : i32
          %dma_start3A_118 = arith.constant 0 : i32
          %dma_start3A_119 = tpu.memref_slice %arg2[%dma_start3A_117, %dma_start3A_118] : memref<10112x64xbf16, #tpu.memory_space<hbm>> -> memref<10112x64xbf16, #tpu.memory_space<hbm>>
          tpu.enqueue_indirect_dma source(%dma_start3A_119 : memref<10112x64xbf16, #tpu.memory_space<hbm>>) target(%arg9 : memref<256x64xbf16, #tpu.memory_space<vmem>>) offsets(%dma_start3A_116 : memref<256xi32, #tpu.memory_space<vmem>>) semaphore(%arg12 : memref<!tpu.dma_semaphore, #tpu.memory_space<semaphore_mem>>)
        } else {
        }
        %mul3A_95 = arith.constant 2 : i32
        %mul3A_96 = arith.muli %mul3A_95, %scan3A_52 : i32
        %add3A_97 = arith.constant 1 : i32
        %add3A_98 = arith.addi %mul3A_96, %add3A_97 : i32
        %add3A_99 = arith.constant 2 : i32
        %add3A_100 = arith.addi %add3A_98, %add3A_99 : i32
        %lt3A_101 = arith.constant 4 : i32
        %lt3A_102 = arith.cmpi slt, %add3A_100, %lt3A_101 : i32
        %convert_element_type3A_103 = arith.extui %lt3A_102 : i1 to i32
        %cond3A_104 = arith.constant 0 : i32
        %cond3A_105 = arith.cmpi ne, %convert_element_type3A_103, %cond3A_104 : i32
        scf.if %cond3A_105 {
          %dma_wait3A_106 = arith.constant 0 : i32
          %dma_wait3A_107 = tpu.memref_slice %arg8[%add3A_98, %dma_wait3A_106] : memref<76x256xi32, #tpu.memory_space<vmem>> -> memref<1x256xi32, #tpu.memory_space<vmem>>
          %dma_wait3A_108 = tpu.memref_squeeze %dma_wait3A_107 : memref<1x256xi32, #tpu.memory_space<vmem>> -> memref<256xi32, #tpu.memory_space<vmem>>
          %dma_wait3A_109 = arith.constant 0 : i32
          %dma_wait3A_110 = arith.constant 0 : i32
          %dma_wait3A_111 = tpu.memref_slice %arg11[%dma_wait3A_109, %dma_wait3A_110] : memref<10112x64xbf16, #tpu.memory_space<vmem_shared>> -> memref<10112x64xbf16, #tpu.memory_space<vmem_shared>>
          tpu.wait_indirect_dma semaphore(%arg15 : memref<!tpu.dma_semaphore, #tpu.memory_space<semaphore_mem>>) src(%arg10 : memref<256x64xbf16, #tpu.memory_space<vmem>>) dst(%dma_wait3A_111 : memref<10112x64xbf16, #tpu.memory_space<vmem_shared>>)
          %add3A_112 = arith.constant 2 : i32
          %add3A_113 = arith.addi %add3A_98, %add3A_112 : i32
          %dma_start3A_114 = arith.constant 0 : i32
          %dma_start3A_115 = tpu.memref_slice %arg7[%add3A_113, %dma_start3A_114] : memref<76x256xi32, #tpu.memory_space<vmem>> -> memref<1x256xi32, #tpu.memory_space<vmem>>
          %dma_start3A_116 = tpu.memref_squeeze %dma_start3A_115 : memref<1x256xi32, #tpu.memory_space<vmem>> -> memref<256xi32, #tpu.memory_space<vmem>>
          %dma_start3A_117 = arith.constant 0 : i32
          %dma_start3A_118 = arith.constant 0 : i32
          %dma_start3A_119 = tpu.memref_slice %arg2[%dma_start3A_117, %dma_start3A_118] : memref<10112x64xbf16, #tpu.memory_space<hbm>> -> memref<10112x64xbf16, #tpu.memory_space<hbm>>
          tpu.enqueue_indirect_dma source(%dma_start3A_119 : memref<10112x64xbf16, #tpu.memory_space<hbm>>) target(%arg10 : memref<256x64xbf16, #tpu.memory_space<vmem>>) offsets(%dma_start3A_116 : memref<256xi32, #tpu.memory_space<vmem>>) semaphore(%arg13 : memref<!tpu.dma_semaphore, #tpu.memory_space<semaphore_mem>>)
        } else {
        }
      }
      %scan3A_38 = arith.constant 2 : i32
      %dma_wait3A = arith.constant 2 : i32
      %dma_wait3A_39 = arith.constant 0 : i32
      %dma_wait3A_40 = tpu.memref_slice %arg8[%dma_wait3A, %dma_wait3A_39] : memref<76x256xi32, #tpu.memory_space<vmem>> -> memref<1x256xi32, #tpu.memory_space<vmem>>
      %dma_wait3A_41 = tpu.memref_squeeze %dma_wait3A_40 : memref<1x256xi32, #tpu.memory_space<vmem>> -> memref<256xi32, #tpu.memory_space<vmem>>
      %dma_wait3A_42 = arith.constant 0 : i32
      %dma_wait3A_43 = arith.constant 0 : i32
      %dma_wait3A_44 = tpu.memref_slice %arg11[%dma_wait3A_42, %dma_wait3A_43] : memref<10112x64xbf16, #tpu.memory_space<vmem_shared>> -> memref<10112x64xbf16, #tpu.memory_space<vmem_shared>>
      tpu.wait_indirect_dma semaphore(%arg14 : memref<!tpu.dma_semaphore, #tpu.memory_space<semaphore_mem>>) src(%arg9 : memref<256x64xbf16, #tpu.memory_space<vmem>>) dst(%dma_wait3A_44 : memref<10112x64xbf16, #tpu.memory_space<vmem_shared>>)
      %dma_wait3A_45 = arith.constant 3 : i32
      %dma_wait3A_46 = arith.constant 0 : i32
      %dma_wait3A_47 = tpu.memref_slice %arg8[%dma_wait3A_45, %dma_wait3A_46] : memref<76x256xi32, #tpu.memory_space<vmem>> -> memref<1x256xi32, #tpu.memory_space<vmem>>
      %dma_wait3A_48 = tpu.memref_squeeze %dma_wait3A_47 : memref<1x256xi32, #tpu.memory_space<vmem>> -> memref<256xi32, #tpu.memory_space<vmem>>
      %dma_wait3A_49 = arith.constant 0 : i32
      %dma_wait3A_50 = arith.constant 0 : i32
      %dma_wait3A_51 = tpu.memref_slice %arg11[%dma_wait3A_49, %dma_wait3A_50] : memref<10112x64xbf16, #tpu.memory_space<vmem_shared>> -> memref<10112x64xbf16, #tpu.memory_space<vmem_shared>>
      tpu.wait_indirect_dma semaphore(%arg15 : memref<!tpu.dma_semaphore, #tpu.memory_space<semaphore_mem>>) src(%arg10 : memref<256x64xbf16, #tpu.memory_space<vmem>>) dst(%dma_wait3A_51 : memref<10112x64xbf16, #tpu.memory_space<vmem_shared>>)
    } else {
    }
    %barrier3A = arith.constant 0 : index
    tpu.barrier barrier_id(%barrier3A)
    %mul3A_11 = arith.constant 632 : i32
    %mul3A_12 = arith.muli %arg1, %mul3A_11 : i32
    %multiple_of3A_13 = tpu.assume_multiple %mul3A_12, 8 : i32
    %mul3A_14 = arith.constant 632 : i32
    %mul3A_15 = arith.muli %arg1, %mul3A_14 : i32
    %multiple_of3A_16 = tpu.assume_multiple %mul3A_15, 8 : i32
    "tpu.region"() ({
      %run_scoped3A = tpu.sem_alloc : memref<!tpu.dma_semaphore, #tpu.memory_space<semaphore_mem>>
      %dma_start3A = arith.constant 0 : i32
      %dma_start3A_17 = tpu.memref_slice %arg6[%arg0, %multiple_of3A_16, %dma_start3A] : memref<2x10112x64xbf16, #tpu.memory_space<hbm>> -> memref<1x632x64xbf16, #tpu.memory_space<hbm>>
      %dma_start3A_18 = tpu.memref_squeeze %dma_start3A_17 : memref<1x632x64xbf16, #tpu.memory_space<hbm>> -> memref<632x64xbf16, #tpu.memory_space<hbm>>
      %dma_start3A_19 = arith.constant 0 : i32
      %dma_start3A_20 = tpu.memref_slice %arg11[%multiple_of3A_13, %dma_start3A_19] : memref<10112x64xbf16, #tpu.memory_space<vmem_shared>> -> memref<632x64xbf16, #tpu.memory_space<vmem_shared>>
      tpu.enqueue_dma source(%dma_start3A_20 : memref<632x64xbf16, #tpu.memory_space<vmem_shared>>) target(%dma_start3A_18 : memref<632x64xbf16, #tpu.memory_space<hbm>>) target_semaphore(%run_scoped3A : memref<!tpu.dma_semaphore, #tpu.memory_space<semaphore_mem>>)
      %dma_wait3A = arith.constant 0 : i32
      %dma_wait3A_21 = tpu.memref_slice %arg6[%arg0, %multiple_of3A_16, %dma_wait3A] : memref<2x10112x64xbf16, #tpu.memory_space<hbm>> -> memref<1x632x64xbf16, #tpu.memory_space<hbm>>
      %dma_wait3A_22 = tpu.memref_squeeze %dma_wait3A_21 : memref<1x632x64xbf16, #tpu.memory_space<hbm>> -> memref<632x64xbf16, #tpu.memory_space<hbm>>
      %dma_wait3A_23 = arith.constant 0 : i32
      %dma_wait3A_24 = tpu.memref_slice %arg11[%multiple_of3A_13, %dma_wait3A_23] : memref<10112x64xbf16, #tpu.memory_space<vmem_shared>> -> memref<632x64xbf16, #tpu.memory_space<vmem_shared>>
      tpu.wait_dma2 semaphore(%run_scoped3A : memref<!tpu.dma_semaphore, #tpu.memory_space<semaphore_mem>>) src(%dma_wait3A_24 : memref<632x64xbf16, #tpu.memory_space<vmem_shared>>) dst(%dma_wait3A_22 : memref<632x64xbf16, #tpu.memory_space<hbm>>)
      tpu.yield
    }) : () -> ()
    return
  }
}

#map = affine_map<(d0, d1) -> (0, 0)>
#map1 = affine_map<(d0, d1) -> (0, 0, 0)>
module attributes {stable_mosaic.version = 14 : i64} {
  func.func @_sc_agg(%arg0: i32, %arg1: i32, %arg2: memref<10112x64xbf16, #tpu.memory_space<hbm>>, %arg3: memref<1280x256xi32, #tpu.memory_space<hbm>>, %arg4: memref<1280x256xi32, #tpu.memory_space<hbm>>, %arg5: memref<10112x64xbf16, #tpu.memory_space<hbm>>, %arg6: memref<2x10112x64xbf16, #tpu.memory_space<hbm>>, %arg7: memref<76x256xi32, #tpu.memory_space<vmem>>, %arg8: memref<76x256xi32, #tpu.memory_space<vmem>>, %arg9: memref<256x64xbf16, #tpu.memory_space<vmem>>, %arg10: memref<256x64xbf16, #tpu.memory_space<vmem>>, %arg11: memref<10112x64xbf16, #tpu.memory_space<vmem_shared>>, %arg12: memref<!tpu.dma_semaphore, #tpu.memory_space<semaphore_mem>>, %arg13: memref<!tpu.dma_semaphore, #tpu.memory_space<semaphore_mem>>, %arg14: memref<!tpu.dma_semaphore, #tpu.memory_space<semaphore_mem>>, %arg15: memref<!tpu.dma_semaphore, #tpu.memory_space<semaphore_mem>>) attributes {dimension_semantics = [#tpu.dimension_semantics<core_parallel>, #tpu.dimension_semantics<subcore_parallel>], iteration_bounds = array<i64: 2, 16>, scalar_prefetch = 0 : i64, scratch_operands = 9 : i64, tpu.core_type = #tpu.core_type<sc_vector_subcore>, window_params = [{transform_indices = #map}, {transform_indices = #map}, {transform_indices = #map}, {transform_indices = #map}, {transform_indices = #map1}]} {
    %mul3A = arith.constant 632 : i32
    %mul3A_0 = arith.muli %arg1, %mul3A : i32
    %multiple_of3A = tpu.assume_multiple %mul3A_0, 8 : i32
    %mul3A_1 = arith.constant 632 : i32
    %mul3A_2 = arith.muli %arg1, %mul3A_1 : i32
    %multiple_of3A_3 = tpu.assume_multiple %mul3A_2, 8 : i32
    "tpu.region"() ({
      %run_scoped3A = tpu.sem_alloc : memref<!tpu.dma_semaphore, #tpu.memory_space<semaphore_mem>>
      %dma_start3A = arith.constant 0 : i32
      %dma_start3A_17 = tpu.memref_slice %arg11[%multiple_of3A_3, %dma_start3A] : memref<10112x64xbf16, #tpu.memory_space<vmem_shared>> -> memref<632x64xbf16, #tpu.memory_space<vmem_shared>>
      %dma_start3A_18 = arith.constant 0 : i32
      %dma_start3A_19 = tpu.memref_slice %arg5[%multiple_of3A, %dma_start3A_18] : memref<10112x64xbf16, #tpu.memory_space<hbm>> -> memref<632x64xbf16, #tpu.memory_space<hbm>>
      tpu.enqueue_dma source(%dma_start3A_19 : memref<632x64xbf16, #tpu.memory_space<hbm>>) target(%dma_start3A_17 : memref<632x64xbf16, #tpu.memory_space<vmem_shared>>) target_semaphore(%run_scoped3A : memref<!tpu.dma_semaphore, #tpu.memory_space<semaphore_mem>>)
      %dma_wait3A = arith.constant 0 : i32
      %dma_wait3A_20 = tpu.memref_slice %arg11[%multiple_of3A_3, %dma_wait3A] : memref<10112x64xbf16, #tpu.memory_space<vmem_shared>> -> memref<632x64xbf16, #tpu.memory_space<vmem_shared>>
      %dma_wait3A_21 = arith.constant 0 : i32
      %dma_wait3A_22 = tpu.memref_slice %arg5[%multiple_of3A, %dma_wait3A_21] : memref<10112x64xbf16, #tpu.memory_space<hbm>> -> memref<632x64xbf16, #tpu.memory_space<hbm>>
      tpu.wait_dma2 semaphore(%run_scoped3A : memref<!tpu.dma_semaphore, #tpu.memory_space<semaphore_mem>>) src(%dma_wait3A_22 : memref<632x64xbf16, #tpu.memory_space<hbm>>) dst(%dma_wait3A_20 : memref<632x64xbf16, #tpu.memory_space<vmem_shared>>)
      tpu.yield
    }) : () -> ()
    %eq3A = arith.constant 0 : i32
    %eq3A_4 = arith.cmpi eq, %arg0, %eq3A : i32
    %convert_element_type3A = arith.extui %eq3A_4 : i1 to i32
    %cond3A = arith.constant 0 : i32
    %cond3A_5 = arith.cmpi ne, %convert_element_type3A, %cond3A : i32
    scf.if %cond3A_5 {
      %mul3A_17 = arith.constant 76 : i32
      %mul3A_18 = arith.muli %arg1, %mul3A_17 : i32
      %multiple_of3A_19 = tpu.assume_multiple %mul3A_18, 8 : i32
      "tpu.region"() ({
        %run_scoped3A = tpu.sem_alloc : memref<!tpu.dma_semaphore, #tpu.memory_space<semaphore_mem>>
        %dma_start3A_51 = arith.constant 0 : i32
        %dma_start3A_52 = arith.constant 0 : i32
        %dma_start3A_53 = tpu.memref_slice %arg7[%dma_start3A_51, %dma_start3A_52] : memref<76x256xi32, #tpu.memory_space<vmem>> -> memref<76x256xi32, #tpu.memory_space<vmem>>
        %dma_start3A_54 = arith.constant 0 : i32
        %dma_start3A_55 = tpu.memref_slice %arg3[%multiple_of3A_19, %dma_start3A_54] : memref<1280x256xi32, #tpu.memory_space<hbm>> -> memref<76x256xi32, #tpu.memory_space<hbm>>
        %dma_start3A_56 = arith.constant 0 : i32
        %dma_start3A_57 = arith.constant 0 : i32
        %dma_start3A_58 = tpu.memref_slice %arg7[%dma_start3A_56, %dma_start3A_57] : memref<76x256xi32, #tpu.memory_space<vmem>> -> memref<76x256xi32, #tpu.memory_space<vmem>>
        %dma_start3A_59 = arith.constant 0 : i32
        %dma_start3A_60 = tpu.memref_slice %arg3[%multiple_of3A_19, %dma_start3A_59] : memref<1280x256xi32, #tpu.memory_space<hbm>> -> memref<76x256xi32, #tpu.memory_space<hbm>>
        tpu.enqueue_dma source(%dma_start3A_60 : memref<76x256xi32, #tpu.memory_space<hbm>>) target(%dma_start3A_58 : memref<76x256xi32, #tpu.memory_space<vmem>>) target_semaphore(%run_scoped3A : memref<!tpu.dma_semaphore, #tpu.memory_space<semaphore_mem>>)
        %dma_wait3A_61 = arith.constant 0 : i32
        %dma_wait3A_62 = arith.constant 0 : i32
        %dma_wait3A_63 = tpu.memref_slice %arg7[%dma_wait3A_61, %dma_wait3A_62] : memref<76x256xi32, #tpu.memory_space<vmem>> -> memref<76x256xi32, #tpu.memory_space<vmem>>
        %dma_wait3A_64 = arith.constant 0 : i32
        %dma_wait3A_65 = tpu.memref_slice %arg3[%multiple_of3A_19, %dma_wait3A_64] : memref<1280x256xi32, #tpu.memory_space<hbm>> -> memref<76x256xi32, #tpu.memory_space<hbm>>
        %dma_wait3A_66 = arith.constant 0 : i32
        %dma_wait3A_67 = arith.constant 0 : i32
        %dma_wait3A_68 = tpu.memref_slice %arg7[%dma_wait3A_66, %dma_wait3A_67] : memref<76x256xi32, #tpu.memory_space<vmem>> -> memref<76x256xi32, #tpu.memory_space<vmem>>
        %dma_wait3A_69 = arith.constant 0 : i32
        %dma_wait3A_70 = tpu.memref_slice %arg3[%multiple_of3A_19, %dma_wait3A_69] : memref<1280x256xi32, #tpu.memory_space<hbm>> -> memref<76x256xi32, #tpu.memory_space<hbm>>
        tpu.wait_dma2 semaphore(%run_scoped3A : memref<!tpu.dma_semaphore, #tpu.memory_space<semaphore_mem>>) src(%dma_wait3A_70 : memref<76x256xi32, #tpu.memory_space<hbm>>) dst(%dma_wait3A_68 : memref<76x256xi32, #tpu.memory_space<vmem>>)
        tpu.yield
      }) : () -> ()
      "tpu.region"() ({
        %run_scoped3A = tpu.sem_alloc : memref<!tpu.dma_semaphore, #tpu.memory_space<semaphore_mem>>
        %dma_start3A_51 = arith.constant 0 : i32
        %dma_start3A_52 = arith.constant 0 : i32
        %dma_start3A_53 = tpu.memref_slice %arg8[%dma_start3A_51, %dma_start3A_52] : memref<76x256xi32, #tpu.memory_space<vmem>> -> memref<76x256xi32, #tpu.memory_space<vmem>>
        %dma_start3A_54 = arith.constant 0 : i32
        %dma_start3A_55 = tpu.memref_slice %arg4[%multiple_of3A_19, %dma_start3A_54] : memref<1280x256xi32, #tpu.memory_space<hbm>> -> memref<76x256xi32, #tpu.memory_space<hbm>>
        %dma_start3A_56 = arith.constant 0 : i32
        %dma_start3A_57 = arith.constant 0 : i32
        %dma_start3A_58 = tpu.memref_slice %arg8[%dma_start3A_56, %dma_start3A_57] : memref<76x256xi32, #tpu.memory_space<vmem>> -> memref<76x256xi32, #tpu.memory_space<vmem>>
        %dma_start3A_59 = arith.constant 0 : i32
        %dma_start3A_60 = tpu.memref_slice %arg4[%multiple_of3A_19, %dma_start3A_59] : memref<1280x256xi32, #tpu.memory_space<hbm>> -> memref<76x256xi32, #tpu.memory_space<hbm>>
        tpu.enqueue_dma source(%dma_start3A_60 : memref<76x256xi32, #tpu.memory_space<hbm>>) target(%dma_start3A_58 : memref<76x256xi32, #tpu.memory_space<vmem>>) target_semaphore(%run_scoped3A : memref<!tpu.dma_semaphore, #tpu.memory_space<semaphore_mem>>)
        %dma_wait3A_61 = arith.constant 0 : i32
        %dma_wait3A_62 = arith.constant 0 : i32
        %dma_wait3A_63 = tpu.memref_slice %arg8[%dma_wait3A_61, %dma_wait3A_62] : memref<76x256xi32, #tpu.memory_space<vmem>> -> memref<76x256xi32, #tpu.memory_space<vmem>>
        %dma_wait3A_64 = arith.constant 0 : i32
        %dma_wait3A_65 = tpu.memref_slice %arg4[%multiple_of3A_19, %dma_wait3A_64] : memref<1280x256xi32, #tpu.memory_space<hbm>> -> memref<76x256xi32, #tpu.memory_space<hbm>>
        %dma_wait3A_66 = arith.constant 0 : i32
        %dma_wait3A_67 = arith.constant 0 : i32
        %dma_wait3A_68 = tpu.memref_slice %arg8[%dma_wait3A_66, %dma_wait3A_67] : memref<76x256xi32, #tpu.memory_space<vmem>> -> memref<76x256xi32, #tpu.memory_space<vmem>>
        %dma_wait3A_69 = arith.constant 0 : i32
        %dma_wait3A_70 = tpu.memref_slice %arg4[%multiple_of3A_19, %dma_wait3A_69] : memref<1280x256xi32, #tpu.memory_space<hbm>> -> memref<76x256xi32, #tpu.memory_space<hbm>>
        tpu.wait_dma2 semaphore(%run_scoped3A : memref<!tpu.dma_semaphore, #tpu.memory_space<semaphore_mem>>) src(%dma_wait3A_70 : memref<76x256xi32, #tpu.memory_space<hbm>>) dst(%dma_wait3A_68 : memref<76x256xi32, #tpu.memory_space<vmem>>)
        tpu.yield
      }) : () -> ()
      %dma_start3A = arith.constant 0 : i32
      %dma_start3A_20 = arith.constant 0 : i32
      %dma_start3A_21 = tpu.memref_slice %arg7[%dma_start3A, %dma_start3A_20] : memref<76x256xi32, #tpu.memory_space<vmem>> -> memref<1x256xi32, #tpu.memory_space<vmem>>
      %dma_start3A_22 = tpu.memref_squeeze %dma_start3A_21 : memref<1x256xi32, #tpu.memory_space<vmem>> -> memref<256xi32, #tpu.memory_space<vmem>>
      %dma_start3A_23 = arith.constant 0 : i32
      %dma_start3A_24 = arith.constant 0 : i32
      %dma_start3A_25 = tpu.memref_slice %arg2[%dma_start3A_23, %dma_start3A_24] : memref<10112x64xbf16, #tpu.memory_space<hbm>> -> memref<10112x64xbf16, #tpu.memory_space<hbm>>
      tpu.enqueue_indirect_dma source(%dma_start3A_25 : memref<10112x64xbf16, #tpu.memory_space<hbm>>) target(%arg9 : memref<256x64xbf16, #tpu.memory_space<vmem>>) offsets(%dma_start3A_22 : memref<256xi32, #tpu.memory_space<vmem>>) semaphore(%arg12 : memref<!tpu.dma_semaphore, #tpu.memory_space<semaphore_mem>>)
      %dma_start3A_26 = arith.constant 1 : i32
      %dma_start3A_27 = arith.constant 0 : i32
      %dma_start3A_28 = tpu.memref_slice %arg7[%dma_start3A_26, %dma_start3A_27] : memref<76x256xi32, #tpu.memory_space<vmem>> -> memref<1x256xi32, #tpu.memory_space<vmem>>
      %dma_start3A_29 = tpu.memref_squeeze %dma_start3A_28 : memref<1x256xi32, #tpu.memory_space<vmem>> -> memref<256xi32, #tpu.memory_space<vmem>>
      %dma_start3A_30 = arith.constant 0 : i32
      %dma_start3A_31 = arith.constant 0 : i32
      %dma_start3A_32 = tpu.memref_slice %arg2[%dma_start3A_30, %dma_start3A_31] : memref<10112x64xbf16, #tpu.memory_space<hbm>> -> memref<10112x64xbf16, #tpu.memory_space<hbm>>
      tpu.enqueue_indirect_dma source(%dma_start3A_32 : memref<10112x64xbf16, #tpu.memory_space<hbm>>) target(%arg10 : memref<256x64xbf16, #tpu.memory_space<vmem>>) offsets(%dma_start3A_29 : memref<256xi32, #tpu.memory_space<vmem>>) semaphore(%arg13 : memref<!tpu.dma_semaphore, #tpu.memory_space<semaphore_mem>>)
      %scan3A = arith.constant 0 : i32
      %scan3A_33 = arith.constant 0 : i32
      %scan3A_34 = arith.constant 38 : i32
      %scan3A_35 = arith.addi %scan3A_33, %scan3A_34 : i32
      %scan3A_36 = arith.constant 1 : i32
      scf.for %scan3A_51 = %scan3A_33 to %scan3A_35 step %scan3A_36  : i32 {
        %mul3A_52 = arith.constant 2 : i32
        %mul3A_53 = arith.muli %mul3A_52, %scan3A_51 : i32
        %add3A = arith.constant 0 : i32
        %add3A_54 = arith.addi %mul3A_53, %add3A : i32
        %dma_wait3A_55 = arith.constant 0 : i32
        %dma_wait3A_56 = tpu.memref_slice %arg7[%add3A_54, %dma_wait3A_55] : memref<76x256xi32, #tpu.memory_space<vmem>> -> memref<1x256xi32, #tpu.memory_space<vmem>>
        %dma_wait3A_57 = tpu.memref_squeeze %dma_wait3A_56 : memref<1x256xi32, #tpu.memory_space<vmem>> -> memref<256xi32, #tpu.memory_space<vmem>>
        %dma_wait3A_58 = arith.constant 0 : i32
        %dma_wait3A_59 = arith.constant 0 : i32
        %dma_wait3A_60 = tpu.memref_slice %arg2[%dma_wait3A_58, %dma_wait3A_59] : memref<10112x64xbf16, #tpu.memory_space<hbm>> -> memref<10112x64xbf16, #tpu.memory_space<hbm>>
        tpu.wait_indirect_dma semaphore(%arg12 : memref<!tpu.dma_semaphore, #tpu.memory_space<semaphore_mem>>) src(%dma_wait3A_60 : memref<10112x64xbf16, #tpu.memory_space<hbm>>) dst(%arg9 : memref<256x64xbf16, #tpu.memory_space<vmem>>)
        %dma_start3A_61 = arith.constant 0 : i32
        %dma_start3A_62 = tpu.memref_slice %arg8[%add3A_54, %dma_start3A_61] : memref<76x256xi32, #tpu.memory_space<vmem>> -> memref<1x256xi32, #tpu.memory_space<vmem>>
        %dma_start3A_63 = tpu.memref_squeeze %dma_start3A_62 : memref<1x256xi32, #tpu.memory_space<vmem>> -> memref<256xi32, #tpu.memory_space<vmem>>
        %dma_start3A_64 = arith.constant 0 : i32
        %dma_start3A_65 = arith.constant 0 : i32
        %dma_start3A_66 = tpu.memref_slice %arg11[%dma_start3A_64, %dma_start3A_65] : memref<10112x64xbf16, #tpu.memory_space<vmem_shared>> -> memref<10112x64xbf16, #tpu.memory_space<vmem_shared>>
        tpu.enqueue_indirect_dma source(%arg9 : memref<256x64xbf16, #tpu.memory_space<vmem>>) target(%dma_start3A_66 : memref<10112x64xbf16, #tpu.memory_space<vmem_shared>>) offsets(%dma_start3A_63 : memref<256xi32, #tpu.memory_space<vmem>>) semaphore(%arg14 : memref<!tpu.dma_semaphore, #tpu.memory_space<semaphore_mem>>) {add = true}
        %mul3A_67 = arith.constant 2 : i32
        %mul3A_68 = arith.muli %mul3A_67, %scan3A_51 : i32
        %add3A_69 = arith.constant 1 : i32
        %add3A_70 = arith.addi %mul3A_68, %add3A_69 : i32
        %dma_wait3A_71 = arith.constant 0 : i32
        %dma_wait3A_72 = tpu.memref_slice %arg7[%add3A_70, %dma_wait3A_71] : memref<76x256xi32, #tpu.memory_space<vmem>> -> memref<1x256xi32, #tpu.memory_space<vmem>>
        %dma_wait3A_73 = tpu.memref_squeeze %dma_wait3A_72 : memref<1x256xi32, #tpu.memory_space<vmem>> -> memref<256xi32, #tpu.memory_space<vmem>>
        %dma_wait3A_74 = arith.constant 0 : i32
        %dma_wait3A_75 = arith.constant 0 : i32
        %dma_wait3A_76 = tpu.memref_slice %arg2[%dma_wait3A_74, %dma_wait3A_75] : memref<10112x64xbf16, #tpu.memory_space<hbm>> -> memref<10112x64xbf16, #tpu.memory_space<hbm>>
        tpu.wait_indirect_dma semaphore(%arg13 : memref<!tpu.dma_semaphore, #tpu.memory_space<semaphore_mem>>) src(%dma_wait3A_76 : memref<10112x64xbf16, #tpu.memory_space<hbm>>) dst(%arg10 : memref<256x64xbf16, #tpu.memory_space<vmem>>)
        %dma_start3A_77 = arith.constant 0 : i32
        %dma_start3A_78 = tpu.memref_slice %arg8[%add3A_70, %dma_start3A_77] : memref<76x256xi32, #tpu.memory_space<vmem>> -> memref<1x256xi32, #tpu.memory_space<vmem>>
        %dma_start3A_79 = tpu.memref_squeeze %dma_start3A_78 : memref<1x256xi32, #tpu.memory_space<vmem>> -> memref<256xi32, #tpu.memory_space<vmem>>
        %dma_start3A_80 = arith.constant 0 : i32
        %dma_start3A_81 = arith.constant 0 : i32
        %dma_start3A_82 = tpu.memref_slice %arg11[%dma_start3A_80, %dma_start3A_81] : memref<10112x64xbf16, #tpu.memory_space<vmem_shared>> -> memref<10112x64xbf16, #tpu.memory_space<vmem_shared>>
        tpu.enqueue_indirect_dma source(%arg10 : memref<256x64xbf16, #tpu.memory_space<vmem>>) target(%dma_start3A_82 : memref<10112x64xbf16, #tpu.memory_space<vmem_shared>>) offsets(%dma_start3A_79 : memref<256xi32, #tpu.memory_space<vmem>>) semaphore(%arg15 : memref<!tpu.dma_semaphore, #tpu.memory_space<semaphore_mem>>) {add = true}
        %mul3A_83 = arith.constant 2 : i32
        %mul3A_84 = arith.muli %mul3A_83, %scan3A_51 : i32
        %add3A_85 = arith.constant 0 : i32
        %add3A_86 = arith.addi %mul3A_84, %add3A_85 : i32
        %add3A_87 = arith.constant 2 : i32
        %add3A_88 = arith.addi %add3A_86, %add3A_87 : i32
        %lt3A = arith.constant 76 : i32
        %lt3A_89 = arith.cmpi slt, %add3A_88, %lt3A : i32
        %convert_element_type3A_90 = arith.extui %lt3A_89 : i1 to i32
        %cond3A_91 = arith.constant 0 : i32
        %cond3A_92 = arith.cmpi ne, %convert_element_type3A_90, %cond3A_91 : i32
        scf.if %cond3A_92 {
          %dma_wait3A_104 = arith.constant 0 : i32
          %dma_wait3A_105 = tpu.memref_slice %arg8[%add3A_86, %dma_wait3A_104] : memref<76x256xi32, #tpu.memory_space<vmem>> -> memref<1x256xi32, #tpu.memory_space<vmem>>
          %dma_wait3A_106 = tpu.memref_squeeze %dma_wait3A_105 : memref<1x256xi32, #tpu.memory_space<vmem>> -> memref<256xi32, #tpu.memory_space<vmem>>
          %dma_wait3A_107 = arith.constant 0 : i32
          %dma_wait3A_108 = arith.constant 0 : i32
          %dma_wait3A_109 = tpu.memref_slice %arg11[%dma_wait3A_107, %dma_wait3A_108] : memref<10112x64xbf16, #tpu.memory_space<vmem_shared>> -> memref<10112x64xbf16, #tpu.memory_space<vmem_shared>>
          tpu.wait_indirect_dma semaphore(%arg14 : memref<!tpu.dma_semaphore, #tpu.memory_space<semaphore_mem>>) src(%arg9 : memref<256x64xbf16, #tpu.memory_space<vmem>>) dst(%dma_wait3A_109 : memref<10112x64xbf16, #tpu.memory_space<vmem_shared>>)
          %add3A_110 = arith.constant 2 : i32
          %add3A_111 = arith.addi %add3A_86, %add3A_110 : i32
          %dma_start3A_112 = arith.constant 0 : i32
          %dma_start3A_113 = tpu.memref_slice %arg7[%add3A_111, %dma_start3A_112] : memref<76x256xi32, #tpu.memory_space<vmem>> -> memref<1x256xi32, #tpu.memory_space<vmem>>
          %dma_start3A_114 = tpu.memref_squeeze %dma_start3A_113 : memref<1x256xi32, #tpu.memory_space<vmem>> -> memref<256xi32, #tpu.memory_space<vmem>>
          %dma_start3A_115 = arith.constant 0 : i32
          %dma_start3A_116 = arith.constant 0 : i32
          %dma_start3A_117 = tpu.memref_slice %arg2[%dma_start3A_115, %dma_start3A_116] : memref<10112x64xbf16, #tpu.memory_space<hbm>> -> memref<10112x64xbf16, #tpu.memory_space<hbm>>
          tpu.enqueue_indirect_dma source(%dma_start3A_117 : memref<10112x64xbf16, #tpu.memory_space<hbm>>) target(%arg9 : memref<256x64xbf16, #tpu.memory_space<vmem>>) offsets(%dma_start3A_114 : memref<256xi32, #tpu.memory_space<vmem>>) semaphore(%arg12 : memref<!tpu.dma_semaphore, #tpu.memory_space<semaphore_mem>>)
        } else {
        }
        %mul3A_93 = arith.constant 2 : i32
        %mul3A_94 = arith.muli %mul3A_93, %scan3A_51 : i32
        %add3A_95 = arith.constant 1 : i32
        %add3A_96 = arith.addi %mul3A_94, %add3A_95 : i32
        %add3A_97 = arith.constant 2 : i32
        %add3A_98 = arith.addi %add3A_96, %add3A_97 : i32
        %lt3A_99 = arith.constant 76 : i32
        %lt3A_100 = arith.cmpi slt, %add3A_98, %lt3A_99 : i32
        %convert_element_type3A_101 = arith.extui %lt3A_100 : i1 to i32
        %cond3A_102 = arith.constant 0 : i32
        %cond3A_103 = arith.cmpi ne, %convert_element_type3A_101, %cond3A_102 : i32
        scf.if %cond3A_103 {
          %dma_wait3A_104 = arith.constant 0 : i32
          %dma_wait3A_105 = tpu.memref_slice %arg8[%add3A_96, %dma_wait3A_104] : memref<76x256xi32, #tpu.memory_space<vmem>> -> memref<1x256xi32, #tpu.memory_space<vmem>>
          %dma_wait3A_106 = tpu.memref_squeeze %dma_wait3A_105 : memref<1x256xi32, #tpu.memory_space<vmem>> -> memref<256xi32, #tpu.memory_space<vmem>>
          %dma_wait3A_107 = arith.constant 0 : i32
          %dma_wait3A_108 = arith.constant 0 : i32
          %dma_wait3A_109 = tpu.memref_slice %arg11[%dma_wait3A_107, %dma_wait3A_108] : memref<10112x64xbf16, #tpu.memory_space<vmem_shared>> -> memref<10112x64xbf16, #tpu.memory_space<vmem_shared>>
          tpu.wait_indirect_dma semaphore(%arg15 : memref<!tpu.dma_semaphore, #tpu.memory_space<semaphore_mem>>) src(%arg10 : memref<256x64xbf16, #tpu.memory_space<vmem>>) dst(%dma_wait3A_109 : memref<10112x64xbf16, #tpu.memory_space<vmem_shared>>)
          %add3A_110 = arith.constant 2 : i32
          %add3A_111 = arith.addi %add3A_96, %add3A_110 : i32
          %dma_start3A_112 = arith.constant 0 : i32
          %dma_start3A_113 = tpu.memref_slice %arg7[%add3A_111, %dma_start3A_112] : memref<76x256xi32, #tpu.memory_space<vmem>> -> memref<1x256xi32, #tpu.memory_space<vmem>>
          %dma_start3A_114 = tpu.memref_squeeze %dma_start3A_113 : memref<1x256xi32, #tpu.memory_space<vmem>> -> memref<256xi32, #tpu.memory_space<vmem>>
          %dma_start3A_115 = arith.constant 0 : i32
          %dma_start3A_116 = arith.constant 0 : i32
          %dma_start3A_117 = tpu.memref_slice %arg2[%dma_start3A_115, %dma_start3A_116] : memref<10112x64xbf16, #tpu.memory_space<hbm>> -> memref<10112x64xbf16, #tpu.memory_space<hbm>>
          tpu.enqueue_indirect_dma source(%dma_start3A_117 : memref<10112x64xbf16, #tpu.memory_space<hbm>>) target(%arg10 : memref<256x64xbf16, #tpu.memory_space<vmem>>) offsets(%dma_start3A_114 : memref<256xi32, #tpu.memory_space<vmem>>) semaphore(%arg13 : memref<!tpu.dma_semaphore, #tpu.memory_space<semaphore_mem>>)
        } else {
        }
      }
      %scan3A_37 = arith.constant 38 : i32
      %dma_wait3A = arith.constant 74 : i32
      %dma_wait3A_38 = arith.constant 0 : i32
      %dma_wait3A_39 = tpu.memref_slice %arg8[%dma_wait3A, %dma_wait3A_38] : memref<76x256xi32, #tpu.memory_space<vmem>> -> memref<1x256xi32, #tpu.memory_space<vmem>>
      %dma_wait3A_40 = tpu.memref_squeeze %dma_wait3A_39 : memref<1x256xi32, #tpu.memory_space<vmem>> -> memref<256xi32, #tpu.memory_space<vmem>>
      %dma_wait3A_41 = arith.constant 0 : i32
      %dma_wait3A_42 = arith.constant 0 : i32
      %dma_wait3A_43 = tpu.memref_slice %arg11[%dma_wait3A_41, %dma_wait3A_42] : memref<10112x64xbf16, #tpu.memory_space<vmem_shared>> -> memref<10112x64xbf16, #tpu.memory_space<vmem_shared>>
      tpu.wait_indirect_dma semaphore(%arg14 : memref<!tpu.dma_semaphore, #tpu.memory_space<semaphore_mem>>) src(%arg9 : memref<256x64xbf16, #tpu.memory_space<vmem>>) dst(%dma_wait3A_43 : memref<10112x64xbf16, #tpu.memory_space<vmem_shared>>)
      %dma_wait3A_44 = arith.constant 75 : i32
      %dma_wait3A_45 = arith.constant 0 : i32
      %dma_wait3A_46 = tpu.memref_slice %arg8[%dma_wait3A_44, %dma_wait3A_45] : memref<76x256xi32, #tpu.memory_space<vmem>> -> memref<1x256xi32, #tpu.memory_space<vmem>>
      %dma_wait3A_47 = tpu.memref_squeeze %dma_wait3A_46 : memref<1x256xi32, #tpu.memory_space<vmem>> -> memref<256xi32, #tpu.memory_space<vmem>>
      %dma_wait3A_48 = arith.constant 0 : i32
      %dma_wait3A_49 = arith.constant 0 : i32
      %dma_wait3A_50 = tpu.memref_slice %arg11[%dma_wait3A_48, %dma_wait3A_49] : memref<10112x64xbf16, #tpu.memory_space<vmem_shared>> -> memref<10112x64xbf16, #tpu.memory_space<vmem_shared>>
      tpu.wait_indirect_dma semaphore(%arg15 : memref<!tpu.dma_semaphore, #tpu.memory_space<semaphore_mem>>) src(%arg10 : memref<256x64xbf16, #tpu.memory_space<vmem>>) dst(%dma_wait3A_50 : memref<10112x64xbf16, #tpu.memory_space<vmem_shared>>)
    } else {
    }
    %eq3A_6 = arith.constant 1 : i32
    %eq3A_7 = arith.cmpi eq, %arg0, %eq3A_6 : i32
    %convert_element_type3A_8 = arith.extui %eq3A_7 : i1 to i32
    %cond3A_9 = arith.constant 0 : i32
    %cond3A_10 = arith.cmpi ne, %convert_element_type3A_8, %cond3A_9 : i32
    scf.if %cond3A_10 {
      %mul3A_17 = arith.constant 4 : i32
      %mul3A_18 = arith.muli %arg1, %mul3A_17 : i32
      %add3A = arith.constant 1216 : i32
      %add3A_19 = arith.addi %add3A, %mul3A_18 : i32
      %multiple_of3A_20 = tpu.assume_multiple %add3A_19, 8 : i32
      "tpu.region"() ({
        %run_scoped3A = tpu.sem_alloc : memref<!tpu.dma_semaphore, #tpu.memory_space<semaphore_mem>>
        %dma_start3A_52 = arith.constant 0 : i32
        %dma_start3A_53 = arith.constant 0 : i32
        %dma_start3A_54 = tpu.memref_slice %arg7[%dma_start3A_52, %dma_start3A_53] : memref<76x256xi32, #tpu.memory_space<vmem>> -> memref<4x256xi32, #tpu.memory_space<vmem>>
        %dma_start3A_55 = arith.constant 0 : i32
        %dma_start3A_56 = tpu.memref_slice %arg3[%multiple_of3A_20, %dma_start3A_55] : memref<1280x256xi32, #tpu.memory_space<hbm>> -> memref<4x256xi32, #tpu.memory_space<hbm>>
        %dma_start3A_57 = arith.constant 0 : i32
        %dma_start3A_58 = arith.constant 0 : i32
        %dma_start3A_59 = tpu.memref_slice %arg7[%dma_start3A_57, %dma_start3A_58] : memref<76x256xi32, #tpu.memory_space<vmem>> -> memref<4x256xi32, #tpu.memory_space<vmem>>
        %dma_start3A_60 = arith.constant 0 : i32
        %dma_start3A_61 = tpu.memref_slice %arg3[%multiple_of3A_20, %dma_start3A_60] : memref<1280x256xi32, #tpu.memory_space<hbm>> -> memref<4x256xi32, #tpu.memory_space<hbm>>
        tpu.enqueue_dma source(%dma_start3A_61 : memref<4x256xi32, #tpu.memory_space<hbm>>) target(%dma_start3A_59 : memref<4x256xi32, #tpu.memory_space<vmem>>) target_semaphore(%run_scoped3A : memref<!tpu.dma_semaphore, #tpu.memory_space<semaphore_mem>>)
        %dma_wait3A_62 = arith.constant 0 : i32
        %dma_wait3A_63 = arith.constant 0 : i32
        %dma_wait3A_64 = tpu.memref_slice %arg7[%dma_wait3A_62, %dma_wait3A_63] : memref<76x256xi32, #tpu.memory_space<vmem>> -> memref<4x256xi32, #tpu.memory_space<vmem>>
        %dma_wait3A_65 = arith.constant 0 : i32
        %dma_wait3A_66 = tpu.memref_slice %arg3[%multiple_of3A_20, %dma_wait3A_65] : memref<1280x256xi32, #tpu.memory_space<hbm>> -> memref<4x256xi32, #tpu.memory_space<hbm>>
        %dma_wait3A_67 = arith.constant 0 : i32
        %dma_wait3A_68 = arith.constant 0 : i32
        %dma_wait3A_69 = tpu.memref_slice %arg7[%dma_wait3A_67, %dma_wait3A_68] : memref<76x256xi32, #tpu.memory_space<vmem>> -> memref<4x256xi32, #tpu.memory_space<vmem>>
        %dma_wait3A_70 = arith.constant 0 : i32
        %dma_wait3A_71 = tpu.memref_slice %arg3[%multiple_of3A_20, %dma_wait3A_70] : memref<1280x256xi32, #tpu.memory_space<hbm>> -> memref<4x256xi32, #tpu.memory_space<hbm>>
        tpu.wait_dma2 semaphore(%run_scoped3A : memref<!tpu.dma_semaphore, #tpu.memory_space<semaphore_mem>>) src(%dma_wait3A_71 : memref<4x256xi32, #tpu.memory_space<hbm>>) dst(%dma_wait3A_69 : memref<4x256xi32, #tpu.memory_space<vmem>>)
        tpu.yield
      }) : () -> ()
      "tpu.region"() ({
        %run_scoped3A = tpu.sem_alloc : memref<!tpu.dma_semaphore, #tpu.memory_space<semaphore_mem>>
        %dma_start3A_52 = arith.constant 0 : i32
        %dma_start3A_53 = arith.constant 0 : i32
        %dma_start3A_54 = tpu.memref_slice %arg8[%dma_start3A_52, %dma_start3A_53] : memref<76x256xi32, #tpu.memory_space<vmem>> -> memref<4x256xi32, #tpu.memory_space<vmem>>
        %dma_start3A_55 = arith.constant 0 : i32
        %dma_start3A_56 = tpu.memref_slice %arg4[%multiple_of3A_20, %dma_start3A_55] : memref<1280x256xi32, #tpu.memory_space<hbm>> -> memref<4x256xi32, #tpu.memory_space<hbm>>
        %dma_start3A_57 = arith.constant 0 : i32
        %dma_start3A_58 = arith.constant 0 : i32
        %dma_start3A_59 = tpu.memref_slice %arg8[%dma_start3A_57, %dma_start3A_58] : memref<76x256xi32, #tpu.memory_space<vmem>> -> memref<4x256xi32, #tpu.memory_space<vmem>>
        %dma_start3A_60 = arith.constant 0 : i32
        %dma_start3A_61 = tpu.memref_slice %arg4[%multiple_of3A_20, %dma_start3A_60] : memref<1280x256xi32, #tpu.memory_space<hbm>> -> memref<4x256xi32, #tpu.memory_space<hbm>>
        tpu.enqueue_dma source(%dma_start3A_61 : memref<4x256xi32, #tpu.memory_space<hbm>>) target(%dma_start3A_59 : memref<4x256xi32, #tpu.memory_space<vmem>>) target_semaphore(%run_scoped3A : memref<!tpu.dma_semaphore, #tpu.memory_space<semaphore_mem>>)
        %dma_wait3A_62 = arith.constant 0 : i32
        %dma_wait3A_63 = arith.constant 0 : i32
        %dma_wait3A_64 = tpu.memref_slice %arg8[%dma_wait3A_62, %dma_wait3A_63] : memref<76x256xi32, #tpu.memory_space<vmem>> -> memref<4x256xi32, #tpu.memory_space<vmem>>
        %dma_wait3A_65 = arith.constant 0 : i32
        %dma_wait3A_66 = tpu.memref_slice %arg4[%multiple_of3A_20, %dma_wait3A_65] : memref<1280x256xi32, #tpu.memory_space<hbm>> -> memref<4x256xi32, #tpu.memory_space<hbm>>
        %dma_wait3A_67 = arith.constant 0 : i32
        %dma_wait3A_68 = arith.constant 0 : i32
        %dma_wait3A_69 = tpu.memref_slice %arg8[%dma_wait3A_67, %dma_wait3A_68] : memref<76x256xi32, #tpu.memory_space<vmem>> -> memref<4x256xi32, #tpu.memory_space<vmem>>
        %dma_wait3A_70 = arith.constant 0 : i32
        %dma_wait3A_71 = tpu.memref_slice %arg4[%multiple_of3A_20, %dma_wait3A_70] : memref<1280x256xi32, #tpu.memory_space<hbm>> -> memref<4x256xi32, #tpu.memory_space<hbm>>
        tpu.wait_dma2 semaphore(%run_scoped3A : memref<!tpu.dma_semaphore, #tpu.memory_space<semaphore_mem>>) src(%dma_wait3A_71 : memref<4x256xi32, #tpu.memory_space<hbm>>) dst(%dma_wait3A_69 : memref<4x256xi32, #tpu.memory_space<vmem>>)
        tpu.yield
      }) : () -> ()
      %dma_start3A = arith.constant 0 : i32
      %dma_start3A_21 = arith.constant 0 : i32
      %dma_start3A_22 = tpu.memref_slice %arg7[%dma_start3A, %dma_start3A_21] : memref<76x256xi32, #tpu.memory_space<vmem>> -> memref<1x256xi32, #tpu.memory_space<vmem>>
      %dma_start3A_23 = tpu.memref_squeeze %dma_start3A_22 : memref<1x256xi32, #tpu.memory_space<vmem>> -> memref<256xi32, #tpu.memory_space<vmem>>
      %dma_start3A_24 = arith.constant 0 : i32
      %dma_start3A_25 = arith.constant 0 : i32
      %dma_start3A_26 = tpu.memref_slice %arg2[%dma_start3A_24, %dma_start3A_25] : memref<10112x64xbf16, #tpu.memory_space<hbm>> -> memref<10112x64xbf16, #tpu.memory_space<hbm>>
      tpu.enqueue_indirect_dma source(%dma_start3A_26 : memref<10112x64xbf16, #tpu.memory_space<hbm>>) target(%arg9 : memref<256x64xbf16, #tpu.memory_space<vmem>>) offsets(%dma_start3A_23 : memref<256xi32, #tpu.memory_space<vmem>>) semaphore(%arg12 : memref<!tpu.dma_semaphore, #tpu.memory_space<semaphore_mem>>)
      %dma_start3A_27 = arith.constant 1 : i32
      %dma_start3A_28 = arith.constant 0 : i32
      %dma_start3A_29 = tpu.memref_slice %arg7[%dma_start3A_27, %dma_start3A_28] : memref<76x256xi32, #tpu.memory_space<vmem>> -> memref<1x256xi32, #tpu.memory_space<vmem>>
      %dma_start3A_30 = tpu.memref_squeeze %dma_start3A_29 : memref<1x256xi32, #tpu.memory_space<vmem>> -> memref<256xi32, #tpu.memory_space<vmem>>
      %dma_start3A_31 = arith.constant 0 : i32
      %dma_start3A_32 = arith.constant 0 : i32
      %dma_start3A_33 = tpu.memref_slice %arg2[%dma_start3A_31, %dma_start3A_32] : memref<10112x64xbf16, #tpu.memory_space<hbm>> -> memref<10112x64xbf16, #tpu.memory_space<hbm>>
      tpu.enqueue_indirect_dma source(%dma_start3A_33 : memref<10112x64xbf16, #tpu.memory_space<hbm>>) target(%arg10 : memref<256x64xbf16, #tpu.memory_space<vmem>>) offsets(%dma_start3A_30 : memref<256xi32, #tpu.memory_space<vmem>>) semaphore(%arg13 : memref<!tpu.dma_semaphore, #tpu.memory_space<semaphore_mem>>)
      %scan3A = arith.constant 0 : i32
      %scan3A_34 = arith.constant 0 : i32
      %scan3A_35 = arith.constant 2 : i32
      %scan3A_36 = arith.addi %scan3A_34, %scan3A_35 : i32
      %scan3A_37 = arith.constant 1 : i32
      scf.for %scan3A_52 = %scan3A_34 to %scan3A_36 step %scan3A_37  : i32 {
        %mul3A_53 = arith.constant 2 : i32
        %mul3A_54 = arith.muli %mul3A_53, %scan3A_52 : i32
        %add3A_55 = arith.constant 0 : i32
        %add3A_56 = arith.addi %mul3A_54, %add3A_55 : i32
        %dma_wait3A_57 = arith.constant 0 : i32
        %dma_wait3A_58 = tpu.memref_slice %arg7[%add3A_56, %dma_wait3A_57] : memref<76x256xi32, #tpu.memory_space<vmem>> -> memref<1x256xi32, #tpu.memory_space<vmem>>
        %dma_wait3A_59 = tpu.memref_squeeze %dma_wait3A_58 : memref<1x256xi32, #tpu.memory_space<vmem>> -> memref<256xi32, #tpu.memory_space<vmem>>
        %dma_wait3A_60 = arith.constant 0 : i32
        %dma_wait3A_61 = arith.constant 0 : i32
        %dma_wait3A_62 = tpu.memref_slice %arg2[%dma_wait3A_60, %dma_wait3A_61] : memref<10112x64xbf16, #tpu.memory_space<hbm>> -> memref<10112x64xbf16, #tpu.memory_space<hbm>>
        tpu.wait_indirect_dma semaphore(%arg12 : memref<!tpu.dma_semaphore, #tpu.memory_space<semaphore_mem>>) src(%dma_wait3A_62 : memref<10112x64xbf16, #tpu.memory_space<hbm>>) dst(%arg9 : memref<256x64xbf16, #tpu.memory_space<vmem>>)
        %dma_start3A_63 = arith.constant 0 : i32
        %dma_start3A_64 = tpu.memref_slice %arg8[%add3A_56, %dma_start3A_63] : memref<76x256xi32, #tpu.memory_space<vmem>> -> memref<1x256xi32, #tpu.memory_space<vmem>>
        %dma_start3A_65 = tpu.memref_squeeze %dma_start3A_64 : memref<1x256xi32, #tpu.memory_space<vmem>> -> memref<256xi32, #tpu.memory_space<vmem>>
        %dma_start3A_66 = arith.constant 0 : i32
        %dma_start3A_67 = arith.constant 0 : i32
        %dma_start3A_68 = tpu.memref_slice %arg11[%dma_start3A_66, %dma_start3A_67] : memref<10112x64xbf16, #tpu.memory_space<vmem_shared>> -> memref<10112x64xbf16, #tpu.memory_space<vmem_shared>>
        tpu.enqueue_indirect_dma source(%arg9 : memref<256x64xbf16, #tpu.memory_space<vmem>>) target(%dma_start3A_68 : memref<10112x64xbf16, #tpu.memory_space<vmem_shared>>) offsets(%dma_start3A_65 : memref<256xi32, #tpu.memory_space<vmem>>) semaphore(%arg14 : memref<!tpu.dma_semaphore, #tpu.memory_space<semaphore_mem>>) {add = true}
        %mul3A_69 = arith.constant 2 : i32
        %mul3A_70 = arith.muli %mul3A_69, %scan3A_52 : i32
        %add3A_71 = arith.constant 1 : i32
        %add3A_72 = arith.addi %mul3A_70, %add3A_71 : i32
        %dma_wait3A_73 = arith.constant 0 : i32
        %dma_wait3A_74 = tpu.memref_slice %arg7[%add3A_72, %dma_wait3A_73] : memref<76x256xi32, #tpu.memory_space<vmem>> -> memref<1x256xi32, #tpu.memory_space<vmem>>
        %dma_wait3A_75 = tpu.memref_squeeze %dma_wait3A_74 : memref<1x256xi32, #tpu.memory_space<vmem>> -> memref<256xi32, #tpu.memory_space<vmem>>
        %dma_wait3A_76 = arith.constant 0 : i32
        %dma_wait3A_77 = arith.constant 0 : i32
        %dma_wait3A_78 = tpu.memref_slice %arg2[%dma_wait3A_76, %dma_wait3A_77] : memref<10112x64xbf16, #tpu.memory_space<hbm>> -> memref<10112x64xbf16, #tpu.memory_space<hbm>>
        tpu.wait_indirect_dma semaphore(%arg13 : memref<!tpu.dma_semaphore, #tpu.memory_space<semaphore_mem>>) src(%dma_wait3A_78 : memref<10112x64xbf16, #tpu.memory_space<hbm>>) dst(%arg10 : memref<256x64xbf16, #tpu.memory_space<vmem>>)
        %dma_start3A_79 = arith.constant 0 : i32
        %dma_start3A_80 = tpu.memref_slice %arg8[%add3A_72, %dma_start3A_79] : memref<76x256xi32, #tpu.memory_space<vmem>> -> memref<1x256xi32, #tpu.memory_space<vmem>>
        %dma_start3A_81 = tpu.memref_squeeze %dma_start3A_80 : memref<1x256xi32, #tpu.memory_space<vmem>> -> memref<256xi32, #tpu.memory_space<vmem>>
        %dma_start3A_82 = arith.constant 0 : i32
        %dma_start3A_83 = arith.constant 0 : i32
        %dma_start3A_84 = tpu.memref_slice %arg11[%dma_start3A_82, %dma_start3A_83] : memref<10112x64xbf16, #tpu.memory_space<vmem_shared>> -> memref<10112x64xbf16, #tpu.memory_space<vmem_shared>>
        tpu.enqueue_indirect_dma source(%arg10 : memref<256x64xbf16, #tpu.memory_space<vmem>>) target(%dma_start3A_84 : memref<10112x64xbf16, #tpu.memory_space<vmem_shared>>) offsets(%dma_start3A_81 : memref<256xi32, #tpu.memory_space<vmem>>) semaphore(%arg15 : memref<!tpu.dma_semaphore, #tpu.memory_space<semaphore_mem>>) {add = true}
        %mul3A_85 = arith.constant 2 : i32
        %mul3A_86 = arith.muli %mul3A_85, %scan3A_52 : i32
        %add3A_87 = arith.constant 0 : i32
        %add3A_88 = arith.addi %mul3A_86, %add3A_87 : i32
        %add3A_89 = arith.constant 2 : i32
        %add3A_90 = arith.addi %add3A_88, %add3A_89 : i32
        %lt3A = arith.constant 4 : i32
        %lt3A_91 = arith.cmpi slt, %add3A_90, %lt3A : i32
        %convert_element_type3A_92 = arith.extui %lt3A_91 : i1 to i32
        %cond3A_93 = arith.constant 0 : i32
        %cond3A_94 = arith.cmpi ne, %convert_element_type3A_92, %cond3A_93 : i32
        scf.if %cond3A_94 {
          %dma_wait3A_106 = arith.constant 0 : i32
          %dma_wait3A_107 = tpu.memref_slice %arg8[%add3A_88, %dma_wait3A_106] : memref<76x256xi32, #tpu.memory_space<vmem>> -> memref<1x256xi32, #tpu.memory_space<vmem>>
          %dma_wait3A_108 = tpu.memref_squeeze %dma_wait3A_107 : memref<1x256xi32, #tpu.memory_space<vmem>> -> memref<256xi32, #tpu.memory_space<vmem>>
          %dma_wait3A_109 = arith.constant 0 : i32
          %dma_wait3A_110 = arith.constant 0 : i32
          %dma_wait3A_111 = tpu.memref_slice %arg11[%dma_wait3A_109, %dma_wait3A_110] : memref<10112x64xbf16, #tpu.memory_space<vmem_shared>> -> memref<10112x64xbf16, #tpu.memory_space<vmem_shared>>
          tpu.wait_indirect_dma semaphore(%arg14 : memref<!tpu.dma_semaphore, #tpu.memory_space<semaphore_mem>>) src(%arg9 : memref<256x64xbf16, #tpu.memory_space<vmem>>) dst(%dma_wait3A_111 : memref<10112x64xbf16, #tpu.memory_space<vmem_shared>>)
          %add3A_112 = arith.constant 2 : i32
          %add3A_113 = arith.addi %add3A_88, %add3A_112 : i32
          %dma_start3A_114 = arith.constant 0 : i32
          %dma_start3A_115 = tpu.memref_slice %arg7[%add3A_113, %dma_start3A_114] : memref<76x256xi32, #tpu.memory_space<vmem>> -> memref<1x256xi32, #tpu.memory_space<vmem>>
          %dma_start3A_116 = tpu.memref_squeeze %dma_start3A_115 : memref<1x256xi32, #tpu.memory_space<vmem>> -> memref<256xi32, #tpu.memory_space<vmem>>
          %dma_start3A_117 = arith.constant 0 : i32
          %dma_start3A_118 = arith.constant 0 : i32
          %dma_start3A_119 = tpu.memref_slice %arg2[%dma_start3A_117, %dma_start3A_118] : memref<10112x64xbf16, #tpu.memory_space<hbm>> -> memref<10112x64xbf16, #tpu.memory_space<hbm>>
          tpu.enqueue_indirect_dma source(%dma_start3A_119 : memref<10112x64xbf16, #tpu.memory_space<hbm>>) target(%arg9 : memref<256x64xbf16, #tpu.memory_space<vmem>>) offsets(%dma_start3A_116 : memref<256xi32, #tpu.memory_space<vmem>>) semaphore(%arg12 : memref<!tpu.dma_semaphore, #tpu.memory_space<semaphore_mem>>)
        } else {
        }
        %mul3A_95 = arith.constant 2 : i32
        %mul3A_96 = arith.muli %mul3A_95, %scan3A_52 : i32
        %add3A_97 = arith.constant 1 : i32
        %add3A_98 = arith.addi %mul3A_96, %add3A_97 : i32
        %add3A_99 = arith.constant 2 : i32
        %add3A_100 = arith.addi %add3A_98, %add3A_99 : i32
        %lt3A_101 = arith.constant 4 : i32
        %lt3A_102 = arith.cmpi slt, %add3A_100, %lt3A_101 : i32
        %convert_element_type3A_103 = arith.extui %lt3A_102 : i1 to i32
        %cond3A_104 = arith.constant 0 : i32
        %cond3A_105 = arith.cmpi ne, %convert_element_type3A_103, %cond3A_104 : i32
        scf.if %cond3A_105 {
          %dma_wait3A_106 = arith.constant 0 : i32
          %dma_wait3A_107 = tpu.memref_slice %arg8[%add3A_98, %dma_wait3A_106] : memref<76x256xi32, #tpu.memory_space<vmem>> -> memref<1x256xi32, #tpu.memory_space<vmem>>
          %dma_wait3A_108 = tpu.memref_squeeze %dma_wait3A_107 : memref<1x256xi32, #tpu.memory_space<vmem>> -> memref<256xi32, #tpu.memory_space<vmem>>
          %dma_wait3A_109 = arith.constant 0 : i32
          %dma_wait3A_110 = arith.constant 0 : i32
          %dma_wait3A_111 = tpu.memref_slice %arg11[%dma_wait3A_109, %dma_wait3A_110] : memref<10112x64xbf16, #tpu.memory_space<vmem_shared>> -> memref<10112x64xbf16, #tpu.memory_space<vmem_shared>>
          tpu.wait_indirect_dma semaphore(%arg15 : memref<!tpu.dma_semaphore, #tpu.memory_space<semaphore_mem>>) src(%arg10 : memref<256x64xbf16, #tpu.memory_space<vmem>>) dst(%dma_wait3A_111 : memref<10112x64xbf16, #tpu.memory_space<vmem_shared>>)
          %add3A_112 = arith.constant 2 : i32
          %add3A_113 = arith.addi %add3A_98, %add3A_112 : i32
          %dma_start3A_114 = arith.constant 0 : i32
          %dma_start3A_115 = tpu.memref_slice %arg7[%add3A_113, %dma_start3A_114] : memref<76x256xi32, #tpu.memory_space<vmem>> -> memref<1x256xi32, #tpu.memory_space<vmem>>
          %dma_start3A_116 = tpu.memref_squeeze %dma_start3A_115 : memref<1x256xi32, #tpu.memory_space<vmem>> -> memref<256xi32, #tpu.memory_space<vmem>>
          %dma_start3A_117 = arith.constant 0 : i32
          %dma_start3A_118 = arith.constant 0 : i32
          %dma_start3A_119 = tpu.memref_slice %arg2[%dma_start3A_117, %dma_start3A_118] : memref<10112x64xbf16, #tpu.memory_space<hbm>> -> memref<10112x64xbf16, #tpu.memory_space<hbm>>
          tpu.enqueue_indirect_dma source(%dma_start3A_119 : memref<10112x64xbf16, #tpu.memory_space<hbm>>) target(%arg10 : memref<256x64xbf16, #tpu.memory_space<vmem>>) offsets(%dma_start3A_116 : memref<256xi32, #tpu.memory_space<vmem>>) semaphore(%arg13 : memref<!tpu.dma_semaphore, #tpu.memory_space<semaphore_mem>>)
        } else {
        }
      }
      %scan3A_38 = arith.constant 2 : i32
      %dma_wait3A = arith.constant 2 : i32
      %dma_wait3A_39 = arith.constant 0 : i32
      %dma_wait3A_40 = tpu.memref_slice %arg8[%dma_wait3A, %dma_wait3A_39] : memref<76x256xi32, #tpu.memory_space<vmem>> -> memref<1x256xi32, #tpu.memory_space<vmem>>
      %dma_wait3A_41 = tpu.memref_squeeze %dma_wait3A_40 : memref<1x256xi32, #tpu.memory_space<vmem>> -> memref<256xi32, #tpu.memory_space<vmem>>
      %dma_wait3A_42 = arith.constant 0 : i32
      %dma_wait3A_43 = arith.constant 0 : i32
      %dma_wait3A_44 = tpu.memref_slice %arg11[%dma_wait3A_42, %dma_wait3A_43] : memref<10112x64xbf16, #tpu.memory_space<vmem_shared>> -> memref<10112x64xbf16, #tpu.memory_space<vmem_shared>>
      tpu.wait_indirect_dma semaphore(%arg14 : memref<!tpu.dma_semaphore, #tpu.memory_space<semaphore_mem>>) src(%arg9 : memref<256x64xbf16, #tpu.memory_space<vmem>>) dst(%dma_wait3A_44 : memref<10112x64xbf16, #tpu.memory_space<vmem_shared>>)
      %dma_wait3A_45 = arith.constant 3 : i32
      %dma_wait3A_46 = arith.constant 0 : i32
      %dma_wait3A_47 = tpu.memref_slice %arg8[%dma_wait3A_45, %dma_wait3A_46] : memref<76x256xi32, #tpu.memory_space<vmem>> -> memref<1x256xi32, #tpu.memory_space<vmem>>
      %dma_wait3A_48 = tpu.memref_squeeze %dma_wait3A_47 : memref<1x256xi32, #tpu.memory_space<vmem>> -> memref<256xi32, #tpu.memory_space<vmem>>
      %dma_wait3A_49 = arith.constant 0 : i32
      %dma_wait3A_50 = arith.constant 0 : i32
      %dma_wait3A_51 = tpu.memref_slice %arg11[%dma_wait3A_49, %dma_wait3A_50] : memref<10112x64xbf16, #tpu.memory_space<vmem_shared>> -> memref<10112x64xbf16, #tpu.memory_space<vmem_shared>>
      tpu.wait_indirect_dma semaphore(%arg15 : memref<!tpu.dma_semaphore, #tpu.memory_space<semaphore_mem>>) src(%arg10 : memref<256x64xbf16, #tpu.memory_space<vmem>>) dst(%dma_wait3A_51 : memref<10112x64xbf16, #tpu.memory_space<vmem_shared>>)
    } else {
    }
    %barrier3A = arith.constant 0 : index
    tpu.barrier barrier_id(%barrier3A)
    %mul3A_11 = arith.constant 632 : i32
    %mul3A_12 = arith.muli %arg1, %mul3A_11 : i32
    %multiple_of3A_13 = tpu.assume_multiple %mul3A_12, 8 : i32
    %mul3A_14 = arith.constant 632 : i32
    %mul3A_15 = arith.muli %arg1, %mul3A_14 : i32
    %multiple_of3A_16 = tpu.assume_multiple %mul3A_15, 8 : i32
    "tpu.region"() ({
      %run_scoped3A = tpu.sem_alloc : memref<!tpu.dma_semaphore, #tpu.memory_space<semaphore_mem>>
      %dma_start3A = arith.constant 0 : i32
      %dma_start3A_17 = tpu.memref_slice %arg6[%arg0, %multiple_of3A_16, %dma_start3A] : memref<2x10112x64xbf16, #tpu.memory_space<hbm>> -> memref<1x632x64xbf16, #tpu.memory_space<hbm>>
      %dma_start3A_18 = tpu.memref_squeeze %dma_start3A_17 : memref<1x632x64xbf16, #tpu.memory_space<hbm>> -> memref<632x64xbf16, #tpu.memory_space<hbm>>
      %dma_start3A_19 = arith.constant 0 : i32
      %dma_start3A_20 = tpu.memref_slice %arg11[%multiple_of3A_13, %dma_start3A_19] : memref<10112x64xbf16, #tpu.memory_space<vmem_shared>> -> memref<632x64xbf16, #tpu.memory_space<vmem_shared>>
      tpu.enqueue_dma source(%dma_start3A_20 : memref<632x64xbf16, #tpu.memory_space<vmem_shared>>) target(%dma_start3A_18 : memref<632x64xbf16, #tpu.memory_space<hbm>>) target_semaphore(%run_scoped3A : memref<!tpu.dma_semaphore, #tpu.memory_space<semaphore_mem>>)
      %dma_wait3A = arith.constant 0 : i32
      %dma_wait3A_21 = tpu.memref_slice %arg6[%arg0, %multiple_of3A_16, %dma_wait3A] : memref<2x10112x64xbf16, #tpu.memory_space<hbm>> -> memref<1x632x64xbf16, #tpu.memory_space<hbm>>
      %dma_wait3A_22 = tpu.memref_squeeze %dma_wait3A_21 : memref<1x632x64xbf16, #tpu.memory_space<hbm>> -> memref<632x64xbf16, #tpu.memory_space<hbm>>
      %dma_wait3A_23 = arith.constant 0 : i32
      %dma_wait3A_24 = tpu.memref_slice %arg11[%multiple_of3A_13, %dma_wait3A_23] : memref<10112x64xbf16, #tpu.memory_space<vmem_shared>> -> memref<632x64xbf16, #tpu.memory_space<vmem_shared>>
      tpu.wait_dma2 semaphore(%run_scoped3A : memref<!tpu.dma_semaphore, #tpu.memory_space<semaphore_mem>>) src(%dma_wait3A_24 : memref<632x64xbf16, #tpu.memory_space<vmem_shared>>) dst(%dma_wait3A_22 : memref<632x64xbf16, #tpu.memory_space<hbm>>)
      tpu.yield
    }) : () -> ()
    return
  }
}

module attributes {stable_mosaic.version = 14 : i64} {
  func.func @_tc_prologue(%arg0: memref<2x10112x16xf32, #tpu.memory_space<vmem>>, %arg1: memref<10112x128xf32, #tpu.memory_space<vmem>>, %arg2: memref<128x64xf32, #tpu.memory_space<vmem>>, %arg3: memref<10112x1xf32, #tpu.memory_space<vmem>>, %arg4: memref<10112x64xf32, #tpu.memory_space<vmem>>, %arg5: memref<10112x64xbf16, #tpu.memory_space<vmem>>) attributes {dimension_semantics = [], scalar_prefetch = 0 : i64, scratch_operands = 0 : i64, tpu.core_type = #tpu.core_type<tc>} {
    %get3A = arith.constant 0 : index
    %get3A_0 = arith.constant 0 : index
    %get3A_1 = arith.constant 0 : index
    %get3A_2 = vector.load %arg0[%get3A, %get3A_0, %get3A_1] : memref<2x10112x16xf32, #tpu.memory_space<vmem>>, vector<1x10112x1xf32>
    %get3A_3 = vector.shape_cast %get3A_2 : vector<1x10112x1xf32> to vector<10112x1xf32>
    %get3A_4 = arith.constant 1 : index
    %get3A_5 = arith.constant 0 : index
    %get3A_6 = arith.constant 0 : index
    %get3A_7 = vector.load %arg0[%get3A_4, %get3A_5, %get3A_6] : memref<2x10112x16xf32, #tpu.memory_space<vmem>>, vector<1x10112x1xf32>
    %get3A_8 = vector.shape_cast %get3A_7 : vector<1x10112x1xf32> to vector<10112x1xf32>
    %add3A = arith.addf %get3A_3, %get3A_8 : vector<10112x1xf32>
    %add3A_9 = arith.constant 1.000000e+00 : f32
    %add3A_10 = vector.broadcast %add3A_9 : f32 to vector<10112x1xf32>
    %add3A_11 = arith.addf %add3A, %add3A_10 : vector<10112x1xf32>
    %iota3A = tpu.iota {dimensions = array<i32: 0>} : vector<10112x1xi32>
    %lt3A = arith.constant 10000 : i32
    %lt3A_12 = vector.broadcast %lt3A : i32 to vector<10112x1xi32>
    %lt3A_13 = arith.cmpi slt, %iota3A, %lt3A_12 : vector<10112x1xi32>
    %rsqrt3A = math.rsqrt %add3A_11 : vector<10112x1xf32>
    %jit3A = arith.constant 0.000000e+00 : f32
    %broadcast_in_dim3A = vector.broadcast %jit3A : f32 to vector<10112x1xf32>
    %select_n3A = arith.select %lt3A_13, %rsqrt3A, %broadcast_in_dim3A : vector<10112x1xi1>, vector<10112x1xf32>
    %swap3A = arith.constant 0 : index
    %swap3A_14 = arith.constant 0 : index
    %swap3A_15 = vector.load %arg3[%swap3A, %swap3A_14] : memref<10112x1xf32, #tpu.memory_space<vmem>>, vector<10112x1xf32>
    tpu.vector_store %arg3[%swap3A, %swap3A_14], %select_n3A {strides = array<i32>} : memref<10112x1xf32, #tpu.memory_space<vmem>>, vector<10112x1xf32>,
    %get3A_16 = arith.constant 0 : index
    %get3A_17 = arith.constant 0 : index
    %get3A_18 = vector.load %arg1[%get3A_16, %get3A_17] : memref<10112x128xf32, #tpu.memory_space<vmem>>, vector<10112x128xf32>
    %get3A_19 = arith.constant 0 : index
    %get3A_20 = arith.constant 0 : index
    %get3A_21 = vector.load %arg2[%get3A_19, %get3A_20] : memref<128x64xf32, #tpu.memory_space<vmem>>, vector<128x64xf32>
    %dot_general3A = arith.constant dense<0.000000e+00> : vector<10112x64xf32>
    %dot_general3A_22 = tpu.matmul %get3A_18, %get3A_21, %dot_general3A {dimension_numbers = #tpu.dot_dimension_numbers<[1], [0], [0], [1], [0, 0, 1, 1], [], []>, transpose_lhs_hint = false} : vector<10112x128xf32>, vector<128x64xf32>, vector<10112x64xf32> -> vector<10112x64xf32>
    %mul3A = vector.broadcast %select_n3A : vector<10112x1xf32> to vector<10112x64xf32>
    %mul3A_23 = arith.mulf %dot_general3A_22, %mul3A : vector<10112x64xf32>
    %swap3A_24 = arith.constant 0 : index
    %swap3A_25 = arith.constant 0 : index
    %swap3A_26 = vector.load %arg4[%swap3A_24, %swap3A_25] : memref<10112x64xf32, #tpu.memory_space<vmem>>, vector<10112x64xf32>
    tpu.vector_store %arg4[%swap3A_24, %swap3A_25], %mul3A_23 {strides = array<i32>} : memref<10112x64xf32, #tpu.memory_space<vmem>>, vector<10112x64xf32>,
    %convert_element_type3A = arith.truncf %mul3A_23 : vector<10112x64xf32> to vector<10112x64xbf16>
    %swap3A_27 = arith.constant 0 : index
    %swap3A_28 = arith.constant 0 : index
    %swap3A_29 = vector.load %arg5[%swap3A_27, %swap3A_28] : memref<10112x64xbf16, #tpu.memory_space<vmem>>, vector<10112x64xbf16>
    tpu.vector_store %arg5[%swap3A_27, %swap3A_28], %convert_element_type3A {strides = array<i32>} : memref<10112x64xbf16, #tpu.memory_space<vmem>>, vector<10112x64xbf16>,
    return
  }
}

module attributes {stable_mosaic.version = 14 : i64} {
  func.func @_tc_layer(%arg0: memref<2x10112x64xbf16, #tpu.memory_space<vmem>>, %arg1: memref<10112x64xf32, #tpu.memory_space<vmem>>, %arg2: memref<10112x1xf32, #tpu.memory_space<vmem>>, %arg3: memref<1x64xf32, #tpu.memory_space<vmem>>, %arg4: memref<64x64xf32, #tpu.memory_space<vmem>>, %arg5: memref<10112x64xf32, #tpu.memory_space<vmem>>, %arg6: memref<10112x64xf32, #tpu.memory_space<vmem>>, %arg7: memref<10112x64xbf16, #tpu.memory_space<vmem>>) attributes {dimension_semantics = [], scalar_prefetch = 0 : i64, scratch_operands = 0 : i64, tpu.core_type = #tpu.core_type<tc>} {
    %get3A = arith.constant 0 : index
    %get3A_0 = arith.constant 0 : index
    %get3A_1 = vector.load %arg2[%get3A, %get3A_0] : memref<10112x1xf32, #tpu.memory_space<vmem>>, vector<10112x1xf32>
    %get3A_2 = arith.constant 0 : index
    %get3A_3 = arith.constant 0 : index
    %get3A_4 = arith.constant 0 : index
    %get3A_5 = vector.load %arg0[%get3A_2, %get3A_3, %get3A_4] : memref<2x10112x64xbf16, #tpu.memory_space<vmem>>, vector<1x10112x64xbf16>
    %get3A_6 = vector.shape_cast %get3A_5 : vector<1x10112x64xbf16> to vector<10112x64xbf16>
    %convert_element_type3A = arith.extf %get3A_6 : vector<10112x64xbf16> to vector<10112x64xf32>
    %get3A_7 = arith.constant 1 : index
    %get3A_8 = arith.constant 0 : index
    %get3A_9 = arith.constant 0 : index
    %get3A_10 = vector.load %arg0[%get3A_7, %get3A_8, %get3A_9] : memref<2x10112x64xbf16, #tpu.memory_space<vmem>>, vector<1x10112x64xbf16>
    %get3A_11 = vector.shape_cast %get3A_10 : vector<1x10112x64xbf16> to vector<10112x64xbf16>
    %convert_element_type3A_12 = arith.extf %get3A_11 : vector<10112x64xbf16> to vector<10112x64xf32>
    %add3A = arith.addf %convert_element_type3A, %convert_element_type3A_12 : vector<10112x64xf32>
    %get3A_13 = arith.constant 0 : index
    %get3A_14 = arith.constant 0 : index
    %get3A_15 = vector.load %arg1[%get3A_13, %get3A_14] : memref<10112x64xf32, #tpu.memory_space<vmem>>, vector<10112x64xf32>
    %add3A_16 = arith.addf %add3A, %get3A_15 : vector<10112x64xf32>
    %mul3A = vector.broadcast %get3A_1 : vector<10112x1xf32> to vector<10112x64xf32>
    %mul3A_17 = arith.mulf %add3A_16, %mul3A : vector<10112x64xf32>
    %get3A_18 = arith.constant 0 : index
    %get3A_19 = arith.constant 0 : index
    %get3A_20 = vector.load %arg3[%get3A_18, %get3A_19] : memref<1x64xf32, #tpu.memory_space<vmem>>, vector<1x64xf32>
    %add3A_21 = vector.broadcast %get3A_20 : vector<1x64xf32> to vector<10112x64xf32>
    %add3A_22 = arith.addf %mul3A_17, %add3A_21 : vector<10112x64xf32>
    %max3A = arith.constant 0.000000e+00 : f32
    %max3A_23 = vector.broadcast %max3A : f32 to vector<10112x64xf32>
    %max3A_24 = arith.maximumf %add3A_22, %max3A_23 : vector<10112x64xf32>
    %swap3A = arith.constant 0 : index
    %swap3A_25 = arith.constant 0 : index
    %swap3A_26 = vector.load %arg5[%swap3A, %swap3A_25] : memref<10112x64xf32, #tpu.memory_space<vmem>>, vector<10112x64xf32>
    tpu.vector_store %arg5[%swap3A, %swap3A_25], %max3A_24 {strides = array<i32>} : memref<10112x64xf32, #tpu.memory_space<vmem>>, vector<10112x64xf32>,
    %get3A_27 = arith.constant 0 : index
    %get3A_28 = arith.constant 0 : index
    %get3A_29 = vector.load %arg4[%get3A_27, %get3A_28] : memref<64x64xf32, #tpu.memory_space<vmem>>, vector<64x64xf32>
    %dot_general3A = arith.constant dense<0.000000e+00> : vector<10112x64xf32>
    %dot_general3A_30 = tpu.matmul %max3A_24, %get3A_29, %dot_general3A {dimension_numbers = #tpu.dot_dimension_numbers<[1], [0], [0], [1], [0, 0, 1, 1], [], []>, transpose_lhs_hint = false} : vector<10112x64xf32>, vector<64x64xf32>, vector<10112x64xf32> -> vector<10112x64xf32>
    %mul3A_31 = vector.broadcast %get3A_1 : vector<10112x1xf32> to vector<10112x64xf32>
    %mul3A_32 = arith.mulf %dot_general3A_30, %mul3A_31 : vector<10112x64xf32>
    %swap3A_33 = arith.constant 0 : index
    %swap3A_34 = arith.constant 0 : index
    %swap3A_35 = vector.load %arg6[%swap3A_33, %swap3A_34] : memref<10112x64xf32, #tpu.memory_space<vmem>>, vector<10112x64xf32>
    tpu.vector_store %arg6[%swap3A_33, %swap3A_34], %mul3A_32 {strides = array<i32>} : memref<10112x64xf32, #tpu.memory_space<vmem>>, vector<10112x64xf32>,
    %convert_element_type3A_36 = arith.truncf %mul3A_32 : vector<10112x64xf32> to vector<10112x64xbf16>
    %swap3A_37 = arith.constant 0 : index
    %swap3A_38 = arith.constant 0 : index
    %swap3A_39 = vector.load %arg7[%swap3A_37, %swap3A_38] : memref<10112x64xbf16, #tpu.memory_space<vmem>>, vector<10112x64xbf16>
    tpu.vector_store %arg7[%swap3A_37, %swap3A_38], %convert_element_type3A_36 {strides = array<i32>} : memref<10112x64xbf16, #tpu.memory_space<vmem>>, vector<10112x64xbf16>,
    return
  }
}

module attributes {stable_mosaic.version = 14 : i64} {
  func.func @_tc_final(%arg0: memref<2x10112x64xbf16, #tpu.memory_space<vmem>>, %arg1: memref<10112x64xf32, #tpu.memory_space<vmem>>, %arg2: memref<10112x1xf32, #tpu.memory_space<vmem>>, %arg3: memref<1x64xf32, #tpu.memory_space<vmem>>, %arg4: memref<10112x64xf32, #tpu.memory_space<vmem>>, %arg5: memref<10112x64xf32, #tpu.memory_space<vmem>>, %arg6: memref<1x10000xi32, #tpu.memory_space<vmem>>, %arg7: memref<192x16xf32, #tpu.memory_space<vmem>>, %arg8: memref<1x16xf32, #tpu.memory_space<vmem>>, %arg9: memref<64x16xf32, #tpu.memory_space<vmem>>) attributes {dimension_semantics = [], scalar_prefetch = 0 : i64, scratch_operands = 0 : i64, tpu.core_type = #tpu.core_type<tc>} {
    %get3A = arith.constant 0 : index
    %get3A_0 = arith.constant 0 : index
    %get3A_1 = vector.load %arg2[%get3A, %get3A_0] : memref<10112x1xf32, #tpu.memory_space<vmem>>, vector<10112x1xf32>
    %get3A_2 = arith.constant 0 : index
    %get3A_3 = arith.constant 0 : index
    %get3A_4 = arith.constant 0 : index
    %get3A_5 = vector.load %arg0[%get3A_2, %get3A_3, %get3A_4] : memref<2x10112x64xbf16, #tpu.memory_space<vmem>>, vector<1x10112x64xbf16>
    %get3A_6 = vector.shape_cast %get3A_5 : vector<1x10112x64xbf16> to vector<10112x64xbf16>
    %convert_element_type3A = arith.extf %get3A_6 : vector<10112x64xbf16> to vector<10112x64xf32>
    %get3A_7 = arith.constant 1 : index
    %get3A_8 = arith.constant 0 : index
    %get3A_9 = arith.constant 0 : index
    %get3A_10 = vector.load %arg0[%get3A_7, %get3A_8, %get3A_9] : memref<2x10112x64xbf16, #tpu.memory_space<vmem>>, vector<1x10112x64xbf16>
    %get3A_11 = vector.shape_cast %get3A_10 : vector<1x10112x64xbf16> to vector<10112x64xbf16>
    %convert_element_type3A_12 = arith.extf %get3A_11 : vector<10112x64xbf16> to vector<10112x64xf32>
    %add3A = arith.addf %convert_element_type3A, %convert_element_type3A_12 : vector<10112x64xf32>
    %mul3A = vector.broadcast %get3A_1 : vector<10112x1xf32> to vector<10112x64xf32>
    %mul3A_13 = arith.mulf %add3A, %mul3A : vector<10112x64xf32>
    %get3A_14 = arith.constant 0 : index
    %get3A_15 = arith.constant 0 : index
    %get3A_16 = vector.load %arg1[%get3A_14, %get3A_15] : memref<10112x64xf32, #tpu.memory_space<vmem>>, vector<10112x64xf32>
    %mul3A_17 = vector.broadcast %get3A_1 : vector<10112x1xf32> to vector<10112x64xf32>
    %mul3A_18 = arith.mulf %get3A_16, %mul3A_17 : vector<10112x64xf32>
    %add3A_19 = arith.addf %mul3A_13, %mul3A_18 : vector<10112x64xf32>
    %get3A_20 = arith.constant 0 : index
    %get3A_21 = arith.constant 0 : index
    %get3A_22 = vector.load %arg3[%get3A_20, %get3A_21] : memref<1x64xf32, #tpu.memory_space<vmem>>, vector<1x64xf32>
    %add3A_23 = vector.broadcast %get3A_22 : vector<1x64xf32> to vector<10112x64xf32>
    %add3A_24 = arith.addf %add3A_19, %add3A_23 : vector<10112x64xf32>
    %max3A = arith.constant 0.000000e+00 : f32
    %max3A_25 = vector.broadcast %max3A : f32 to vector<10112x64xf32>
    %max3A_26 = arith.maximumf %add3A_24, %max3A_25 : vector<10112x64xf32>
    %get3A_27 = arith.constant 0 : index
    %get3A_28 = arith.constant 0 : index
    %get3A_29 = vector.load %arg6[%get3A_27, %get3A_28] : memref<1x10000xi32, #tpu.memory_space<vmem>>, vector<1x10000xi32>
    %iota3A = tpu.iota {dimensions = array<i32: 0>} : vector<64x10000xi32>
    %eq3A = vector.broadcast %get3A_29 : vector<1x10000xi32> to vector<64x10000xi32>
    %eq3A_30 = arith.cmpi eq, %eq3A, %iota3A : vector<64x10000xi32>
    %jit3A = arith.constant 1.000000e+00 : f32
    %jit3A_31 = arith.constant 0.000000e+00 : f32
    %broadcast_in_dim3A = vector.broadcast %jit3A : f32 to vector<64x10000xf32>
    %broadcast_in_dim3A_32 = vector.broadcast %jit3A_31 : f32 to vector<64x10000xf32>
    %select_n3A = arith.select %eq3A_30, %broadcast_in_dim3A, %broadcast_in_dim3A_32 : vector<64x10000xi1>, vector<64x10000xf32>
    %reduce_sum3A = arith.constant dense<0.000000e+00> : vector<64xf32>
    %reduce_sum3A_33 = vector.multi_reduction <add>, %select_n3A, %reduce_sum3A [1] : vector<64x10000xf32> to vector<64xf32>
    %broadcast_in_dim3A_34 = vector.shape_cast %reduce_sum3A_33 : vector<64xf32> to vector<64x1xf32>
    %get3A_35 = arith.constant 0 : index
    %get3A_36 = arith.constant 0 : index
    %get3A_37 = vector.load %arg4[%get3A_35, %get3A_36] : memref<10112x64xf32, #tpu.memory_space<vmem>>, vector<10000x64xf32>
    %get3A_38 = arith.constant 0 : index
    %get3A_39 = arith.constant 0 : index
    %get3A_40 = vector.load %arg5[%get3A_38, %get3A_39] : memref<10112x64xf32, #tpu.memory_space<vmem>>, vector<10000x64xf32>
    %slice3A = vector.extract_strided_slice %max3A_26 {offsets = [0, 0], sizes = [10000, 64], strides = [1, 1]} : vector<10112x64xf32> to vector<10000x64xf32>
    %concatenate3A = tpu.concatenate %get3A_37, %get3A_40, %slice3A in 1 : vector<10000x64xf32>, vector<10000x64xf32>, vector<10000x64xf32> -> vector<10000x192xf32>
    %dot_general3A = arith.constant dense<0.000000e+00> : vector<64x192xf32>
    %dot_general3A_41 = tpu.matmul %select_n3A, %concatenate3A, %dot_general3A {dimension_numbers = #tpu.dot_dimension_numbers<[1], [0], [0], [1], [0, 0, 1, 1], [], []>, transpose_lhs_hint = false} : vector<64x10000xf32>, vector<10000x192xf32>, vector<64x192xf32> -> vector<64x192xf32>
    %max3A_42 = arith.constant 1.000000e+00 : f32
    %max3A_43 = vector.broadcast %max3A_42 : f32 to vector<64x1xf32>
    %max3A_44 = arith.maximumf %broadcast_in_dim3A_34, %max3A_43 : vector<64x1xf32>
    %div3A = vector.broadcast %max3A_44 : vector<64x1xf32> to vector<64x192xf32>
    %div3A_45 = arith.divf %dot_general3A_41, %div3A : vector<64x192xf32>
    %get3A_46 = arith.constant 0 : index
    %get3A_47 = arith.constant 0 : index
    %get3A_48 = vector.load %arg7[%get3A_46, %get3A_47] : memref<192x16xf32, #tpu.memory_space<vmem>>, vector<192x16xf32>
    %dot_general3A_49 = arith.constant dense<0.000000e+00> : vector<64x16xf32>
    %dot_general3A_50 = tpu.matmul %div3A_45, %get3A_48, %dot_general3A_49 {dimension_numbers = #tpu.dot_dimension_numbers<[1], [0], [0], [1], [0, 0, 1, 1], [], []>, transpose_lhs_hint = false} : vector<64x192xf32>, vector<192x16xf32>, vector<64x16xf32> -> vector<64x16xf32>
    %get3A_51 = arith.constant 0 : index
    %get3A_52 = arith.constant 0 : index
    %get3A_53 = vector.load %arg8[%get3A_51, %get3A_52] : memref<1x16xf32, #tpu.memory_space<vmem>>, vector<1x16xf32>
    %add3A_54 = vector.broadcast %get3A_53 : vector<1x16xf32> to vector<64x16xf32>
    %add3A_55 = arith.addf %dot_general3A_50, %add3A_54 : vector<64x16xf32>
    %reduce_max3A = arith.constant dense<0xFF800000> : vector<64xf32>
    %reduce_max3A_56 = vector.multi_reduction <maximumf>, %add3A_55, %reduce_max3A [1] : vector<64x16xf32> to vector<64xf32>
    %broadcast_in_dim3A_57 = vector.shape_cast %reduce_max3A_56 : vector<64xf32> to vector<64x1xf32>
    %sub3A = vector.broadcast %broadcast_in_dim3A_57 : vector<64x1xf32> to vector<64x16xf32>
    %sub3A_58 = arith.subf %add3A_55, %sub3A : vector<64x16xf32>
    %exp3A = math.exp %sub3A_58 : vector<64x16xf32>
    %reduce_sum3A_59 = arith.constant dense<0.000000e+00> : vector<64xf32>
    %reduce_sum3A_60 = vector.multi_reduction <add>, %exp3A, %reduce_sum3A_59 [1] : vector<64x16xf32> to vector<64xf32>
    %broadcast_in_dim3A_61 = vector.shape_cast %reduce_sum3A_60 : vector<64xf32> to vector<64x1xf32>
    %div3A_62 = vector.broadcast %broadcast_in_dim3A_61 : vector<64x1xf32> to vector<64x16xf32>
    %div3A_63 = arith.divf %exp3A, %div3A_62 : vector<64x16xf32>
    %swap3A = arith.constant 0 : index
    %swap3A_64 = arith.constant 0 : index
    %swap3A_65 = vector.load %arg9[%swap3A, %swap3A_64] : memref<64x16xf32, #tpu.memory_space<vmem>>, vector<64x16xf32>
    tpu.vector_store %arg9[%swap3A, %swap3A_64], %div3A_63 {strides = array<i32>} : memref<64x16xf32, #tpu.memory_space<vmem>>, vector<64x16xf32>,
    return
  }
}

</mosaic_0001>

<sc_bundles>
// kernel: kernel.10.cloned.1.call-start
scs
__scs_entry_jumppad:
0x0: {  	(pc) =	sbr.rel $0x88, $3  }
0x1: {  	(tag) =	ssettag $0x0;
	lr =	simm.s32 $0x1  }
0x2: {  	[smem:$0x3F96] =	sst lr;
	_ =	strace $0xD0000000  }
0x3: {  	_ = 	snop  }
0x4: {  	_ = 	snop  }
0x5: {  	_ = 	snop  }
0x6: {  	_ = 	snop  }
0x7: {  	_ = 	snop  }
__scs_overlays_trampoline_lowered:
0x8: {  	[smem:$0x3FA5] =	sst s0  }
0x9: {  	[smem:$0x3FA6] =	sst s1  }
0xa: {  	[smem:$0x3FA7] =	sst s2  }
0xb: {  	[smem:$0x3FA8] =	sst s3  }
0xc: {  	[smem:$0x3FA9] =	sst s4  }
0xd: {  	[smem:$0x3FAA] =	sst s5  }
0xe: {  	[smem:$0x3FAB] =	sst s6  }
0xf: {  	[smem:$0x3FAC] =	sst s7  }
0x10: {  	[smem:$0x3FAD] =	sst s8  }
0x11: {  	[smem:$0x3FAE] =	sst s9;
	s0 =	simm.s32 @!p0 $0x0  }
0x12: {  	s1 =	sld [smem:$0x3F94];
	s0 =	simm.s32 @p0 $0x1  }
0x13: {  	[smem:$0x3FAF] =	sst s0;
	s0 =	simm.s32 @!p1 $0x0  }
0x14: {  	s2 =	sld [smem:$0x3F93];
	s0 =	simm.s32 @p1 $0x1  }
0x15: {  	[smem:$0x3FB0] =	sst s0;
	s0 =	simm.s32 @!p2 $0x0  }
0x16: {  	s3 =	sld [smem:$0x3FDB];
	s0 =	simm.s32 @p2 $0x1  }
0x17: {  	s4 =	simm.s32 $0x1BF5;
	[smem:$0x3FB2] =	sst s0  }
0x18: {  	s0 =	sld [smem:$0x3F95];
	_ =	swait.ge [sflag:s4], $0x0  }
0x19: {  	s7 =	sld [smem:$0x3F96]  }
0x1a: {  	s8 =	sadd.s32 $0xFFFFE003, lr  }
0x1b: {  	s9 =	sadd.s32 $0xFFFFFEF7, lr;
	s5 =	simm.s32 $0xFFFFFFFF;
	p2 =	slt.u32 s8, $0xFFFFF086  }
0x1c: {  	p1 =	slt.u32 s9, $0xF7A;
	s5 =	simm.s32 @!p2 $0x0  }
0x1d: {  	s5 =	simm.s32 @p1 $0x1;
	p0 =	seq.s32 s7, s2  }
0x1e: {  	s7 =	smul.u32 @!p0 $0xF7A, s2;
	p2 =	seq.s32 @!p0 s5, $0x0  }
0x1f: {  	s9 =	smul.u32 $0xF7A, s1;
	s8 =	simm.s32 @!p0 $0x1BF5;
	p2 =	por !p2, p0  }
0x20: {  	[sflag:s8] =	ssyncset.s32 @!p0 $0xFFFFF086;
	s6 =	sadd.s32 @!p0 s3, s7;
	s7 =	simm.s32 @!p0 $0x108  }
0x21: {  	s3 =	sadd.s32 s3, s9;
	s6 =	sadd.s32 @!p0 $0x88, s6;
	s7 =	simm.s32 @p2 $0x1082  }
0x22: {  	[simem:s7], [sflag:s8] =	dma.local @!p0 [hbm:s6], $0xF7A  }
0x23: {  	s9 =	sor.u32 $0xD0000000, s2;
	s6 =	simm.s32 $0x108;
	_ =	swait.ge @!p0 [sflag:s8], $0x0  }
0x24: {  	s3 =	sadd.s32 $0x88, s3;
	s6 =	simm.s32 @!p1 $0x1082;
	[sflag:s4] =	ssyncset.s32 $0xFFFFF086  }
0x25: {  	[simem:s6], [sflag:s4] =	dma.local [hbm:s3], $0xF7A  }
0x26: {  	[smem:$0x3F96] =	sst s1;
	(tag) =	ssettag s2;
	_ =	strace s9  }
0x27: {  	s1 =	sld [smem:$0x3FA6]  }
0x28: {  	s2 =	sld [smem:$0x3FA7]  }
0x29: {  	s4 =	sld [smem:$0x3FA9]  }
0x2a: {  	p0 =	seq.s32 s5, $0x0;
	s5 =	sld [smem:$0x3FAA]  }
0x2b: {  	s6 =	sld [smem:$0x3FAB]  }
0x2c: {  	s7 =	sld [smem:$0x3FAC]  }
0x2d: {  	s3 =	simm.s32 $0x108;
	s8 =	sld [smem:$0x3FAD]  }
0x2e: {  	s3 =	simm.s32 @!p0 $0x1082;
	s9 =	sld [smem:$0x3FAE]  }
0x2f: {  	lr =	sadd.s32 s0, s3;
	s0 =	sld [smem:$0x3FA5]  }
0x30: {  	s3 =	sld [smem:$0x3FA8]  }
0x31: {  	[smem:$0x3FB1] =	sst s10  }
0x32: {  	s10 =	sld [smem:$0x3FAF];
	_ =	sdelay $0x3  }
0x33: {  	p0 =	seq.s32 s10, $0x1;
	s10 =	sld [smem:$0x3FB1];
	_ =	sdelay $0x3  }
0x34: {  	[smem:$0x3FB1] =	sst s10  }
0x35: {  	s10 =	sld [smem:$0x3FB0];
	_ =	sdelay $0x3  }
0x36: {  	p1 =	seq.s32 s10, $0x1;
	s10 =	sld [smem:$0x3FB1];
	_ =	sdelay $0x3  }
0x37: {  	[smem:$0x3FB1] =	sst s10  }
0x38: {  	s10 =	sld [smem:$0x3FB2]  }
0x39: {  	_ = 	snop;
	(pc) =	sbr.ind lr, $3  }
0x3a: {  	_ = 	snop  }
0x3b: {  	_ = 	snop  }
0x3c: {  	p2 =	seq.s32 s10, $0x1;
	s10 =	sld [smem:$0x3FB1]  }
0x3d: {  	_ =	shalt  }
0x3e: {  	_ =	shalt  }
0x3f: {  	_ =	shalt  }
0x40: {  	_ =	shalt  }
0x41: {  	_ =	shalt  }
0x42: {  	_ =	shalt  }
0x43: {  	_ =	shalt  }
0x44: {  	_ =	shalt  }
0x45: {  	_ =	shalt  }
0x46: {  	_ =	shalt  }
0x47: {  	_ =	shalt  }
0x48: {  	_ =	shalt  }
0x49: {  	_ =	shalt  }
0x4a: {  	_ =	shalt  }
0x4b: {  	_ =	shalt  }
0x4c: {  	_ =	shalt  }
0x4d: {  	_ =	shalt  }
0x4e: {  	_ =	shalt  }
0x4f: {  	_ =	shalt  }
0x50: {  	_ =	shalt  }
0x51: {  	_ =	shalt  }
0x52: {  	_ =	shalt  }
0x53: {  	_ =	shalt  }
0x54: {  	_ =	shalt  }
0x55: {  	_ =	shalt  }
0x56: {  	_ =	shalt  }
0x57: {  	_ =	shalt  }
0x58: {  	_ =	shalt  }
0x59: {  	_ =	shalt  }
0x5a: {  	_ =	shalt  }
0x5b: {  	_ =	shalt  }
0x5c: {  	_ =	shalt  }
0x5d: {  	_ =	shalt  }
0x5e: {  	_ =	shalt  }
0x5f: {  	_ =	shalt  }
0x60: {  	_ =	shalt  }
0x61: {  	_ =	shalt  }
0x62: {  	_ =	shalt  }
0x63: {  	_ =	shalt  }
0x64: {  	_ =	shalt  }
0x65: {  	_ =	shalt  }
0x66: {  	_ =	shalt  }
0x67: {  	_ =	shalt  }
0x68: {  	_ =	shalt  }
0x69: {  	_ =	shalt  }
0x6a: {  	_ =	shalt  }
0x6b: {  	_ =	shalt  }
0x6c: {  	_ =	shalt  }
0x6d: {  	_ =	shalt  }
0x6e: {  	_ =	shalt  }
0x6f: {  	_ =	shalt  }
0x70: {  	_ =	shalt  }
0x71: {  	_ =	shalt  }
0x72: {  	_ =	shalt  }
0x73: {  	_ =	shalt  }
0x74: {  	_ =	shalt  }
0x75: {  	_ =	shalt  }
0x76: {  	_ =	shalt  }
0x77: {  	_ =	shalt  }
0x78: {  	_ =	shalt  }
0x79: {  	_ =	shalt  }
0x7a: {  	_ =	shalt  }
0x7b: {  	_ =	shalt  }
0x7c: {  	_ =	shalt  }
0x7d: {  	_ =	shalt  }
0x7e: {  	_ =	shalt  }
0x7f: {  	_ =	shalt  }
0x80: {  	_ =	shalt  }
0x81: {  	_ =	shalt  }
0x82: {  	_ =	shalt  }
0x83: {  	_ =	shalt  }
0x84: {  	_ =	shalt  }
0x85: {  	_ =	shalt  }
0x86: {  	_ =	shalt  }
0x87: {  	_ =	shalt  }
.Lfunc_end0:
.L_simem_size_0:
called_computation_lowered:
.L_overlay_start_0:
0x88: {  	s2 =	sld [smem:$0x3FD9]  }
0x89: {  	s3 =	sld [smem:$0x3FFE];
	_ =	sdelay $0x1  }
0x8a: {  	s1 =	srdreg.scid  }
0x8b: {  	s0 =	sand.u32 $0x1, s1  }
0x8c: {  	s17 =	sshll.u32 s0, $0xA;
	s2 =	sadd.s32 s3, s2  }
0x8d: {  	s2 =	sadd.s32 s2, s17  }
0x8e: {  	[smem:$0x3FBD] =	sst s2  }
0x8f: {  	_ = 	snop  }
0x90: {  	s2 =	sld [smem:$0x3FD0];
	(tm) =	ssettm $0x1  }
0x91: {  	s18 =	sld [smem:$0x3FFB];
	_ =	sdelay $0x3  }
0x92: {  	_ =	strace s18  }
0x93: {  	s3 =	sld [smem:$0x3FFC];
	_ =	sdelay $0x3  }
0x94: {  	_ =	strace s3  }
0x95: {  	s3 =	sld [smem:$0x3FFD];
	_ =	sdelay $0x3  }
0x96: {  	_ =	strace s3  }
0x97: {  	_ =	strace $0x8FFFFFFF  }
0x98: {  	s19 =	sld [smem:$0x3FDB];
	_ =	sdelay $0x1  }
0x99: {  	s4 =	simm.s32 $_scs_section_size  }
0x9a: {  	s5 =	simm.s32 $_size__tile_overlayer_lowered;
	s6 =	simm.s32 $_tile_overlayer_lowered  }
0x9b: {  	s22 =	simm.s32 $0x1BFF;
	s21 =	sshll.u32 s6, $0x1;
	s3 =	sadd.s32 s4, s19  }
0x9c: {  	s7 =	simm.s32 $0x0;
	s20 =	sshll.u32 s5, $0x1;
	s5 =	sadd.s32 s21, s3  }
0x9d: {  	[timem:s7], [sflag:s22] =	dma.local [hbm:s5], s20  }
0x9e: {  	_ =	swait.ge [sflag:s22], s20  }
0x9f: {  	s4 =	ssub.s32 $0x0, s20;
	[sflag:s22] =	ssyncset.done $0x0  }
0xa0: {  	[sflag:s22] =	ssyncadd.s32 s4;
	_ =	sdelay $0x1  }
0xa1: {  	s23 =	simm.s32 $0x1B8B  }
0xa2: {  	_ =	swait.ge [sflag:s23], $0x1  }
0xa3: {  	[sflag:s23] =	ssyncset.done $0x0  }
0xa4: {  	s25 =	simm.s32 $0x1B8E;
	s24 =	sld [smem:$0x3FFE];
	[sflag:s23] =	ssyncadd.s32 $0xFFFFFFFF  }
0xa5: {  	s26 =	simm.s32 $execute0_lowered;
	[smem:$0x3FD2] =	sst s25  }
0xa6: {  	s5 =	sshll.u32 s26, $0x1;
	_ =	strace $0x80000046;
	[dreg:$0x1] =	wrdreg $0xFFFFFFFF  }
0xa7: {  	s28 =	simm.s32 $_size_execute0_lowered;
	s3 =	sadd.s32 s3, s5;
	[dreg:$0x0] =	wrdreg $0x0  }
0xa8: {  	s5 =	sshll.u32 s28, $0x1;
	[dreg:$0x2] =	wrdreg s3  }
0xa9: {  	[dreg:$0x3] =	wrdreg s5  }
0xaa: {  	[dreg:$0x4] =	wrdreg $0xC0  }
0xab: {  	_ =	task [dreg:s7], $0x5FFFF  }
0xac: {  	[dreg:$0x1] =	wrdreg $0xFFFFFFFF  }
0xad: {  	[dreg:$0x0] =	wrdreg $0x60  }
0xae: {  	[dreg:$0x2] =	wrdreg s24  }
0xaf: {  	[dreg:$0x3] =	wrdreg s2  }
0xb0: {  	[dreg:$0x4] =	wrdreg $0x30000  }
0xb1: {  	[dreg:$0x5] =	wrdreg $0x9  }
0xb2: {  	_ =	task.clear_ibuf [dreg:s7], $0x6FFFF;
	_ =	strace $0x90000046  }
0xb3: {  	s29 =	simm.s32 $0x9;
	_ =	strace $0x80000048  }
0xb4: {  	_ =	swait.ge [sflag:s29], $0x1  }
0xb5: {  	[sflag:s29] =	ssyncadd.s32 $0xFFFFFFFF  }
0xb6: {  	_ =	strace $0x90000048  }
0xb7: {  	_ =	sfence  }
0xb8: {  	s30 =	sld [smem:$0x0];
	_ =	sdelay $0x2  }
0xb9: {  	s31 =	sshll.u32 s1, $0xD;
	s1 =	sshrl.u32 s1, $0x2  }
0xba: {  	s3 =	sand.u32 $0x4000, s31;
	s1 =	sadd.s32 s1, s30  }
0xbb: {  	s0 =	sor.u32 s3, s0;
	s1 =	sshll.u32 s1, $0x11  }
0xbc: {  	s0 =	sor.u32 s1, s0  }
0xbd: {  	s0 =	sadd.s32 $0x8F2B, s0  }
0xbe: {  	[sflag:s0] =	ssyncadd.remote.s32 $0x1  }
0xbf: {  	_ =	sfence.sel $0xFFFF  }
0xc0: {  	[dreg:$0x0] =	wrdreg $0xFFFFFFFF;
	(pc) =	sbr.abs _section_cstart, $3  }
0xc1: {  	[dreg:$0x1] =	wrdreg $0xFFFFFFFF  }
0xc2: {  	_ =	task.clear_ibuf [dreg:s7], $0x2FFFF;
	_ =	strace $0x9FFFFFFF  }
0xc3: {  	(tm) =	ssettm $0x7FFFFFFF  }
tec
execute0_lowered:
.L_overlay_start_1:
0x0: {  	(tag) =	ssettag $0x1  }
0x1: {  	s6 =	rddreg [dreg:$0x0]  }
0x2: {  	s0 =	srdreg.scid;
	s2 =	rddreg [dreg:$0x1]  }
0x3: {  	s3 =	rddreg [dreg:$0x2];
	s4 =	simm.s32 $0x0;
	s13 =	simm.s32 $0x80  }
0x4: {  	s14 =	simm.s32 $0x0;
	s5 =	sand.u32 $0x1, s0;
	s0 =	stileid.u32  }
0x5: {  	[smem:$0x7FF] =	sst s4;
	s1 =	sshll.u32 s5, $0x4;
	s8 =	smul.u32 $0x2780, s0  }
0x6: {  	s9 =	smul.u32 $0x27800, s5;
	s5 =	ssub.s32 $0x2, s5;
	s1 =	sor.u32 s0, s1  }
0x7: {  	s31 =	sshll.u32 s0, $0x6;
	s11 =	sshrl.u32 s5, $0x1;
	s7 =	smul.u32 $0x500, s1  }
0x8: {  	s1 =	rddreg [dreg:$0x3];
	_ =	strace $0x80000047;
	s9 =	sadd.s32 s8, s9  }
0x9: {  	s10 =	sshrl.u32 s8, $0x3;
	s11 =	ssub.s32 s5, s11;
	s12 =	sadd.s32 s8, s3  }
0xa: {  	s9 =	sshrl.u32 s9, $0x3;
	s10 =	sadd.s32 s10, s6;
	s7 =	sadd.s32 s7, s6  }
0xb: {  	s9 =	sadd.s32 s9, s6;
	s5 =	sadd.s32 $0xD800, s10;
	s6 =	sor.u32 $0x1C01, s31  }
0xc: {  	s10 =	sshrl.u32 s12, $0x3;
	s12 =	simm.s32 $0x2800;
	s7 =	sadd.s32 $0x3800, s7  }
0xd: {  	s8 =	sadd.s32 $0x12800, s9;
	s9 =	smax.u32 s11, $0x1;
	s11 =	simm.s32 $0x1  }
.LBB2_1:
0xe: {  	[spmem:s10], [sflag:s6] =	dma.local [hbm:s5], $0x4F0  }
0xf: {  	_ =	swait.ge [sflag:s11], $0x4F0  }
0x10: {  	[sflag:s11] =	ssyncset.done $0x0  }
0x11: {  	[sflag:s11] =	ssyncadd.s32 $0xFFFFFB10  }
0x12: {  	[tilespmem:s12], [sflag:$0x1] =	stream.linear.gather [hbm4b:s2+s4], $0x800, $0x38;
	[tilespmem:$0x5780] =	vst v63  }
0x13: {  	_ =	swait.ge [sflag:s11], $0x800  }
0x14: {  	[sflag:s11] =	ssyncset.done $0x0  }
0x15: {  	[sflag:s11] =	ssyncadd.s32 $0xFFFFF800  }
0x16: {  	[tilespmem:s4], [sflag:$0x1] =	stream.linear.gather [hbm4b:s7+s4], $0x2800, $0x38;
	[tilespmem:$0x5780] =	vst v63  }
0x17: {  	_ =	swait.ge [sflag:s11], $0x2800  }
0x18: {  	[sflag:s11] =	ssyncset.done $0x0  }
0x19: {  	[sflag:s11] =	ssyncadd.s32 $0xFFFFD800  }
0x1a: {  	s15 =	simm.s32 $0x0;
	[bflag:$0x0] =	sbarrier.arrive $0xFFFF  }
0x1b: {  	[spmem:s3] =	stream.indirect.scatter.add.f32 [tilespmem:s12], [sflag:$0x1], $0x10, s15, s13, $0xb8;
	[tilespmem:$0x5780] =	vst v63  }
0x1c: {  	_ =	swait.ge [sflag:s11], $0x800  }
0x1d: {  	s15 =	simm.s32 $0x200;
	[sflag:s11] =	ssyncset.done $0x0  }
.LBB2_2:
0x1e: {  	s16 =	sshra.s32 s15, $0x2;
	[sflag:s11] =	ssyncadd.s32 $0xFFFFF800;
	p0 =	sne.s32 s15, $0x9E00  }
0x1f: {  	[spmem:s3] =	stream.indirect.scatter.add.f32 [tilespmem:s12], [sflag:$0x1], $0x10, s16, s13, $0xb8;
	[tilespmem:$0x5780] =	vst v63  }
.Ltmp0:
0x20: {  	_ = 	snop;
	(pc) =	sbr.rel @p0 .LBB2_2-.Ltmp0, $4  }
0x21: {  	_ = 	snop  }
0x22: {  	s15 =	sadd.s32 $0x200, s15  }
0x23: {  	_ =	swait.ge [sflag:s11], $0x800  }
0x24: {  	[sflag:s11] =	ssyncset.done $0x0  }
0x25: {  	s14 =	sadd.s32 $0x1, s14  }
0x26: {  	[sflag:s11] =	ssyncadd.s32 $0xFFFFF800;
	p0 =	sne.s32 s14, s9  }
.Ltmp1:
0x27: {  	[bflag:$0x0] =	sbarrier.arrive $0xFFFF;
	(pc) =	sbr.rel @p0 .LBB2_1-.Ltmp1, $4  }
0x28: {  	[hbm:s8], [sflag:s6] =	dma.local [spmem:s10], $0x4F0  }
0x29: {  	_ =	swait.ge [sflag:s11], $0x4F0  }
0x2a: {  	[sflag:s11] =	ssyncset.done $0x0  }
0x2b: {  	[sflag:s11] =	ssyncadd.s32 $0xFFFFFB10  }
0x2c: {  	_ =	sfence.sel $0x180000  }
0x2d: {  	[bflag:$0x0] =	sbarrier.arrive $0xFFFF  }
0x2e: {  	p0 =	sne.s32 s0, $0x0;
	_ =	strace $0x90000047  }
0x2f: {  	s0 =	sadd.s32 @!p0 $0x100000, s1;
	[bflag:$0x2] =	sbarrier.arrive $0xFFFF  }
0x30: {  	[sflag:s0] =	ssyncadd.tile.s32 @!p0 $0x1;
	_ =	shalt  }
.Lfunc_end2:
_tile_overlayer_lowered:
.L_overlay_start_2:
0x31: {  	(tag) =	ssettag $0x2  }
0x32: {  	s0 =	rddreg [dreg:$0x0];
	s2 =	stileid.u32  }
0x33: {  	s1 =	rddreg [dreg:$0x1];
	p0 =	sne.s32 s2, $0x0  }
0x34: {  	s3 =	rddreg [dreg:$0x2];
	[bflag:$0x3] =	sbarrier.arrive $0xFFFF;
	s2 =	simm.s32 @!p0 $0x1C01  }
0x35: {  	[timem:s3], [sflag:s2] =	dma.local @!p0 [hbm:s0], s1  }
0x36: {  	s0 =	simm.s32 @!p0 $0x1  }
0x37: {  	_ =	swait.ge @!p0 [sflag:s0], s1  }
0x38: {  	s1 =	ssub.s32 @!p0 $0x0, s1;
	[sflag:s0] =	ssyncset.done @!p0 $0x0  }
0x39: {  	[sflag:s0] =	ssyncadd.s32 @!p0 s1  }
0x3a: {  	[bflag:$0x3] =	sbarrier.arrive $0xFFFF  }
0x3b: {  	_ =	shalt  }

// kernel: kernel.13.cloned.1.call-start
scs
__scs_entry_jumppad:
0x0: {  	(pc) =	sbr.rel $0x88, $3  }
0x1: {  	(tag) =	ssettag $0x0;
	lr =	simm.s32 $0x1  }
0x2: {  	[smem:$0x3F96] =	sst lr;
	_ =	strace $0xD0000000  }
0x3: {  	_ = 	snop  }
0x4: {  	_ = 	snop  }
0x5: {  	_ = 	snop  }
0x6: {  	_ = 	snop  }
0x7: {  	_ = 	snop  }
__scs_overlays_trampoline_lowered:
0x8: {  	[smem:$0x3FA5] =	sst s0  }
0x9: {  	[smem:$0x3FA6] =	sst s1  }
0xa: {  	[smem:$0x3FA7] =	sst s2  }
0xb: {  	[smem:$0x3FA8] =	sst s3  }
0xc: {  	[smem:$0x3FA9] =	sst s4  }
0xd: {  	[smem:$0x3FAA] =	sst s5  }
0xe: {  	[smem:$0x3FAB] =	sst s6  }
0xf: {  	[smem:$0x3FAC] =	sst s7  }
0x10: {  	[smem:$0x3FAD] =	sst s8  }
0x11: {  	[smem:$0x3FAE] =	sst s9;
	s0 =	simm.s32 @!p0 $0x0  }
0x12: {  	s1 =	sld [smem:$0x3F94];
	s0 =	simm.s32 @p0 $0x1  }
0x13: {  	[smem:$0x3FAF] =	sst s0;
	s0 =	simm.s32 @!p1 $0x0  }
0x14: {  	s2 =	sld [smem:$0x3F93];
	s0 =	simm.s32 @p1 $0x1  }
0x15: {  	[smem:$0x3FB0] =	sst s0;
	s0 =	simm.s32 @!p2 $0x0  }
0x16: {  	s3 =	sld [smem:$0x3FDB];
	s0 =	simm.s32 @p2 $0x1  }
0x17: {  	s4 =	simm.s32 $0x1BF5;
	[smem:$0x3FB2] =	sst s0  }
0x18: {  	s0 =	sld [smem:$0x3F95];
	_ =	swait.ge [sflag:s4], $0x0  }
0x19: {  	s7 =	sld [smem:$0x3F96]  }
0x1a: {  	s8 =	sadd.s32 $0xFFFFE003, lr  }
0x1b: {  	s9 =	sadd.s32 $0xFFFFFEF7, lr;
	s5 =	simm.s32 $0xFFFFFFFF;
	p2 =	slt.u32 s8, $0xFFFFF086  }
0x1c: {  	p1 =	slt.u32 s9, $0xF7A;
	s5 =	simm.s32 @!p2 $0x0  }
0x1d: {  	s5 =	simm.s32 @p1 $0x1;
	p0 =	seq.s32 s7, s2  }
0x1e: {  	s7 =	smul.u32 @!p0 $0xF7A, s2;
	p2 =	seq.s32 @!p0 s5, $0x0  }
0x1f: {  	s9 =	smul.u32 $0xF7A, s1;
	s8 =	simm.s32 @!p0 $0x1BF5;
	p2 =	por !p2, p0  }
0x20: {  	[sflag:s8] =	ssyncset.s32 @!p0 $0xFFFFF086;
	s6 =	sadd.s32 @!p0 s3, s7;
	s7 =	simm.s32 @!p0 $0x108  }
0x21: {  	s3 =	sadd.s32 s3, s9;
	s6 =	sadd.s32 @!p0 $0x88, s6;
	s7 =	simm.s32 @p2 $0x1082  }
0x22: {  	[simem:s7], [sflag:s8] =	dma.local @!p0 [hbm:s6], $0xF7A  }
0x23: {  	s9 =	sor.u32 $0xD0000000, s2;
	s6 =	simm.s32 $0x108;
	_ =	swait.ge @!p0 [sflag:s8], $0x0  }
0x24: {  	s3 =	sadd.s32 $0x88, s3;
	s6 =	simm.s32 @!p1 $0x1082;
	[sflag:s4] =	ssyncset.s32 $0xFFFFF086  }
0x25: {  	[simem:s6], [sflag:s4] =	dma.local [hbm:s3], $0xF7A  }
0x26: {  	[smem:$0x3F96] =	sst s1;
	(tag) =	ssettag s2;
	_ =	strace s9  }
0x27: {  	s1 =	sld [smem:$0x3FA6]  }
0x28: {  	s2 =	sld [smem:$0x3FA7]  }
0x29: {  	s4 =	sld [smem:$0x3FA9]  }
0x2a: {  	p0 =	seq.s32 s5, $0x0;
	s5 =	sld [smem:$0x3FAA]  }
0x2b: {  	s6 =	sld [smem:$0x3FAB]  }
0x2c: {  	s7 =	sld [smem:$0x3FAC]  }
0x2d: {  	s3 =	simm.s32 $0x108;
	s8 =	sld [smem:$0x3FAD]  }
0x2e: {  	s3 =	simm.s32 @!p0 $0x1082;
	s9 =	sld [smem:$0x3FAE]  }
0x2f: {  	lr =	sadd.s32 s0, s3;
	s0 =	sld [smem:$0x3FA5]  }
0x30: {  	s3 =	sld [smem:$0x3FA8]  }
0x31: {  	[smem:$0x3FB1] =	sst s10  }
0x32: {  	s10 =	sld [smem:$0x3FAF];
	_ =	sdelay $0x3  }
0x33: {  	p0 =	seq.s32 s10, $0x1;
	s10 =	sld [smem:$0x3FB1];
	_ =	sdelay $0x3  }
0x34: {  	[smem:$0x3FB1] =	sst s10  }
0x35: {  	s10 =	sld [smem:$0x3FB0];
	_ =	sdelay $0x3  }
0x36: {  	p1 =	seq.s32 s10, $0x1;
	s10 =	sld [smem:$0x3FB1];
	_ =	sdelay $0x3  }
0x37: {  	[smem:$0x3FB1] =	sst s10  }
0x38: {  	s10 =	sld [smem:$0x3FB2]  }
0x39: {  	_ = 	snop;
	(pc) =	sbr.ind lr, $3  }
0x3a: {  	_ = 	snop  }
0x3b: {  	_ = 	snop  }
0x3c: {  	p2 =	seq.s32 s10, $0x1;
	s10 =	sld [smem:$0x3FB1]  }
0x3d: {  	_ =	shalt  }
0x3e: {  	_ =	shalt  }
0x3f: {  	_ =	shalt  }
0x40: {  	_ =	shalt  }
0x41: {  	_ =	shalt  }
0x42: {  	_ =	shalt  }
0x43: {  	_ =	shalt  }
0x44: {  	_ =	shalt  }
0x45: {  	_ =	shalt  }
0x46: {  	_ =	shalt  }
0x47: {  	_ =	shalt  }
0x48: {  	_ =	shalt  }
0x49: {  	_ =	shalt  }
0x4a: {  	_ =	shalt  }
0x4b: {  	_ =	shalt  }
0x4c: {  	_ =	shalt  }
0x4d: {  	_ =	shalt  }
0x4e: {  	_ =	shalt  }
0x4f: {  	_ =	shalt  }
0x50: {  	_ =	shalt  }
0x51: {  	_ =	shalt  }
0x52: {  	_ =	shalt  }
0x53: {  	_ =	shalt  }
0x54: {  	_ =	shalt  }
0x55: {  	_ =	shalt  }
0x56: {  	_ =	shalt  }
0x57: {  	_ =	shalt  }
0x58: {  	_ =	shalt  }
0x59: {  	_ =	shalt  }
0x5a: {  	_ =	shalt  }
0x5b: {  	_ =	shalt  }
0x5c: {  	_ =	shalt  }
0x5d: {  	_ =	shalt  }
0x5e: {  	_ =	shalt  }
0x5f: {  	_ =	shalt  }
0x60: {  	_ =	shalt  }
0x61: {  	_ =	shalt  }
0x62: {  	_ =	shalt  }
0x63: {  	_ =	shalt  }
0x64: {  	_ =	shalt  }
0x65: {  	_ =	shalt  }
0x66: {  	_ =	shalt  }
0x67: {  	_ =	shalt  }
0x68: {  	_ =	shalt  }
0x69: {  	_ =	shalt  }
0x6a: {  	_ =	shalt  }
0x6b: {  	_ =	shalt  }
0x6c: {  	_ =	shalt  }
0x6d: {  	_ =	shalt  }
0x6e: {  	_ =	shalt  }
0x6f: {  	_ =	shalt  }
0x70: {  	_ =	shalt  }
0x71: {  	_ =	shalt  }
0x72: {  	_ =	shalt  }
0x73: {  	_ =	shalt  }
0x74: {  	_ =	shalt  }
0x75: {  	_ =	shalt  }
0x76: {  	_ =	shalt  }
0x77: {  	_ =	shalt  }
0x78: {  	_ =	shalt  }
0x79: {  	_ =	shalt  }
0x7a: {  	_ =	shalt  }
0x7b: {  	_ =	shalt  }
0x7c: {  	_ =	shalt  }
0x7d: {  	_ =	shalt  }
0x7e: {  	_ =	shalt  }
0x7f: {  	_ =	shalt  }
0x80: {  	_ =	shalt  }
0x81: {  	_ =	shalt  }
0x82: {  	_ =	shalt  }
0x83: {  	_ =	shalt  }
0x84: {  	_ =	shalt  }
0x85: {  	_ =	shalt  }
0x86: {  	_ =	shalt  }
0x87: {  	_ =	shalt  }
.Lfunc_end0:
.L_simem_size_0:
called_computation.1_lowered:
.L_overlay_start_0:
0x88: {  	s2 =	sld [smem:$0x3FD9]  }
0x89: {  	s3 =	sld [smem:$0x3FFE];
	_ =	sdelay $0x1  }
0x8a: {  	s1 =	srdreg.scid  }
0x8b: {  	s0 =	sand.u32 $0x1, s1  }
0x8c: {  	s16 =	sshll.u32 s0, $0xA;
	s2 =	sadd.s32 s3, s2  }
0x8d: {  	s2 =	sadd.s32 s2, s16  }
0x8e: {  	[smem:$0x3FBD] =	sst s2  }
0x8f: {  	_ = 	snop  }
0x90: {  	(tm) =	ssettm $0x1  }
0x91: {  	s17 =	sld [smem:$0x3FFB];
	_ =	sdelay $0x3  }
0x92: {  	_ =	strace s17  }
0x93: {  	s2 =	sld [smem:$0x3FFC];
	_ =	sdelay $0x3  }
0x94: {  	_ =	strace s2  }
0x95: {  	s2 =	sld [smem:$0x3FFD];
	_ =	sdelay $0x3  }
0x96: {  	_ =	strace s2  }
0x97: {  	_ =	strace $0x8FFFFFFF  }
0x98: {  	s18 =	sld [smem:$0x3FDB];
	_ =	sdelay $0x1  }
0x99: {  	s19 =	simm.s32 $_scs_section_size  }
0x9a: {  	s4 =	simm.s32 $_size__tile_overlayer_lowered;
	s5 =	simm.s32 $_tile_overlayer_lowered  }
0x9b: {  	s22 =	simm.s32 $0x1BFF;
	s21 =	sshll.u32 s5, $0x1;
	s2 =	sadd.s32 s19, s18  }
0x9c: {  	s6 =	simm.s32 $0x0;
	s20 =	sshll.u32 s4, $0x1;
	s4 =	sadd.s32 s21, s2  }
0x9d: {  	[timem:s6], [sflag:s22] =	dma.local [hbm:s4], s20  }
0x9e: {  	_ =	swait.ge [sflag:s22], s20  }
0x9f: {  	s3 =	ssub.s32 $0x0, s20;
	[sflag:s22] =	ssyncset.done $0x0  }
0xa0: {  	[sflag:s22] =	ssyncadd.s32 s3;
	_ =	sdelay $0x1  }
0xa1: {  	s23 =	simm.s32 $0x1B8B  }
0xa2: {  	_ =	swait.ge [sflag:s23], $0x1  }
0xa3: {  	[sflag:s23] =	ssyncset.done $0x0  }
0xa4: {  	s25 =	simm.s32 $0x1B8E;
	s24 =	sld [smem:$0x3FFE];
	[sflag:s23] =	ssyncadd.s32 $0xFFFFFFFF  }
0xa5: {  	s26 =	simm.s32 $execute0_lowered;
	[smem:$0x3FD2] =	sst s25  }
0xa6: {  	s4 =	sshll.u32 s26, $0x1;
	_ =	strace $0x80000049;
	[dreg:$0x1] =	wrdreg $0xFFFFFFFF  }
0xa7: {  	s28 =	simm.s32 $_size_execute0_lowered;
	s2 =	sadd.s32 s2, s4;
	[dreg:$0x0] =	wrdreg $0x0  }
0xa8: {  	s4 =	sshll.u32 s28, $0x1;
	[dreg:$0x2] =	wrdreg s2  }
0xa9: {  	[dreg:$0x3] =	wrdreg s4  }
0xaa: {  	[dreg:$0x4] =	wrdreg $0xC0  }
0xab: {  	_ =	task [dreg:s6], $0x5FFFF  }
0xac: {  	[dreg:$0x1] =	wrdreg $0xFFFFFFFF  }
0xad: {  	[dreg:$0x0] =	wrdreg $0x60  }
0xae: {  	[dreg:$0x2] =	wrdreg s24  }
0xaf: {  	[dreg:$0x3] =	wrdreg $0xD8000  }
0xb0: {  	[dreg:$0x4] =	wrdreg $0x9  }
0xb1: {  	_ =	task.clear_ibuf [dreg:s6], $0x5FFFF;
	_ =	strace $0x90000049  }
0xb2: {  	s29 =	simm.s32 $0x9;
	_ =	strace $0x8000004B  }
0xb3: {  	_ =	swait.ge [sflag:s29], $0x1  }
0xb4: {  	[sflag:s29] =	ssyncadd.s32 $0xFFFFFFFF  }
0xb5: {  	_ =	strace $0x9000004B  }
0xb6: {  	_ =	sfence  }
0xb7: {  	s30 =	sld [smem:$0x0];
	_ =	sdelay $0x2  }
0xb8: {  	s31 =	sshll.u32 s1, $0xD;
	s1 =	sshrl.u32 s1, $0x2  }
0xb9: {  	s3 =	sand.u32 $0x4000, s31;
	s1 =	sadd.s32 s1, s30  }
0xba: {  	s0 =	sor.u32 s3, s0;
	s1 =	sshll.u32 s1, $0x11  }
0xbb: {  	s0 =	sor.u32 s1, s0  }
0xbc: {  	s0 =	sadd.s32 $0x8F2B, s0  }
0xbd: {  	[sflag:s0] =	ssyncadd.remote.s32 $0x1  }
0xbe: {  	_ =	sfence.sel $0xFFFF  }
0xbf: {  	[dreg:$0x0] =	wrdreg $0xFFFFFFFF;
	(pc) =	sbr.abs _section_cstart, $3  }
0xc0: {  	[dreg:$0x1] =	wrdreg $0xFFFFFFFF  }
0xc1: {  	_ =	task.clear_ibuf [dreg:s6], $0x2FFFF;
	_ =	strace $0x9FFFFFFF  }
0xc2: {  	(tm) =	ssettm $0x7FFFFFFF  }
0xc3: {  	_ =	shalt  }
tec
execute0_lowered:
.L_overlay_start_1:
0x0: {  	(tag) =	ssettag $0x1  }
0x1: {  	s5 =	rddreg [dreg:$0x0]  }
0x2: {  	s2 =	rddreg [dreg:$0x1]  }
0x3: {  	s0 =	rddreg [dreg:$0x2];
	s3 =	simm.s32 $0x0  }
0x4: {  	s1 =	stileid.u32;
	s4 =	srdreg.scid;
	s15 =	simm.s32 $0x4C00  }
0x5: {  	s16 =	simm.s32 $0x100;
	s17 =	simm.s32 $0x9800;
	s18 =	simm.s32 $0xB800  }
0x6: {  	s19 =	simm.s32 $0x1;
	s20 =	simm.s32 $0x2;
	s21 =	simm.s32 $0x4D00  }
0x7: {  	s22 =	simm.s32 $0x3;
	s23 =	simm.s32 $0x200;
	s24 =	simm.s32 $0x4  }
0x8: {  	s25 =	simm.s32 $0x300;
	s26 =	simm.s32 $0x0;
	[smem:$0x7FF] =	sst s3  }
0x9: {  	s6 =	smul.u32 $0x9E00, s1;
	s7 =	sand.u32 $0x1, s4;
	s4 =	sadd.s32 $0xD800, s5  }
0xa: {  	s9 =	sadd.s32 $0x1C600, s5;
	s10 =	sadd.s32 $0x3800, s5;
	s29 =	sshll.u32 s1, $0x6  }
0xb: {  	s30 =	smul.u32 $0x980, s1;
	s31 =	sshll.u32 s1, $0x7;
	_ =	strace $0x8000004A  }
0xc: {  	s8 =	smul.u32 $0x9E000, s7;
	s12 =	ssub.s32 $0x2, s7;
	p0 =	seq.s32 s7, $0x1  }
0xd: {  	s11 =	sshrl.u32 s6, $0x4;
	s13 =	sshrl.u32 s12, $0x1;
	s7 =	sadd.s32 s9, s30  }
0xe: {  	s11 =	sadd.s32 s11, s5;
	s8 =	sadd.s32 s6, s8;
	s6 =	sshrl.u32 s6, $0x1  }
.Ltmp0:
0xf: {  	s12 =	ssub.s32 s12, s13;
	s8 =	sshrl.u32 s8, $0x4;
	(pc) =	sbr.rel .LBB2_1-.Ltmp0, $4  }
0x10: {  	s28 =	sadd.s32 s6, s2;
	s6 =	sor.u32 $0x1C05, s29;
	s12 =	smax.u32 s12, $0x1  }
0x11: {  	s14 =	sadd.s32 s8, s5;
	s5 =	sadd.s32 $0x26600, s11;
	s11 =	sor.u32 $0x9800, s31  }
0x12: {  	s8 =	sadd.s32 s10, s30;
	s13 =	sshrl.u32 s28, $0x3;
	s9 =	sadd.s32 s9, s11  }
0x13: {  	s10 =	sadd.s32 s10, s11;
	s11 =	sadd.s32 $0x7F400, s14;
	s14 =	simm.s32 $0x5  }
.LBB2_5:
0x14: {  	[tilespmem:s3], [sflag:$0x5] =	stream.linear.gather [hbm4b:s9+s3], $0x400, $0x38;
	[tilespmem:$0x12700] =	vst v63  }
0x15: {  	_ =	swait.ge [sflag:s14], $0x400  }
0x16: {  	[sflag:s14] =	ssyncset.done $0x0  }
0x17: {  	[sflag:s14] =	ssyncadd.s32 $0xFFFFFC00  }
0x18: {  	[tilespmem:s15], [sflag:$0x5] =	stream.linear.gather [hbm4b:s10+s3], $0x400, $0x38;
	[tilespmem:$0x12700] =	vst v63  }
0x19: {  	_ =	swait.ge [sflag:s14], $0x400  }
0x1a: {  	[sflag:s14] =	ssyncset.done $0x0  }
0x1b: {  	[sflag:s14] =	ssyncadd.s32 $0xFFFFFC00  }
0x1c: {  	[tilespmem:s17], [sflag:$0x1] =	stream.indirect.gather [hbm4b:s4+s16], $0x20, s3, s16, $0xb8;
	[tilespmem:$0x12700] =	vst v63  }
0x1d: {  	_ = 	snop  }
0x1e: {  	[tilespmem:s18], [sflag:$0x2] =	stream.indirect.gather [hbm4b:s4+s16], $0x20, s16, s16, $0xb8;
	[tilespmem:$0x12700] =	vst v63  }
0x1f: {  	_ =	swait.ge [sflag:s19], $0x2000  }
0x20: {  	[sflag:s19] =	ssyncset.done $0x0  }
0x21: {  	[sflag:s19] =	ssyncadd.s32 $0xFFFFE000  }
0x22: {  	[spmem:s2] =	stream.indirect.scatter.add.bf16 [tilespmem:s17], [sflag:$0x3], $0x20, s15, s16, $0xb8;
	[tilespmem:$0x12700] =	vst v63  }
0x23: {  	_ =	swait.ge [sflag:s20], $0x2000  }
0x24: {  	[sflag:s20] =	ssyncset.done $0x0  }
0x25: {  	[sflag:s20] =	ssyncadd.s32 $0xFFFFE000  }
0x26: {  	[spmem:s2] =	stream.indirect.scatter.add.bf16 [tilespmem:s18], [sflag:$0x4], $0x20, s21, s16, $0xb8;
	[tilespmem:$0x12700] =	vst v63  }
0x27: {  	_ =	swait.ge [sflag:s22], $0x2000  }
0x28: {  	[sflag:s22] =	ssyncset.done $0x0  }
0x29: {  	[sflag:s22] =	ssyncadd.s32 $0xFFFFE000  }
0x2a: {  	[tilespmem:s17], [sflag:$0x1] =	stream.indirect.gather [hbm4b:s4+s16], $0x20, s23, s16, $0xb8;
	[tilespmem:$0x12700] =	vst v63  }
0x2b: {  	_ =	swait.ge [sflag:s24], $0x2000  }
0x2c: {  	[sflag:s24] =	ssyncset.done $0x0  }
0x2d: {  	s28 =	simm.s32 $0x4F00;
	s29 =	simm.s32 $0x4E00;
	[sflag:s24] =	ssyncadd.s32 $0xFFFFE000  }
0x2e: {  	[tilespmem:s18], [sflag:$0x2] =	stream.indirect.gather [hbm4b:s4+s16], $0x20, s25, s16, $0xb8;
	[tilespmem:$0x12700] =	vst v63  }
.LBB2_6:
0x2f: {  	_ =	swait.ge [sflag:s19], $0x2000  }
0x30: {  	[sflag:s19] =	ssyncset.done $0x0  }
0x31: {  	[sflag:s19] =	ssyncadd.s32 $0xFFFFE000  }
0x32: {  	[spmem:s2] =	stream.indirect.scatter.add.bf16 [tilespmem:s17], [sflag:$0x3], $0x20, s29, s16, $0xb8;
	[tilespmem:$0x12700] =	vst v63  }
0x33: {  	_ =	swait.ge [sflag:s20], $0x2000  }
0x34: {  	[sflag:s20] =	ssyncset.done $0x0  }
0x35: {  	[sflag:s20] =	ssyncadd.s32 $0xFFFFE000  }
0x36: {  	[spmem:s2] =	stream.indirect.scatter.add.bf16 [tilespmem:s18], [sflag:$0x4], $0x20, s28, s16, $0xb8;
	[tilespmem:$0x12700] =	vst v63  }
0x37: {  	_ =	swait.ge [sflag:s22], $0x2000  }
0x38: {  	[sflag:s22] =	ssyncset.done $0x0  }
0x39: {  	[sflag:s22] =	ssyncadd.s32 $0xFFFFE000  }
0x3a: {  	_ =	swait.ge [sflag:s24], $0x2000  }
0x3b: {  	s26 =	sadd.s32 $0x1, s26;
	[sflag:s24] =	ssyncset.done $0x0  }
0x3c: {  	p1 =	sne.s32 s26, s12;
	[sflag:s24] =	ssyncadd.s32 $0xFFFFE000  }
.Ltmp1:
0x3d: {  	[bflag:$0x0] =	sbarrier.arrive $0xFFFF;
	(pc) =	sbr.rel @!p1 .LBB2_7-.Ltmp1, $4  }
0x3e: {  	[hbm:s11], [sflag:s6] =	dma.local [spmem:s13], $0x9E0  }
0x3f: {  	_ =	swait.ge [sflag:s14], $0x9E0  }
0x40: {  	[sflag:s14] =	ssyncset.done $0x0  }
0x41: {  	[sflag:s14] =	ssyncadd.s32 $0xFFFFF620  }
.LBB2_1:
.Ltmp2:
0x42: {  	(pc) =	sbr.rel @p0 .LBB2_5-.Ltmp2, $4  }
0x43: {  	[spmem:s13], [sflag:s6] =	dma.local [hbm:s5], $0x9E0  }
0x44: {  	_ =	swait.ge [sflag:s14], $0x9E0  }
0x45: {  	[sflag:s14] =	ssyncset.done $0x0  }
0x46: {  	[sflag:s14] =	ssyncadd.s32 $0xFFFFF620  }
0x47: {  	s28 =	simm.s32 $0x0  }
0x48: {  	[tilespmem:s28], [sflag:$0x5] =	stream.linear.gather [hbm4b:s7+s28], $0x4C00, $0x38;
	[tilespmem:$0x12700] =	vst v63  }
0x49: {  	_ =	swait.ge [sflag:s14], $0x4C00  }
0x4a: {  	[sflag:s14] =	ssyncset.done $0x0  }
0x4b: {  	[sflag:s14] =	ssyncadd.s32 $0xFFFFB400  }
0x4c: {  	[tilespmem:s15], [sflag:$0x5] =	stream.linear.gather [hbm4b:s8+s28], $0x4C00, $0x38;
	[tilespmem:$0x12700] =	vst v63  }
0x4d: {  	_ =	swait.ge [sflag:s14], $0x4C00  }
0x4e: {  	[sflag:s14] =	ssyncset.done $0x0  }
0x4f: {  	[sflag:s14] =	ssyncadd.s32 $0xFFFFB400  }
0x50: {  	[tilespmem:s17], [sflag:$0x1] =	stream.indirect.gather [hbm4b:s4+s16], $0x20, s28, s16, $0xb8;
	[tilespmem:$0x12700] =	vst v63  }
0x51: {  	_ = 	snop  }
0x52: {  	[tilespmem:s18], [sflag:$0x2] =	stream.indirect.gather [hbm4b:s4+s16], $0x20, s16, s16, $0xb8;
	[tilespmem:$0x12700] =	vst v63  }
0x53: {  	_ =	swait.ge [sflag:s19], $0x2000  }
0x54: {  	[sflag:s19] =	ssyncset.done $0x0  }
0x55: {  	s28 =	simm.s32 $0x4C00;
	[sflag:s19] =	ssyncadd.s32 $0xFFFFE000  }
0x56: {  	[spmem:s2] =	stream.indirect.scatter.add.bf16 [tilespmem:s17], [sflag:$0x3], $0x20, s28, s16, $0xb8;
	[tilespmem:$0x12700] =	vst v63  }
0x57: {  	_ =	swait.ge [sflag:s20], $0x2000  }
0x58: {  	[sflag:s20] =	ssyncset.done $0x0  }
0x59: {  	s28 =	simm.s32 $0x4D00;
	[sflag:s20] =	ssyncadd.s32 $0xFFFFE000  }
0x5a: {  	[spmem:s2] =	stream.indirect.scatter.add.bf16 [tilespmem:s18], [sflag:$0x4], $0x20, s28, s16, $0xb8;
	[tilespmem:$0x12700] =	vst v63  }
0x5b: {  	_ =	swait.ge [sflag:s22], $0x2000  }
0x5c: {  	p1 =	por $0x0, $0x0;
	[sflag:s22] =	ssyncset.done $0x0  }
.Ltmp3:
0x5d: {  	s28 =	simm.s32 $0x200;
	[sflag:s22] =	ssyncadd.s32 $0xFFFFE000;
	(pc) =	sbr.rel @p1 .LBB2_4-.Ltmp3, $4  }
0x5e: {  	[tilespmem:s17], [sflag:$0x1] =	stream.indirect.gather [hbm4b:s4+s16], $0x20, s28, s16, $0xb8;
	[tilespmem:$0x12700] =	vst v63  }
0x5f: {  	_ =	swait.ge [sflag:s24], $0x2000  }
0x60: {  	[sflag:s24] =	ssyncset.done $0x0  }
0x61: {  	s29 =	simm.s32 $0x300;
	s28 =	simm.s32 $0x800;
	[sflag:s24] =	ssyncadd.s32 $0xFFFFE000  }
.LBB2_3:
0x62: {  	[tilespmem:s18], [sflag:$0x2] =	stream.indirect.gather [hbm4b:s4+s16], $0x20, s29, s16, $0xb8;
	[tilespmem:$0x12700] =	vst v63  }
0x63: {  	s29 =	smov.u32 s28  }
0x64: {  	p1 =	seq.s32 s28, $0x12000;
	s28 =	sadd.s32 $0x800, s28;
	_ =	swait.ge [sflag:s19], $0x2000  }
0x65: {  	s29 =	sshra.s32 s29, $0x2;
	[sflag:s19] =	ssyncset.done $0x0  }
0x66: {  	s30 =	sadd.s32 $0x4C00, s29;
	[sflag:s19] =	ssyncadd.s32 $0xFFFFE000  }
0x67: {  	[spmem:s2] =	stream.indirect.scatter.add.bf16 [tilespmem:s17], [sflag:$0x3], $0x20, s30, s16, $0xb8;
	[tilespmem:$0x12700] =	vst v63  }
0x68: {  	_ =	swait.ge [sflag:s20], $0x2000  }
0x69: {  	[sflag:s20] =	ssyncset.done $0x0  }
0x6a: {  	s30 =	sadd.s32 $0x4D00, s29;
	[sflag:s20] =	ssyncadd.s32 $0xFFFFE000  }
0x6b: {  	[spmem:s2] =	stream.indirect.scatter.add.bf16 [tilespmem:s18], [sflag:$0x4], $0x20, s30, s16, $0xb8;
	[tilespmem:$0x12700] =	vst v63  }
0x6c: {  	_ =	swait.ge [sflag:s22], $0x2000  }
0x6d: {  	[sflag:s22] =	ssyncset.done $0x0  }
.Ltmp4:
0x6e: {  	s30 =	sadd.s32 $0x200, s29;
	[sflag:s22] =	ssyncadd.s32 $0xFFFFE000;
	(pc) =	sbr.rel @!p1 .LBB2_3-.Ltmp4, $4  }
0x6f: {  	[tilespmem:s17], [sflag:$0x1] =	stream.indirect.gather [hbm4b:s4+s16], $0x20, s30, s16, $0xb8;
	[tilespmem:$0x12700] =	vst v63  }
0x70: {  	_ =	swait.ge [sflag:s24], $0x2000  }
0x71: {  	[sflag:s24] =	ssyncset.done $0x0  }
0x72: {  	s29 =	sadd.s32 $0x300, s29;
	[sflag:s24] =	ssyncadd.s32 $0xFFFFE000  }
.LBB2_4:
.Ltmp5:
0x73: {  	(pc) =	sbr.rel .LBB2_6-.Ltmp5, $3  }
0x74: {  	_ =	sdelay $0x1  }
0x75: {  	[tilespmem:s18], [sflag:$0x2] =	stream.indirect.gather [hbm4b:s4+s16], $0x20, s29, s16, $0xb8;
	[tilespmem:$0x12700] =	vst v63  }
0x76: {  	s28 =	simm.s32 $0x9700;
	s29 =	simm.s32 $0x9600  }
.LBB2_7:
0x77: {  	_ =	sfence.sel $0x180000  }
0x78: {  	[bflag:$0x0] =	sbarrier.arrive $0xFFFF  }
0x79: {  	p0 =	sne.s32 s1, $0x0;
	_ =	strace $0x9000004A  }
0x7a: {  	s0 =	sadd.s32 @!p0 $0x100000, s0;
	[bflag:$0x2] =	sbarrier.arrive $0xFFFF  }
0x7b: {  	[sflag:s0] =	ssyncadd.tile.s32 @!p0 $0x1;
	_ =	shalt  }
.Lfunc_end2:
_tile_overlayer_lowered:
.L_overlay_start_2:
0x7c: {  	(tag) =	ssettag $0x2  }
0x7d: {  	s0 =	rddreg [dreg:$0x0];
	s2 =	stileid.u32  }
0x7e: {  	s1 =	rddreg [dreg:$0x1];
	p0 =	sne.s32 s2, $0x0  }
0x7f: {  	s3 =	rddreg [dreg:$0x2];
	[bflag:$0x3] =	sbarrier.arrive $0xFFFF;
	s2 =	simm.s32 @!p0 $0x1C05  }
0x80: {  	[timem:s3], [sflag:s2] =	dma.local @!p0 [hbm:s0], s1  }
0x81: {  	s0 =	simm.s32 @!p0 $0x5  }
0x82: {  	_ =	swait.ge @!p0 [sflag:s0], s1  }
0x83: {  	s1 =	ssub.s32 @!p0 $0x0, s1;
	[sflag:s0] =	ssyncset.done @!p0 $0x0  }
0x84: {  	[sflag:s0] =	ssyncadd.s32 @!p0 s1  }
0x85: {  	[bflag:$0x3] =	sbarrier.arrive $0xFFFF  }
0x86: {  	_ =	shalt  }

// kernel: kernel.16.cloned.1.call-start
scs
__scs_entry_jumppad:
0x0: {  	(pc) =	sbr.rel $0x88, $3  }
0x1: {  	(tag) =	ssettag $0x0;
	lr =	simm.s32 $0x1  }
0x2: {  	[smem:$0x3F96] =	sst lr;
	_ =	strace $0xD0000000  }
0x3: {  	_ = 	snop  }
0x4: {  	_ = 	snop  }
0x5: {  	_ = 	snop  }
0x6: {  	_ = 	snop  }
0x7: {  	_ = 	snop  }
__scs_overlays_trampoline_lowered:
0x8: {  	[smem:$0x3FA5] =	sst s0  }
0x9: {  	[smem:$0x3FA6] =	sst s1  }
0xa: {  	[smem:$0x3FA7] =	sst s2  }
0xb: {  	[smem:$0x3FA8] =	sst s3  }
0xc: {  	[smem:$0x3FA9] =	sst s4  }
0xd: {  	[smem:$0x3FAA] =	sst s5  }
0xe: {  	[smem:$0x3FAB] =	sst s6  }
0xf: {  	[smem:$0x3FAC] =	sst s7  }
0x10: {  	[smem:$0x3FAD] =	sst s8  }
0x11: {  	[smem:$0x3FAE] =	sst s9;
	s0 =	simm.s32 @!p0 $0x0  }
0x12: {  	s1 =	sld [smem:$0x3F94];
	s0 =	simm.s32 @p0 $0x1  }
0x13: {  	[smem:$0x3FAF] =	sst s0;
	s0 =	simm.s32 @!p1 $0x0  }
0x14: {  	s2 =	sld [smem:$0x3F93];
	s0 =	simm.s32 @p1 $0x1  }
0x15: {  	[smem:$0x3FB0] =	sst s0;
	s0 =	simm.s32 @!p2 $0x0  }
0x16: {  	s3 =	sld [smem:$0x3FDB];
	s0 =	simm.s32 @p2 $0x1  }
0x17: {  	s4 =	simm.s32 $0x1BF5;
	[smem:$0x3FB2] =	sst s0  }
0x18: {  	s0 =	sld [smem:$0x3F95];
	_ =	swait.ge [sflag:s4], $0x0  }
0x19: {  	s7 =	sld [smem:$0x3F96]  }
0x1a: {  	s8 =	sadd.s32 $0xFFFFE003, lr  }
0x1b: {  	s9 =	sadd.s32 $0xFFFFFEF7, lr;
	s5 =	simm.s32 $0xFFFFFFFF;
	p2 =	slt.u32 s8, $0xFFFFF086  }
0x1c: {  	p1 =	slt.u32 s9, $0xF7A;
	s5 =	simm.s32 @!p2 $0x0  }
0x1d: {  	s5 =	simm.s32 @p1 $0x1;
	p0 =	seq.s32 s7, s2  }
0x1e: {  	s7 =	smul.u32 @!p0 $0xF7A, s2;
	p2 =	seq.s32 @!p0 s5, $0x0  }
0x1f: {  	s9 =	smul.u32 $0xF7A, s1;
	s8 =	simm.s32 @!p0 $0x1BF5;
	p2 =	por !p2, p0  }
0x20: {  	[sflag:s8] =	ssyncset.s32 @!p0 $0xFFFFF086;
	s6 =	sadd.s32 @!p0 s3, s7;
	s7 =	simm.s32 @!p0 $0x108  }
0x21: {  	s3 =	sadd.s32 s3, s9;
	s6 =	sadd.s32 @!p0 $0x88, s6;
	s7 =	simm.s32 @p2 $0x1082  }
0x22: {  	[simem:s7], [sflag:s8] =	dma.local @!p0 [hbm:s6], $0xF7A  }
0x23: {  	s9 =	sor.u32 $0xD0000000, s2;
	s6 =	simm.s32 $0x108;
	_ =	swait.ge @!p0 [sflag:s8], $0x0  }
0x24: {  	s3 =	sadd.s32 $0x88, s3;
	s6 =	simm.s32 @!p1 $0x1082;
	[sflag:s4] =	ssyncset.s32 $0xFFFFF086  }
0x25: {  	[simem:s6], [sflag:s4] =	dma.local [hbm:s3], $0xF7A  }
0x26: {  	[smem:$0x3F96] =	sst s1;
	(tag) =	ssettag s2;
	_ =	strace s9  }
0x27: {  	s1 =	sld [smem:$0x3FA6]  }
0x28: {  	s2 =	sld [smem:$0x3FA7]  }
0x29: {  	s4 =	sld [smem:$0x3FA9]  }
0x2a: {  	p0 =	seq.s32 s5, $0x0;
	s5 =	sld [smem:$0x3FAA]  }
0x2b: {  	s6 =	sld [smem:$0x3FAB]  }
0x2c: {  	s7 =	sld [smem:$0x3FAC]  }
0x2d: {  	s3 =	simm.s32 $0x108;
	s8 =	sld [smem:$0x3FAD]  }
0x2e: {  	s3 =	simm.s32 @!p0 $0x1082;
	s9 =	sld [smem:$0x3FAE]  }
0x2f: {  	lr =	sadd.s32 s0, s3;
	s0 =	sld [smem:$0x3FA5]  }
0x30: {  	s3 =	sld [smem:$0x3FA8]  }
0x31: {  	[smem:$0x3FB1] =	sst s10  }
0x32: {  	s10 =	sld [smem:$0x3FAF];
	_ =	sdelay $0x3  }
0x33: {  	p0 =	seq.s32 s10, $0x1;
	s10 =	sld [smem:$0x3FB1];
	_ =	sdelay $0x3  }
0x34: {  	[smem:$0x3FB1] =	sst s10  }
0x35: {  	s10 =	sld [smem:$0x3FB0];
	_ =	sdelay $0x3  }
0x36: {  	p1 =	seq.s32 s10, $0x1;
	s10 =	sld [smem:$0x3FB1];
	_ =	sdelay $0x3  }
0x37: {  	[smem:$0x3FB1] =	sst s10  }
0x38: {  	s10 =	sld [smem:$0x3FB2]  }
0x39: {  	_ = 	snop;
	(pc) =	sbr.ind lr, $3  }
0x3a: {  	_ = 	snop  }
0x3b: {  	_ = 	snop  }
0x3c: {  	p2 =	seq.s32 s10, $0x1;
	s10 =	sld [smem:$0x3FB1]  }
0x3d: {  	_ =	shalt  }
0x3e: {  	_ =	shalt  }
0x3f: {  	_ =	shalt  }
0x40: {  	_ =	shalt  }
0x41: {  	_ =	shalt  }
0x42: {  	_ =	shalt  }
0x43: {  	_ =	shalt  }
0x44: {  	_ =	shalt  }
0x45: {  	_ =	shalt  }
0x46: {  	_ =	shalt  }
0x47: {  	_ =	shalt  }
0x48: {  	_ =	shalt  }
0x49: {  	_ =	shalt  }
0x4a: {  	_ =	shalt  }
0x4b: {  	_ =	shalt  }
0x4c: {  	_ =	shalt  }
0x4d: {  	_ =	shalt  }
0x4e: {  	_ =	shalt  }
0x4f: {  	_ =	shalt  }
0x50: {  	_ =	shalt  }
0x51: {  	_ =	shalt  }
0x52: {  	_ =	shalt  }
0x53: {  	_ =	shalt  }
0x54: {  	_ =	shalt  }
0x55: {  	_ =	shalt  }
0x56: {  	_ =	shalt  }
0x57: {  	_ =	shalt  }
0x58: {  	_ =	shalt  }
0x59: {  	_ =	shalt  }
0x5a: {  	_ =	shalt  }
0x5b: {  	_ =	shalt  }
0x5c: {  	_ =	shalt  }
0x5d: {  	_ =	shalt  }
0x5e: {  	_ =	shalt  }
0x5f: {  	_ =	shalt  }
0x60: {  	_ =	shalt  }
0x61: {  	_ =	shalt  }
0x62: {  	_ =	shalt  }
0x63: {  	_ =	shalt  }
0x64: {  	_ =	shalt  }
0x65: {  	_ =	shalt  }
0x66: {  	_ =	shalt  }
0x67: {  	_ =	shalt  }
0x68: {  	_ =	shalt  }
0x69: {  	_ =	shalt  }
0x6a: {  	_ =	shalt  }
0x6b: {  	_ =	shalt  }
0x6c: {  	_ =	shalt  }
0x6d: {  	_ =	shalt  }
0x6e: {  	_ =	shalt  }
0x6f: {  	_ =	shalt  }
0x70: {  	_ =	shalt  }
0x71: {  	_ =	shalt  }
0x72: {  	_ =	shalt  }
0x73: {  	_ =	shalt  }
0x74: {  	_ =	shalt  }
0x75: {  	_ =	shalt  }
0x76: {  	_ =	shalt  }
0x77: {  	_ =	shalt  }
0x78: {  	_ =	shalt  }
0x79: {  	_ =	shalt  }
0x7a: {  	_ =	shalt  }
0x7b: {  	_ =	shalt  }
0x7c: {  	_ =	shalt  }
0x7d: {  	_ =	shalt  }
0x7e: {  	_ =	shalt  }
0x7f: {  	_ =	shalt  }
0x80: {  	_ =	shalt  }
0x81: {  	_ =	shalt  }
0x82: {  	_ =	shalt  }
0x83: {  	_ =	shalt  }
0x84: {  	_ =	shalt  }
0x85: {  	_ =	shalt  }
0x86: {  	_ =	shalt  }
0x87: {  	_ =	shalt  }
.Lfunc_end0:
.L_simem_size_0:
called_computation.2_lowered:
.L_overlay_start_0:
0x88: {  	s2 =	sld [smem:$0x3FD9]  }
0x89: {  	s3 =	sld [smem:$0x3FFE];
	_ =	sdelay $0x1  }
0x8a: {  	s1 =	srdreg.scid  }
0x8b: {  	s0 =	sand.u32 $0x1, s1  }
0x8c: {  	s16 =	sshll.u32 s0, $0xA;
	s2 =	sadd.s32 s3, s2  }
0x8d: {  	s2 =	sadd.s32 s2, s16  }
0x8e: {  	[smem:$0x3FBD] =	sst s2  }
0x8f: {  	_ = 	snop  }
0x90: {  	(tm) =	ssettm $0x1  }
0x91: {  	s17 =	sld [smem:$0x3FFB];
	_ =	sdelay $0x3  }
0x92: {  	_ =	strace s17  }
0x93: {  	s2 =	sld [smem:$0x3FFC];
	_ =	sdelay $0x3  }
0x94: {  	_ =	strace s2  }
0x95: {  	s2 =	sld [smem:$0x3FFD];
	_ =	sdelay $0x3  }
0x96: {  	_ =	strace s2  }
0x97: {  	_ =	strace $0x8FFFFFFF  }
0x98: {  	s18 =	sld [smem:$0x3FDB];
	_ =	sdelay $0x1  }
0x99: {  	s19 =	simm.s32 $_scs_section_size  }
0x9a: {  	s4 =	simm.s32 $_size__tile_overlayer_lowered;
	s5 =	simm.s32 $_tile_overlayer_lowered  }
0x9b: {  	s22 =	simm.s32 $0x1BFF;
	s21 =	sshll.u32 s5, $0x1;
	s2 =	sadd.s32 s19, s18  }
0x9c: {  	s6 =	simm.s32 $0x0;
	s20 =	sshll.u32 s4, $0x1;
	s4 =	sadd.s32 s21, s2  }
0x9d: {  	[timem:s6], [sflag:s22] =	dma.local [hbm:s4], s20  }
0x9e: {  	_ =	swait.ge [sflag:s22], s20  }
0x9f: {  	s3 =	ssub.s32 $0x0, s20;
	[sflag:s22] =	ssyncset.done $0x0  }
0xa0: {  	[sflag:s22] =	ssyncadd.s32 s3;
	_ =	sdelay $0x1  }
0xa1: {  	s23 =	simm.s32 $0x1B8B  }
0xa2: {  	_ =	swait.ge [sflag:s23], $0x1  }
0xa3: {  	[sflag:s23] =	ssyncset.done $0x0  }
0xa4: {  	s25 =	simm.s32 $0x1B8E;
	s24 =	sld [smem:$0x3FFE];
	[sflag:s23] =	ssyncadd.s32 $0xFFFFFFFF  }
0xa5: {  	s26 =	simm.s32 $execute0_lowered;
	[smem:$0x3FD2] =	sst s25  }
0xa6: {  	s4 =	sshll.u32 s26, $0x1;
	_ =	strace $0x8000004C;
	[dreg:$0x1] =	wrdreg $0xFFFFFFFF  }
0xa7: {  	s28 =	simm.s32 $_size_execute0_lowered;
	s2 =	sadd.s32 s2, s4;
	[dreg:$0x0] =	wrdreg $0x0  }
0xa8: {  	s4 =	sshll.u32 s28, $0x1;
	[dreg:$0x2] =	wrdreg s2  }
0xa9: {  	[dreg:$0x3] =	wrdreg s4  }
0xaa: {  	[dreg:$0x4] =	wrdreg $0xC0  }
0xab: {  	_ =	task [dreg:s6], $0x5FFFF  }
0xac: {  	[dreg:$0x1] =	wrdreg $0xFFFFFFFF  }
0xad: {  	[dreg:$0x0] =	wrdreg $0x60  }
0xae: {  	[dreg:$0x2] =	wrdreg s24  }
0xaf: {  	[dreg:$0x3] =	wrdreg $0xD8000  }
0xb0: {  	[dreg:$0x4] =	wrdreg $0x9  }
0xb1: {  	_ =	task.clear_ibuf [dreg:s6], $0x5FFFF;
	_ =	strace $0x9000004C  }
0xb2: {  	s29 =	simm.s32 $0x9;
	_ =	strace $0x8000004E  }
0xb3: {  	_ =	swait.ge [sflag:s29], $0x1  }
0xb4: {  	[sflag:s29] =	ssyncadd.s32 $0xFFFFFFFF  }
0xb5: {  	_ =	strace $0x9000004E  }
0xb6: {  	_ =	sfence  }
0xb7: {  	s30 =	sld [smem:$0x0];
	_ =	sdelay $0x2  }
0xb8: {  	s31 =	sshll.u32 s1, $0xD;
	s1 =	sshrl.u32 s1, $0x2  }
0xb9: {  	s3 =	sand.u32 $0x4000, s31;
	s1 =	sadd.s32 s1, s30  }
0xba: {  	s0 =	sor.u32 s3, s0;
	s1 =	sshll.u32 s1, $0x11  }
0xbb: {  	s0 =	sor.u32 s1, s0  }
0xbc: {  	s0 =	sadd.s32 $0x8F2B, s0  }
0xbd: {  	[sflag:s0] =	ssyncadd.remote.s32 $0x1  }
0xbe: {  	_ =	sfence.sel $0xFFFF  }
0xbf: {  	[dreg:$0x0] =	wrdreg $0xFFFFFFFF;
	(pc) =	sbr.abs _section_cstart, $3  }
0xc0: {  	[dreg:$0x1] =	wrdreg $0xFFFFFFFF  }
0xc1: {  	_ =	task.clear_ibuf [dreg:s6], $0x2FFFF;
	_ =	strace $0x9FFFFFFF  }
0xc2: {  	(tm) =	ssettm $0x7FFFFFFF  }
0xc3: {  	_ =	shalt  }
tec
execute0_lowered:
.L_overlay_start_1:
0x0: {  	(tag) =	ssettag $0x1  }
0x1: {  	s5 =	rddreg [dreg:$0x0]  }
0x2: {  	s2 =	rddreg [dreg:$0x1]  }
0x3: {  	s0 =	rddreg [dreg:$0x2];
	s3 =	simm.s32 $0x0  }
0x4: {  	s1 =	stileid.u32;
	s4 =	srdreg.scid;
	s15 =	simm.s32 $0x4C00  }
0x5: {  	s16 =	simm.s32 $0x100;
	s17 =	simm.s32 $0x9800;
	s18 =	simm.s32 $0xB800  }
0x6: {  	s19 =	simm.s32 $0x1;
	s20 =	simm.s32 $0x2;
	s21 =	simm.s32 $0x4D00  }
0x7: {  	s22 =	simm.s32 $0x3;
	s23 =	simm.s32 $0x200;
	s24 =	simm.s32 $0x4  }
0x8: {  	s25 =	simm.s32 $0x300;
	s26 =	simm.s32 $0x0;
	[smem:$0x7FF] =	sst s3  }
0x9: {  	s6 =	smul.u32 $0x9E00, s1;
	s7 =	sand.u32 $0x1, s4;
	s4 =	sadd.s32 $0xD800, s5  }
0xa: {  	s9 =	sadd.s32 $0x1C600, s5;
	s10 =	sadd.s32 $0x3800, s5;
	s29 =	sshll.u32 s1, $0x6  }
0xb: {  	s30 =	smul.u32 $0x980, s1;
	s31 =	sshll.u32 s1, $0x7;
	_ =	strace $0x8000004D  }
0xc: {  	s8 =	smul.u32 $0x9E000, s7;
	s12 =	ssub.s32 $0x2, s7;
	p0 =	seq.s32 s7, $0x1  }
0xd: {  	s11 =	sshrl.u32 s6, $0x4;
	s13 =	sshrl.u32 s12, $0x1;
	s7 =	sadd.s32 s9, s30  }
0xe: {  	s11 =	sadd.s32 s11, s5;
	s8 =	sadd.s32 s6, s8;
	s6 =	sshrl.u32 s6, $0x1  }
.Ltmp0:
0xf: {  	s12 =	ssub.s32 s12, s13;
	s8 =	sshrl.u32 s8, $0x4;
	(pc) =	sbr.rel .LBB2_1-.Ltmp0, $4  }
0x10: {  	s28 =	sadd.s32 s6, s2;
	s6 =	sor.u32 $0x1C05, s29;
	s12 =	smax.u32 s12, $0x1  }
0x11: {  	s14 =	sadd.s32 s8, s5;
	s5 =	sadd.s32 $0x26600, s11;
	s11 =	sor.u32 $0x9800, s31  }
0x12: {  	s8 =	sadd.s32 s10, s30;
	s13 =	sshrl.u32 s28, $0x3;
	s9 =	sadd.s32 s9, s11  }
0x13: {  	s10 =	sadd.s32 s10, s11;
	s11 =	sadd.s32 $0x7F400, s14;
	s14 =	simm.s32 $0x5  }
.LBB2_5:
0x14: {  	[tilespmem:s3], [sflag:$0x5] =	stream.linear.gather [hbm4b:s9+s3], $0x400, $0x38;
	[tilespmem:$0x12700] =	vst v63  }
0x15: {  	_ =	swait.ge [sflag:s14], $0x400  }
0x16: {  	[sflag:s14] =	ssyncset.done $0x0  }
0x17: {  	[sflag:s14] =	ssyncadd.s32 $0xFFFFFC00  }
0x18: {  	[tilespmem:s15], [sflag:$0x5] =	stream.linear.gather [hbm4b:s10+s3], $0x400, $0x38;
	[tilespmem:$0x12700] =	vst v63  }
0x19: {  	_ =	swait.ge [sflag:s14], $0x400  }
0x1a: {  	[sflag:s14] =	ssyncset.done $0x0  }
0x1b: {  	[sflag:s14] =	ssyncadd.s32 $0xFFFFFC00  }
0x1c: {  	[tilespmem:s17], [sflag:$0x1] =	stream.indirect.gather [hbm4b:s4+s16], $0x20, s3, s16, $0xb8;
	[tilespmem:$0x12700] =	vst v63  }
0x1d: {  	_ = 	snop  }
0x1e: {  	[tilespmem:s18], [sflag:$0x2] =	stream.indirect.gather [hbm4b:s4+s16], $0x20, s16, s16, $0xb8;
	[tilespmem:$0x12700] =	vst v63  }
0x1f: {  	_ =	swait.ge [sflag:s19], $0x2000  }
0x20: {  	[sflag:s19] =	ssyncset.done $0x0  }
0x21: {  	[sflag:s19] =	ssyncadd.s32 $0xFFFFE000  }
0x22: {  	[spmem:s2] =	stream.indirect.scatter.add.bf16 [tilespmem:s17], [sflag:$0x3], $0x20, s15, s16, $0xb8;
	[tilespmem:$0x12700] =	vst v63  }
0x23: {  	_ =	swait.ge [sflag:s20], $0x2000  }
0x24: {  	[sflag:s20] =	ssyncset.done $0x0  }
0x25: {  	[sflag:s20] =	ssyncadd.s32 $0xFFFFE000  }
0x26: {  	[spmem:s2] =	stream.indirect.scatter.add.bf16 [tilespmem:s18], [sflag:$0x4], $0x20, s21, s16, $0xb8;
	[tilespmem:$0x12700] =	vst v63  }
0x27: {  	_ =	swait.ge [sflag:s22], $0x2000  }
0x28: {  	[sflag:s22] =	ssyncset.done $0x0  }
0x29: {  	[sflag:s22] =	ssyncadd.s32 $0xFFFFE000  }
0x2a: {  	[tilespmem:s17], [sflag:$0x1] =	stream.indirect.gather [hbm4b:s4+s16], $0x20, s23, s16, $0xb8;
	[tilespmem:$0x12700] =	vst v63  }
0x2b: {  	_ =	swait.ge [sflag:s24], $0x2000  }
0x2c: {  	[sflag:s24] =	ssyncset.done $0x0  }
0x2d: {  	s28 =	simm.s32 $0x4F00;
	s29 =	simm.s32 $0x4E00;
	[sflag:s24] =	ssyncadd.s32 $0xFFFFE000  }
0x2e: {  	[tilespmem:s18], [sflag:$0x2] =	stream.indirect.gather [hbm4b:s4+s16], $0x20, s25, s16, $0xb8;
	[tilespmem:$0x12700] =	vst v63  }
.LBB2_6:
0x2f: {  	_ =	swait.ge [sflag:s19], $0x2000  }
0x30: {  	[sflag:s19] =	ssyncset.done $0x0  }
0x31: {  	[sflag:s19] =	ssyncadd.s32 $0xFFFFE000  }
0x32: {  	[spmem:s2] =	stream.indirect.scatter.add.bf16 [tilespmem:s17], [sflag:$0x3], $0x20, s29, s16, $0xb8;
	[tilespmem:$0x12700] =	vst v63  }
0x33: {  	_ =	swait.ge [sflag:s20], $0x2000  }
0x34: {  	[sflag:s20] =	ssyncset.done $0x0  }
0x35: {  	[sflag:s20] =	ssyncadd.s32 $0xFFFFE000  }
0x36: {  	[spmem:s2] =	stream.indirect.scatter.add.bf16 [tilespmem:s18], [sflag:$0x4], $0x20, s28, s16, $0xb8;
	[tilespmem:$0x12700] =	vst v63  }
0x37: {  	_ =	swait.ge [sflag:s22], $0x2000  }
0x38: {  	[sflag:s22] =	ssyncset.done $0x0  }
0x39: {  	[sflag:s22] =	ssyncadd.s32 $0xFFFFE000  }
0x3a: {  	_ =	swait.ge [sflag:s24], $0x2000  }
0x3b: {  	s26 =	sadd.s32 $0x1, s26;
	[sflag:s24] =	ssyncset.done $0x0  }
0x3c: {  	p1 =	sne.s32 s26, s12;
	[sflag:s24] =	ssyncadd.s32 $0xFFFFE000  }
.Ltmp1:
0x3d: {  	[bflag:$0x0] =	sbarrier.arrive $0xFFFF;
	(pc) =	sbr.rel @!p1 .LBB2_7-.Ltmp1, $4  }
0x3e: {  	[hbm:s11], [sflag:s6] =	dma.local [spmem:s13], $0x9E0  }
0x3f: {  	_ =	swait.ge [sflag:s14], $0x9E0  }
0x40: {  	[sflag:s14] =	ssyncset.done $0x0  }
0x41: {  	[sflag:s14] =	ssyncadd.s32 $0xFFFFF620  }
.LBB2_1:
.Ltmp2:
0x42: {  	(pc) =	sbr.rel @p0 .LBB2_5-.Ltmp2, $4  }
0x43: {  	[spmem:s13], [sflag:s6] =	dma.local [hbm:s5], $0x9E0  }
0x44: {  	_ =	swait.ge [sflag:s14], $0x9E0  }
0x45: {  	[sflag:s14] =	ssyncset.done $0x0  }
0x46: {  	[sflag:s14] =	ssyncadd.s32 $0xFFFFF620  }
0x47: {  	s28 =	simm.s32 $0x0  }
0x48: {  	[tilespmem:s28], [sflag:$0x5] =	stream.linear.gather [hbm4b:s7+s28], $0x4C00, $0x38;
	[tilespmem:$0x12700] =	vst v63  }
0x49: {  	_ =	swait.ge [sflag:s14], $0x4C00  }
0x4a: {  	[sflag:s14] =	ssyncset.done $0x0  }
0x4b: {  	[sflag:s14] =	ssyncadd.s32 $0xFFFFB400  }
0x4c: {  	[tilespmem:s15], [sflag:$0x5] =	stream.linear.gather [hbm4b:s8+s28], $0x4C00, $0x38;
	[tilespmem:$0x12700] =	vst v63  }
0x4d: {  	_ =	swait.ge [sflag:s14], $0x4C00  }
0x4e: {  	[sflag:s14] =	ssyncset.done $0x0  }
0x4f: {  	[sflag:s14] =	ssyncadd.s32 $0xFFFFB400  }
0x50: {  	[tilespmem:s17], [sflag:$0x1] =	stream.indirect.gather [hbm4b:s4+s16], $0x20, s28, s16, $0xb8;
	[tilespmem:$0x12700] =	vst v63  }
0x51: {  	_ = 	snop  }
0x52: {  	[tilespmem:s18], [sflag:$0x2] =	stream.indirect.gather [hbm4b:s4+s16], $0x20, s16, s16, $0xb8;
	[tilespmem:$0x12700] =	vst v63  }
0x53: {  	_ =	swait.ge [sflag:s19], $0x2000  }
0x54: {  	[sflag:s19] =	ssyncset.done $0x0  }
0x55: {  	s28 =	simm.s32 $0x4C00;
	[sflag:s19] =	ssyncadd.s32 $0xFFFFE000  }
0x56: {  	[spmem:s2] =	stream.indirect.scatter.add.bf16 [tilespmem:s17], [sflag:$0x3], $0x20, s28, s16, $0xb8;
	[tilespmem:$0x12700] =	vst v63  }
0x57: {  	_ =	swait.ge [sflag:s20], $0x2000  }
0x58: {  	[sflag:s20] =	ssyncset.done $0x0  }
0x59: {  	s28 =	simm.s32 $0x4D00;
	[sflag:s20] =	ssyncadd.s32 $0xFFFFE000  }
0x5a: {  	[spmem:s2] =	stream.indirect.scatter.add.bf16 [tilespmem:s18], [sflag:$0x4], $0x20, s28, s16, $0xb8;
	[tilespmem:$0x12700] =	vst v63  }
0x5b: {  	_ =	swait.ge [sflag:s22], $0x2000  }
0x5c: {  	p1 =	por $0x0, $0x0;
	[sflag:s22] =	ssyncset.done $0x0  }
.Ltmp3:
0x5d: {  	s28 =	simm.s32 $0x200;
	[sflag:s22] =	ssyncadd.s32 $0xFFFFE000;
	(pc) =	sbr.rel @p1 .LBB2_4-.Ltmp3, $4  }
0x5e: {  	[tilespmem:s17], [sflag:$0x1] =	stream.indirect.gather [hbm4b:s4+s16], $0x20, s28, s16, $0xb8;
	[tilespmem:$0x12700] =	vst v63  }
0x5f: {  	_ =	swait.ge [sflag:s24], $0x2000  }
0x60: {  	[sflag:s24] =	ssyncset.done $0x0  }
0x61: {  	s29 =	simm.s32 $0x300;
	s28 =	simm.s32 $0x800;
	[sflag:s24] =	ssyncadd.s32 $0xFFFFE000  }
.LBB2_3:
0x62: {  	[tilespmem:s18], [sflag:$0x2] =	stream.indirect.gather [hbm4b:s4+s16], $0x20, s29, s16, $0xb8;
	[tilespmem:$0x12700] =	vst v63  }
0x63: {  	s29 =	smov.u32 s28  }
0x64: {  	p1 =	seq.s32 s28, $0x12000;
	s28 =	sadd.s32 $0x800, s28;
	_ =	swait.ge [sflag:s19], $0x2000  }
0x65: {  	s29 =	sshra.s32 s29, $0x2;
	[sflag:s19] =	ssyncset.done $0x0  }
0x66: {  	s30 =	sadd.s32 $0x4C00, s29;
	[sflag:s19] =	ssyncadd.s32 $0xFFFFE000  }
0x67: {  	[spmem:s2] =	stream.indirect.scatter.add.bf16 [tilespmem:s17], [sflag:$0x3], $0x20, s30, s16, $0xb8;
	[tilespmem:$0x12700] =	vst v63  }
0x68: {  	_ =	swait.ge [sflag:s20], $0x2000  }
0x69: {  	[sflag:s20] =	ssyncset.done $0x0  }
0x6a: {  	s30 =	sadd.s32 $0x4D00, s29;
	[sflag:s20] =	ssyncadd.s32 $0xFFFFE000  }
0x6b: {  	[spmem:s2] =	stream.indirect.scatter.add.bf16 [tilespmem:s18], [sflag:$0x4], $0x20, s30, s16, $0xb8;
	[tilespmem:$0x12700] =	vst v63  }
0x6c: {  	_ =	swait.ge [sflag:s22], $0x2000  }
0x6d: {  	[sflag:s22] =	ssyncset.done $0x0  }
.Ltmp4:
0x6e: {  	s30 =	sadd.s32 $0x200, s29;
	[sflag:s22] =	ssyncadd.s32 $0xFFFFE000;
	(pc) =	sbr.rel @!p1 .LBB2_3-.Ltmp4, $4  }
0x6f: {  	[tilespmem:s17], [sflag:$0x1] =	stream.indirect.gather [hbm4b:s4+s16], $0x20, s30, s16, $0xb8;
	[tilespmem:$0x12700] =	vst v63  }
0x70: {  	_ =	swait.ge [sflag:s24], $0x2000  }
0x71: {  	[sflag:s24] =	ssyncset.done $0x0  }
0x72: {  	s29 =	sadd.s32 $0x300, s29;
	[sflag:s24] =	ssyncadd.s32 $0xFFFFE000  }
.LBB2_4:
.Ltmp5:
0x73: {  	(pc) =	sbr.rel .LBB2_6-.Ltmp5, $3  }
0x74: {  	_ =	sdelay $0x1  }
0x75: {  	[tilespmem:s18], [sflag:$0x2] =	stream.indirect.gather [hbm4b:s4+s16], $0x20, s29, s16, $0xb8;
	[tilespmem:$0x12700] =	vst v63  }
0x76: {  	s28 =	simm.s32 $0x9700;
	s29 =	simm.s32 $0x9600  }
.LBB2_7:
0x77: {  	_ =	sfence.sel $0x180000  }
0x78: {  	[bflag:$0x0] =	sbarrier.arrive $0xFFFF  }
0x79: {  	p0 =	sne.s32 s1, $0x0;
	_ =	strace $0x9000004D  }
0x7a: {  	s0 =	sadd.s32 @!p0 $0x100000, s0;
	[bflag:$0x2] =	sbarrier.arrive $0xFFFF  }
0x7b: {  	[sflag:s0] =	ssyncadd.tile.s32 @!p0 $0x1;
	_ =	shalt  }
.Lfunc_end2:
_tile_overlayer_lowered:
.L_overlay_start_2:
0x7c: {  	(tag) =	ssettag $0x2  }
0x7d: {  	s0 =	rddreg [dreg:$0x0];
	s2 =	stileid.u32  }
0x7e: {  	s1 =	rddreg [dreg:$0x1];
	p0 =	sne.s32 s2, $0x0  }
0x7f: {  	s3 =	rddreg [dreg:$0x2];
	[bflag:$0x3] =	sbarrier.arrive $0xFFFF;
	s2 =	simm.s32 @!p0 $0x1C05  }
0x80: {  	[timem:s3], [sflag:s2] =	dma.local @!p0 [hbm:s0], s1  }
0x81: {  	s0 =	simm.s32 @!p0 $0x5  }
0x82: {  	_ =	swait.ge @!p0 [sflag:s0], s1  }
0x83: {  	s1 =	ssub.s32 @!p0 $0x0, s1;
	[sflag:s0] =	ssyncset.done @!p0 $0x0  }
0x84: {  	[sflag:s0] =	ssyncadd.s32 @!p0 s1  }
0x85: {  	[bflag:$0x3] =	sbarrier.arrive $0xFFFF  }
0x86: {  	_ =	shalt  }

// kernel: kernel.19.cloned.1.call-start
scs
__scs_entry_jumppad:
0x0: {  	(pc) =	sbr.rel $0x88, $3  }
0x1: {  	(tag) =	ssettag $0x0;
	lr =	simm.s32 $0x1  }
0x2: {  	[smem:$0x3F96] =	sst lr;
	_ =	strace $0xD0000000  }
0x3: {  	_ = 	snop  }
0x4: {  	_ = 	snop  }
0x5: {  	_ = 	snop  }
0x6: {  	_ = 	snop  }
0x7: {  	_ = 	snop  }
__scs_overlays_trampoline_lowered:
0x8: {  	[smem:$0x3FA5] =	sst s0  }
0x9: {  	[smem:$0x3FA6] =	sst s1  }
0xa: {  	[smem:$0x3FA7] =	sst s2  }
0xb: {  	[smem:$0x3FA8] =	sst s3  }
0xc: {  	[smem:$0x3FA9] =	sst s4  }
0xd: {  	[smem:$0x3FAA] =	sst s5  }
0xe: {  	[smem:$0x3FAB] =	sst s6  }
0xf: {  	[smem:$0x3FAC] =	sst s7  }
0x10: {  	[smem:$0x3FAD] =	sst s8  }
0x11: {  	[smem:$0x3FAE] =	sst s9;
	s0 =	simm.s32 @!p0 $0x0  }
0x12: {  	s1 =	sld [smem:$0x3F94];
	s0 =	simm.s32 @p0 $0x1  }
0x13: {  	[smem:$0x3FAF] =	sst s0;
	s0 =	simm.s32 @!p1 $0x0  }
0x14: {  	s2 =	sld [smem:$0x3F93];
	s0 =	simm.s32 @p1 $0x1  }
0x15: {  	[smem:$0x3FB0] =	sst s0;
	s0 =	simm.s32 @!p2 $0x0  }
0x16: {  	s3 =	sld [smem:$0x3FDB];
	s0 =	simm.s32 @p2 $0x1  }
0x17: {  	s4 =	simm.s32 $0x1BF5;
	[smem:$0x3FB2] =	sst s0  }
0x18: {  	s0 =	sld [smem:$0x3F95];
	_ =	swait.ge [sflag:s4], $0x0  }
0x19: {  	s7 =	sld [smem:$0x3F96]  }
0x1a: {  	s8 =	sadd.s32 $0xFFFFE003, lr  }
0x1b: {  	s9 =	sadd.s32 $0xFFFFFEF7, lr;
	s5 =	simm.s32 $0xFFFFFFFF;
	p2 =	slt.u32 s8, $0xFFFFF086  }
0x1c: {  	p1 =	slt.u32 s9, $0xF7A;
	s5 =	simm.s32 @!p2 $0x0  }
0x1d: {  	s5 =	simm.s32 @p1 $0x1;
	p0 =	seq.s32 s7, s2  }
0x1e: {  	s7 =	smul.u32 @!p0 $0xF7A, s2;
	p2 =	seq.s32 @!p0 s5, $0x0  }
0x1f: {  	s9 =	smul.u32 $0xF7A, s1;
	s8 =	simm.s32 @!p0 $0x1BF5;
	p2 =	por !p2, p0  }
0x20: {  	[sflag:s8] =	ssyncset.s32 @!p0 $0xFFFFF086;
	s6 =	sadd.s32 @!p0 s3, s7;
	s7 =	simm.s32 @!p0 $0x108  }
0x21: {  	s3 =	sadd.s32 s3, s9;
	s6 =	sadd.s32 @!p0 $0x88, s6;
	s7 =	simm.s32 @p2 $0x1082  }
0x22: {  	[simem:s7], [sflag:s8] =	dma.local @!p0 [hbm:s6], $0xF7A  }
0x23: {  	s9 =	sor.u32 $0xD0000000, s2;
	s6 =	simm.s32 $0x108;
	_ =	swait.ge @!p0 [sflag:s8], $0x0  }
0x24: {  	s3 =	sadd.s32 $0x88, s3;
	s6 =	simm.s32 @!p1 $0x1082;
	[sflag:s4] =	ssyncset.s32 $0xFFFFF086  }
0x25: {  	[simem:s6], [sflag:s4] =	dma.local [hbm:s3], $0xF7A  }
0x26: {  	[smem:$0x3F96] =	sst s1;
	(tag) =	ssettag s2;
	_ =	strace s9  }
0x27: {  	s1 =	sld [smem:$0x3FA6]  }
0x28: {  	s2 =	sld [smem:$0x3FA7]  }
0x29: {  	s4 =	sld [smem:$0x3FA9]  }
0x2a: {  	p0 =	seq.s32 s5, $0x0;
	s5 =	sld [smem:$0x3FAA]  }
0x2b: {  	s6 =	sld [smem:$0x3FAB]  }
0x2c: {  	s7 =	sld [smem:$0x3FAC]  }
0x2d: {  	s3 =	simm.s32 $0x108;
	s8 =	sld [smem:$0x3FAD]  }
0x2e: {  	s3 =	simm.s32 @!p0 $0x1082;
	s9 =	sld [smem:$0x3FAE]  }
0x2f: {  	lr =	sadd.s32 s0, s3;
	s0 =	sld [smem:$0x3FA5]  }
0x30: {  	s3 =	sld [smem:$0x3FA8]  }
0x31: {  	[smem:$0x3FB1] =	sst s10  }
0x32: {  	s10 =	sld [smem:$0x3FAF];
	_ =	sdelay $0x3  }
0x33: {  	p0 =	seq.s32 s10, $0x1;
	s10 =	sld [smem:$0x3FB1];
	_ =	sdelay $0x3  }
0x34: {  	[smem:$0x3FB1] =	sst s10  }
0x35: {  	s10 =	sld [smem:$0x3FB0];
	_ =	sdelay $0x3  }
0x36: {  	p1 =	seq.s32 s10, $0x1;
	s10 =	sld [smem:$0x3FB1];
	_ =	sdelay $0x3  }
0x37: {  	[smem:$0x3FB1] =	sst s10  }
0x38: {  	s10 =	sld [smem:$0x3FB2]  }
0x39: {  	_ = 	snop;
	(pc) =	sbr.ind lr, $3  }
0x3a: {  	_ = 	snop  }
0x3b: {  	_ = 	snop  }
0x3c: {  	p2 =	seq.s32 s10, $0x1;
	s10 =	sld [smem:$0x3FB1]  }
0x3d: {  	_ =	shalt  }
0x3e: {  	_ =	shalt  }
0x3f: {  	_ =	shalt  }
0x40: {  	_ =	shalt  }
0x41: {  	_ =	shalt  }
0x42: {  	_ =	shalt  }
0x43: {  	_ =	shalt  }
0x44: {  	_ =	shalt  }
0x45: {  	_ =	shalt  }
0x46: {  	_ =	shalt  }
0x47: {  	_ =	shalt  }
0x48: {  	_ =	shalt  }
0x49: {  	_ =	shalt  }
0x4a: {  	_ =	shalt  }
0x4b: {  	_ =	shalt  }
0x4c: {  	_ =	shalt  }
0x4d: {  	_ =	shalt  }
0x4e: {  	_ =	shalt  }
0x4f: {  	_ =	shalt  }
0x50: {  	_ =	shalt  }
0x51: {  	_ =	shalt  }
0x52: {  	_ =	shalt  }
0x53: {  	_ =	shalt  }
0x54: {  	_ =	shalt  }
0x55: {  	_ =	shalt  }
0x56: {  	_ =	shalt  }
0x57: {  	_ =	shalt  }
0x58: {  	_ =	shalt  }
0x59: {  	_ =	shalt  }
0x5a: {  	_ =	shalt  }
0x5b: {  	_ =	shalt  }
0x5c: {  	_ =	shalt  }
0x5d: {  	_ =	shalt  }
0x5e: {  	_ =	shalt  }
0x5f: {  	_ =	shalt  }
0x60: {  	_ =	shalt  }
0x61: {  	_ =	shalt  }
0x62: {  	_ =	shalt  }
0x63: {  	_ =	shalt  }
0x64: {  	_ =	shalt  }
0x65: {  	_ =	shalt  }
0x66: {  	_ =	shalt  }
0x67: {  	_ =	shalt  }
0x68: {  	_ =	shalt  }
0x69: {  	_ =	shalt  }
0x6a: {  	_ =	shalt  }
0x6b: {  	_ =	shalt  }
0x6c: {  	_ =	shalt  }
0x6d: {  	_ =	shalt  }
0x6e: {  	_ =	shalt  }
0x6f: {  	_ =	shalt  }
0x70: {  	_ =	shalt  }
0x71: {  	_ =	shalt  }
0x72: {  	_ =	shalt  }
0x73: {  	_ =	shalt  }
0x74: {  	_ =	shalt  }
0x75: {  	_ =	shalt  }
0x76: {  	_ =	shalt  }
0x77: {  	_ =	shalt  }
0x78: {  	_ =	shalt  }
0x79: {  	_ =	shalt  }
0x7a: {  	_ =	shalt  }
0x7b: {  	_ =	shalt  }
0x7c: {  	_ =	shalt  }
0x7d: {  	_ =	shalt  }
0x7e: {  	_ =	shalt  }
0x7f: {  	_ =	shalt  }
0x80: {  	_ =	shalt  }
0x81: {  	_ =	shalt  }
0x82: {  	_ =	shalt  }
0x83: {  	_ =	shalt  }
0x84: {  	_ =	shalt  }
0x85: {  	_ =	shalt  }
0x86: {  	_ =	shalt  }
0x87: {  	_ =	shalt  }
.Lfunc_end0:
.L_simem_size_0:
called_computation.3_lowered:
.L_overlay_start_0:
0x88: {  	s2 =	sld [smem:$0x3FD9]  }
0x89: {  	s3 =	sld [smem:$0x3FFE];
	_ =	sdelay $0x1  }
0x8a: {  	s1 =	srdreg.scid  }
0x8b: {  	s0 =	sand.u32 $0x1, s1  }
0x8c: {  	s16 =	sshll.u32 s0, $0xA;
	s2 =	sadd.s32 s3, s2  }
0x8d: {  	s2 =	sadd.s32 s2, s16  }
0x8e: {  	[smem:$0x3FBD] =	sst s2  }
0x8f: {  	_ = 	snop  }
0x90: {  	(tm) =	ssettm $0x1  }
0x91: {  	s17 =	sld [smem:$0x3FFB];
	_ =	sdelay $0x3  }
0x92: {  	_ =	strace s17  }
0x93: {  	s2 =	sld [smem:$0x3FFC];
	_ =	sdelay $0x3  }
0x94: {  	_ =	strace s2  }
0x95: {  	s2 =	sld [smem:$0x3FFD];
	_ =	sdelay $0x3  }
0x96: {  	_ =	strace s2  }
0x97: {  	_ =	strace $0x8FFFFFFF  }
0x98: {  	s18 =	sld [smem:$0x3FDB];
	_ =	sdelay $0x1  }
0x99: {  	s19 =	simm.s32 $_scs_section_size  }
0x9a: {  	s4 =	simm.s32 $_size__tile_overlayer_lowered;
	s5 =	simm.s32 $_tile_overlayer_lowered  }
0x9b: {  	s22 =	simm.s32 $0x1BFF;
	s21 =	sshll.u32 s5, $0x1;
	s2 =	sadd.s32 s19, s18  }
0x9c: {  	s6 =	simm.s32 $0x0;
	s20 =	sshll.u32 s4, $0x1;
	s4 =	sadd.s32 s21, s2  }
0x9d: {  	[timem:s6], [sflag:s22] =	dma.local [hbm:s4], s20  }
0x9e: {  	_ =	swait.ge [sflag:s22], s20  }
0x9f: {  	s3 =	ssub.s32 $0x0, s20;
	[sflag:s22] =	ssyncset.done $0x0  }
0xa0: {  	[sflag:s22] =	ssyncadd.s32 s3;
	_ =	sdelay $0x1  }
0xa1: {  	s23 =	simm.s32 $0x1B8B  }
0xa2: {  	_ =	swait.ge [sflag:s23], $0x1  }
0xa3: {  	[sflag:s23] =	ssyncset.done $0x0  }
0xa4: {  	s25 =	simm.s32 $0x1B8E;
	s24 =	sld [smem:$0x3FFE];
	[sflag:s23] =	ssyncadd.s32 $0xFFFFFFFF  }
0xa5: {  	s26 =	simm.s32 $execute0_lowered;
	[smem:$0x3FD2] =	sst s25  }
0xa6: {  	s4 =	sshll.u32 s26, $0x1;
	_ =	strace $0x8000004F;
	[dreg:$0x1] =	wrdreg $0xFFFFFFFF  }
0xa7: {  	s28 =	simm.s32 $_size_execute0_lowered;
	s2 =	sadd.s32 s2, s4;
	[dreg:$0x0] =	wrdreg $0x0  }
0xa8: {  	s4 =	sshll.u32 s28, $0x1;
	[dreg:$0x2] =	wrdreg s2  }
0xa9: {  	[dreg:$0x3] =	wrdreg s4  }
0xaa: {  	[dreg:$0x4] =	wrdreg $0xC0  }
0xab: {  	_ =	task [dreg:s6], $0x5FFFF  }
0xac: {  	[dreg:$0x1] =	wrdreg $0xFFFFFFFF  }
0xad: {  	[dreg:$0x0] =	wrdreg $0x60  }
0xae: {  	[dreg:$0x2] =	wrdreg s24  }
0xaf: {  	[dreg:$0x3] =	wrdreg $0xD8000  }
0xb0: {  	[dreg:$0x4] =	wrdreg $0x9  }
0xb1: {  	_ =	task.clear_ibuf [dreg:s6], $0x5FFFF;
	_ =	strace $0x9000004F  }
0xb2: {  	s29 =	simm.s32 $0x9;
	_ =	strace $0x80000051  }
0xb3: {  	_ =	swait.ge [sflag:s29], $0x1  }
0xb4: {  	[sflag:s29] =	ssyncadd.s32 $0xFFFFFFFF  }
0xb5: {  	_ =	strace $0x90000051  }
0xb6: {  	_ =	sfence  }
0xb7: {  	s30 =	sld [smem:$0x0];
	_ =	sdelay $0x2  }
0xb8: {  	s31 =	sshll.u32 s1, $0xD;
	s1 =	sshrl.u32 s1, $0x2  }
0xb9: {  	s3 =	sand.u32 $0x4000, s31;
	s1 =	sadd.s32 s1, s30  }
0xba: {  	s0 =	sor.u32 s3, s0;
	s1 =	sshll.u32 s1, $0x11  }
0xbb: {  	s0 =	sor.u32 s1, s0  }
0xbc: {  	s0 =	sadd.s32 $0x8F2B, s0  }
0xbd: {  	[sflag:s0] =	ssyncadd.remote.s32 $0x1  }
0xbe: {  	_ =	sfence.sel $0xFFFF  }
0xbf: {  	[dreg:$0x0] =	wrdreg $0xFFFFFFFF;
	(pc) =	sbr.abs _section_cstart, $3  }
0xc0: {  	[dreg:$0x1] =	wrdreg $0xFFFFFFFF  }
0xc1: {  	_ =	task.clear_ibuf [dreg:s6], $0x2FFFF;
	_ =	strace $0x9FFFFFFF  }
0xc2: {  	(tm) =	ssettm $0x7FFFFFFF  }
0xc3: {  	_ =	shalt  }
tec
execute0_lowered:
.L_overlay_start_1:
0x0: {  	(tag) =	ssettag $0x1  }
0x1: {  	s5 =	rddreg [dreg:$0x0]  }
0x2: {  	s2 =	rddreg [dreg:$0x1]  }
0x3: {  	s0 =	rddreg [dreg:$0x2];
	s3 =	simm.s32 $0x0  }
0x4: {  	s1 =	stileid.u32;
	s4 =	srdreg.scid;
	s15 =	simm.s32 $0x4C00  }
0x5: {  	s16 =	simm.s32 $0x100;
	s17 =	simm.s32 $0x9800;
	s18 =	simm.s32 $0xB800  }
0x6: {  	s19 =	simm.s32 $0x1;
	s20 =	simm.s32 $0x2;
	s21 =	simm.s32 $0x4D00  }
0x7: {  	s22 =	simm.s32 $0x3;
	s23 =	simm.s32 $0x200;
	s24 =	simm.s32 $0x4  }
0x8: {  	s25 =	simm.s32 $0x300;
	s26 =	simm.s32 $0x0;
	[smem:$0x7FF] =	sst s3  }
0x9: {  	s6 =	smul.u32 $0x9E00, s1;
	s7 =	sand.u32 $0x1, s4;
	s4 =	sadd.s32 $0xD800, s5  }
0xa: {  	s9 =	sadd.s32 $0x1C600, s5;
	s10 =	sadd.s32 $0x3800, s5;
	s29 =	sshll.u32 s1, $0x6  }
0xb: {  	s30 =	smul.u32 $0x980, s1;
	s31 =	sshll.u32 s1, $0x7;
	_ =	strace $0x80000050  }
0xc: {  	s8 =	smul.u32 $0x9E000, s7;
	s12 =	ssub.s32 $0x2, s7;
	p0 =	seq.s32 s7, $0x1  }
0xd: {  	s11 =	sshrl.u32 s6, $0x4;
	s13 =	sshrl.u32 s12, $0x1;
	s7 =	sadd.s32 s9, s30  }
0xe: {  	s11 =	sadd.s32 s11, s5;
	s8 =	sadd.s32 s6, s8;
	s6 =	sshrl.u32 s6, $0x1  }
.Ltmp0:
0xf: {  	s12 =	ssub.s32 s12, s13;
	s8 =	sshrl.u32 s8, $0x4;
	(pc) =	sbr.rel .LBB2_1-.Ltmp0, $4  }
0x10: {  	s28 =	sadd.s32 s6, s2;
	s6 =	sor.u32 $0x1C05, s29;
	s12 =	smax.u32 s12, $0x1  }
0x11: {  	s14 =	sadd.s32 s8, s5;
	s5 =	sadd.s32 $0x26600, s11;
	s11 =	sor.u32 $0x9800, s31  }
0x12: {  	s8 =	sadd.s32 s10, s30;
	s13 =	sshrl.u32 s28, $0x3;
	s9 =	sadd.s32 s9, s11  }
0x13: {  	s10 =	sadd.s32 s10, s11;
	s11 =	sadd.s32 $0x7F400, s14;
	s14 =	simm.s32 $0x5  }
.LBB2_5:
0x14: {  	[tilespmem:s3], [sflag:$0x5] =	stream.linear.gather [hbm4b:s9+s3], $0x400, $0x38;
	[tilespmem:$0x12700] =	vst v63  }
0x15: {  	_ =	swait.ge [sflag:s14], $0x400  }
0x16: {  	[sflag:s14] =	ssyncset.done $0x0  }
0x17: {  	[sflag:s14] =	ssyncadd.s32 $0xFFFFFC00  }
0x18: {  	[tilespmem:s15], [sflag:$0x5] =	stream.linear.gather [hbm4b:s10+s3], $0x400, $0x38;
	[tilespmem:$0x12700] =	vst v63  }
0x19: {  	_ =	swait.ge [sflag:s14], $0x400  }
0x1a: {  	[sflag:s14] =	ssyncset.done $0x0  }
0x1b: {  	[sflag:s14] =	ssyncadd.s32 $0xFFFFFC00  }
0x1c: {  	[tilespmem:s17], [sflag:$0x1] =	stream.indirect.gather [hbm4b:s4+s16], $0x20, s3, s16, $0xb8;
	[tilespmem:$0x12700] =	vst v63  }
0x1d: {  	_ = 	snop  }
0x1e: {  	[tilespmem:s18], [sflag:$0x2] =	stream.indirect.gather [hbm4b:s4+s16], $0x20, s16, s16, $0xb8;
	[tilespmem:$0x12700] =	vst v63  }
0x1f: {  	_ =	swait.ge [sflag:s19], $0x2000  }
0x20: {  	[sflag:s19] =	ssyncset.done $0x0  }
0x21: {  	[sflag:s19] =	ssyncadd.s32 $0xFFFFE000  }
0x22: {  	[spmem:s2] =	stream.indirect.scatter.add.bf16 [tilespmem:s17], [sflag:$0x3], $0x20, s15, s16, $0xb8;
	[tilespmem:$0x12700] =	vst v63  }
0x23: {  	_ =	swait.ge [sflag:s20], $0x2000  }
0x24: {  	[sflag:s20] =	ssyncset.done $0x0  }
0x25: {  	[sflag:s20] =	ssyncadd.s32 $0xFFFFE000  }
0x26: {  	[spmem:s2] =	stream.indirect.scatter.add.bf16 [tilespmem:s18], [sflag:$0x4], $0x20, s21, s16, $0xb8;
	[tilespmem:$0x12700] =	vst v63  }
0x27: {  	_ =	swait.ge [sflag:s22], $0x2000  }
0x28: {  	[sflag:s22] =	ssyncset.done $0x0  }
0x29: {  	[sflag:s22] =	ssyncadd.s32 $0xFFFFE000  }
0x2a: {  	[tilespmem:s17], [sflag:$0x1] =	stream.indirect.gather [hbm4b:s4+s16], $0x20, s23, s16, $0xb8;
	[tilespmem:$0x12700] =	vst v63  }
0x2b: {  	_ =	swait.ge [sflag:s24], $0x2000  }
0x2c: {  	[sflag:s24] =	ssyncset.done $0x0  }
0x2d: {  	s28 =	simm.s32 $0x4F00;
	s29 =	simm.s32 $0x4E00;
	[sflag:s24] =	ssyncadd.s32 $0xFFFFE000  }
0x2e: {  	[tilespmem:s18], [sflag:$0x2] =	stream.indirect.gather [hbm4b:s4+s16], $0x20, s25, s16, $0xb8;
	[tilespmem:$0x12700] =	vst v63  }
.LBB2_6:
0x2f: {  	_ =	swait.ge [sflag:s19], $0x2000  }
0x30: {  	[sflag:s19] =	ssyncset.done $0x0  }
0x31: {  	[sflag:s19] =	ssyncadd.s32 $0xFFFFE000  }
0x32: {  	[spmem:s2] =	stream.indirect.scatter.add.bf16 [tilespmem:s17], [sflag:$0x3], $0x20, s29, s16, $0xb8;
	[tilespmem:$0x12700] =	vst v63  }
0x33: {  	_ =	swait.ge [sflag:s20], $0x2000  }
0x34: {  	[sflag:s20] =	ssyncset.done $0x0  }
0x35: {  	[sflag:s20] =	ssyncadd.s32 $0xFFFFE000  }
0x36: {  	[spmem:s2] =	stream.indirect.scatter.add.bf16 [tilespmem:s18], [sflag:$0x4], $0x20, s28, s16, $0xb8;
	[tilespmem:$0x12700] =	vst v63  }
0x37: {  	_ =	swait.ge [sflag:s22], $0x2000  }
0x38: {  	[sflag:s22] =	ssyncset.done $0x0  }
0x39: {  	[sflag:s22] =	ssyncadd.s32 $0xFFFFE000  }
0x3a: {  	_ =	swait.ge [sflag:s24], $0x2000  }
0x3b: {  	s26 =	sadd.s32 $0x1, s26;
	[sflag:s24] =	ssyncset.done $0x0  }
0x3c: {  	p1 =	sne.s32 s26, s12;
	[sflag:s24] =	ssyncadd.s32 $0xFFFFE000  }
.Ltmp1:
0x3d: {  	[bflag:$0x0] =	sbarrier.arrive $0xFFFF;
	(pc) =	sbr.rel @!p1 .LBB2_7-.Ltmp1, $4  }
0x3e: {  	[hbm:s11], [sflag:s6] =	dma.local [spmem:s13], $0x9E0  }
0x3f: {  	_ =	swait.ge [sflag:s14], $0x9E0  }
0x40: {  	[sflag:s14] =	ssyncset.done $0x0  }
0x41: {  	[sflag:s14] =	ssyncadd.s32 $0xFFFFF620  }
.LBB2_1:
.Ltmp2:
0x42: {  	(pc) =	sbr.rel @p0 .LBB2_5-.Ltmp2, $4  }
0x43: {  	[spmem:s13], [sflag:s6] =	dma.local [hbm:s5], $0x9E0  }
0x44: {  	_ =	swait.ge [sflag:s14], $0x9E0  }
0x45: {  	[sflag:s14] =	ssyncset.done $0x0  }
0x46: {  	[sflag:s14] =	ssyncadd.s32 $0xFFFFF620  }
0x47: {  	s28 =	simm.s32 $0x0  }
0x48: {  	[tilespmem:s28], [sflag:$0x5] =	stream.linear.gather [hbm4b:s7+s28], $0x4C00, $0x38;
	[tilespmem:$0x12700] =	vst v63  }
0x49: {  	_ =	swait.ge [sflag:s14], $0x4C00  }
0x4a: {  	[sflag:s14] =	ssyncset.done $0x0  }
0x4b: {  	[sflag:s14] =	ssyncadd.s32 $0xFFFFB400  }
0x4c: {  	[tilespmem:s15], [sflag:$0x5] =	stream.linear.gather [hbm4b:s8+s28], $0x4C00, $0x38;
	[tilespmem:$0x12700] =	vst v63  }
0x4d: {  	_ =	swait.ge [sflag:s14], $0x4C00  }
0x4e: {  	[sflag:s14] =	ssyncset.done $0x0  }
0x4f: {  	[sflag:s14] =	ssyncadd.s32 $0xFFFFB400  }
0x50: {  	[tilespmem:s17], [sflag:$0x1] =	stream.indirect.gather [hbm4b:s4+s16], $0x20, s28, s16, $0xb8;
	[tilespmem:$0x12700] =	vst v63  }
0x51: {  	_ = 	snop  }
0x52: {  	[tilespmem:s18], [sflag:$0x2] =	stream.indirect.gather [hbm4b:s4+s16], $0x20, s16, s16, $0xb8;
	[tilespmem:$0x12700] =	vst v63  }
0x53: {  	_ =	swait.ge [sflag:s19], $0x2000  }
0x54: {  	[sflag:s19] =	ssyncset.done $0x0  }
0x55: {  	s28 =	simm.s32 $0x4C00;
	[sflag:s19] =	ssyncadd.s32 $0xFFFFE000  }
0x56: {  	[spmem:s2] =	stream.indirect.scatter.add.bf16 [tilespmem:s17], [sflag:$0x3], $0x20, s28, s16, $0xb8;
	[tilespmem:$0x12700] =	vst v63  }
0x57: {  	_ =	swait.ge [sflag:s20], $0x2000  }
0x58: {  	[sflag:s20] =	ssyncset.done $0x0  }
0x59: {  	s28 =	simm.s32 $0x4D00;
	[sflag:s20] =	ssyncadd.s32 $0xFFFFE000  }
0x5a: {  	[spmem:s2] =	stream.indirect.scatter.add.bf16 [tilespmem:s18], [sflag:$0x4], $0x20, s28, s16, $0xb8;
	[tilespmem:$0x12700] =	vst v63  }
0x5b: {  	_ =	swait.ge [sflag:s22], $0x2000  }
0x5c: {  	p1 =	por $0x0, $0x0;
	[sflag:s22] =	ssyncset.done $0x0  }
.Ltmp3:
0x5d: {  	s28 =	simm.s32 $0x200;
	[sflag:s22] =	ssyncadd.s32 $0xFFFFE000;
	(pc) =	sbr.rel @p1 .LBB2_4-.Ltmp3, $4  }
0x5e: {  	[tilespmem:s17], [sflag:$0x1] =	stream.indirect.gather [hbm4b:s4+s16], $0x20, s28, s16, $0xb8;
	[tilespmem:$0x12700] =	vst v63  }
0x5f: {  	_ =	swait.ge [sflag:s24], $0x2000  }
0x60: {  	[sflag:s24] =	ssyncset.done $0x0  }
0x61: {  	s29 =	simm.s32 $0x300;
	s28 =	simm.s32 $0x800;
	[sflag:s24] =	ssyncadd.s32 $0xFFFFE000  }
.LBB2_3:
0x62: {  	[tilespmem:s18], [sflag:$0x2] =	stream.indirect.gather [hbm4b:s4+s16], $0x20, s29, s16, $0xb8;
	[tilespmem:$0x12700] =	vst v63  }
0x63: {  	s29 =	smov.u32 s28  }
0x64: {  	p1 =	seq.s32 s28, $0x12000;
	s28 =	sadd.s32 $0x800, s28;
	_ =	swait.ge [sflag:s19], $0x2000  }
0x65: {  	s29 =	sshra.s32 s29, $0x2;
	[sflag:s19] =	ssyncset.done $0x0  }
0x66: {  	s30 =	sadd.s32 $0x4C00, s29;
	[sflag:s19] =	ssyncadd.s32 $0xFFFFE000  }
0x67: {  	[spmem:s2] =	stream.indirect.scatter.add.bf16 [tilespmem:s17], [sflag:$0x3], $0x20, s30, s16, $0xb8;
	[tilespmem:$0x12700] =	vst v63  }
0x68: {  	_ =	swait.ge [sflag:s20], $0x2000  }
0x69: {  	[sflag:s20] =	ssyncset.done $0x0  }
0x6a: {  	s30 =	sadd.s32 $0x4D00, s29;
	[sflag:s20] =	ssyncadd.s32 $0xFFFFE000  }
0x6b: {  	[spmem:s2] =	stream.indirect.scatter.add.bf16 [tilespmem:s18], [sflag:$0x4], $0x20, s30, s16, $0xb8;
	[tilespmem:$0x12700] =	vst v63  }
0x6c: {  	_ =	swait.ge [sflag:s22], $0x2000  }
0x6d: {  	[sflag:s22] =	ssyncset.done $0x0  }
.Ltmp4:
0x6e: {  	s30 =	sadd.s32 $0x200, s29;
	[sflag:s22] =	ssyncadd.s32 $0xFFFFE000;
	(pc) =	sbr.rel @!p1 .LBB2_3-.Ltmp4, $4  }
0x6f: {  	[tilespmem:s17], [sflag:$0x1] =	stream.indirect.gather [hbm4b:s4+s16], $0x20, s30, s16, $0xb8;
	[tilespmem:$0x12700] =	vst v63  }
0x70: {  	_ =	swait.ge [sflag:s24], $0x2000  }
0x71: {  	[sflag:s24] =	ssyncset.done $0x0  }
0x72: {  	s29 =	sadd.s32 $0x300, s29;
	[sflag:s24] =	ssyncadd.s32 $0xFFFFE000  }
.LBB2_4:
.Ltmp5:
0x73: {  	(pc) =	sbr.rel .LBB2_6-.Ltmp5, $3  }
0x74: {  	_ =	sdelay $0x1  }
0x75: {  	[tilespmem:s18], [sflag:$0x2] =	stream.indirect.gather [hbm4b:s4+s16], $0x20, s29, s16, $0xb8;
	[tilespmem:$0x12700] =	vst v63  }
0x76: {  	s28 =	simm.s32 $0x9700;
	s29 =	simm.s32 $0x9600  }
.LBB2_7:
0x77: {  	_ =	sfence.sel $0x180000  }
0x78: {  	[bflag:$0x0] =	sbarrier.arrive $0xFFFF  }
0x79: {  	p0 =	sne.s32 s1, $0x0;
	_ =	strace $0x90000050  }
0x7a: {  	s0 =	sadd.s32 @!p0 $0x100000, s0;
	[bflag:$0x2] =	sbarrier.arrive $0xFFFF  }
0x7b: {  	[sflag:s0] =	ssyncadd.tile.s32 @!p0 $0x1;
	_ =	shalt  }
.Lfunc_end2:
_tile_overlayer_lowered:
.L_overlay_start_2:
0x7c: {  	(tag) =	ssettag $0x2  }
0x7d: {  	s0 =	rddreg [dreg:$0x0];
	s2 =	stileid.u32  }
0x7e: {  	s1 =	rddreg [dreg:$0x1];
	p0 =	sne.s32 s2, $0x0  }
0x7f: {  	s3 =	rddreg [dreg:$0x2];
	[bflag:$0x3] =	sbarrier.arrive $0xFFFF;
	s2 =	simm.s32 @!p0 $0x1C05  }
0x80: {  	[timem:s3], [sflag:s2] =	dma.local @!p0 [hbm:s0], s1  }
0x81: {  	s0 =	simm.s32 @!p0 $0x5  }
0x82: {  	_ =	swait.ge @!p0 [sflag:s0], s1  }
0x83: {  	s1 =	ssub.s32 @!p0 $0x0, s1;
	[sflag:s0] =	ssyncset.done @!p0 $0x0  }
0x84: {  	[sflag:s0] =	ssyncadd.s32 @!p0 s1  }
0x85: {  	[bflag:$0x3] =	sbarrier.arrive $0xFFFF  }
0x86: {  	_ =	shalt  }

</sc_bundles>
